<compile_context>
chip_gen: v7x
topology: tpu7x:2x2x1
jax: 0.10.2.dev20260603
libtpu: 0.0.44.dev20260713+nightly
codegen_flags: <defaults>
</compile_context>

<pallas_src>
import functools

import jax
import jax.numpy as jnp
from jax import lax
from jax.experimental import pallas as pl
from jax.experimental.pallas import tpu as pltpu
from jax.experimental.pallas import tpu_sc as plsc

VOCAB = 1000000
EMBED = 64
BATCH = 4096
SEQ = 200
LANES = 128

NUM_IDX = BATCH * SEQ
NUM_WORKERS = 32
GATHER_WINDOW = 128
NUM_BUF = 4

RELAYOUT_VC = 16384


def _relayout_body(x_ref, o_ref):
    x = x_ref[...]
    o_ref[...] = jnp.concatenate(
        [jnp.transpose(x, (1, 0)), jnp.zeros((RELAYOUT_VC, EMBED), x.dtype)],
        axis=1,
    )


def _tc_relayout(tbl_t):
    grid = pl.cdiv(VOCAB, RELAYOUT_VC)
    return pl.pallas_call(
        _relayout_body,
        grid=(grid,),
        in_specs=[pl.BlockSpec((EMBED, RELAYOUT_VC), lambda i: (0, i))],
        out_specs=pl.BlockSpec((RELAYOUT_VC, LANES), lambda i: (i, 0)),
        out_shape=jax.ShapeDtypeStruct((VOCAB, LANES), jnp.float32),
    )(tbl_t)


K_CHUNKS = 5
CHUNK_S = SEQ // K_CHUNKS
CHUNK_N = CHUNK_S * BATCH
CH_PER_WORKER = CHUNK_N // NUM_WORKERS
CH_NUM_WIN = CH_PER_WORKER // GATHER_WINDOW


def _sc_gather_chunk(table128, idx_chunk):
    mesh = plsc.VectorSubcoreMesh(core_axis_name="c", subcore_axis_name="s")
    w_sz = GATHER_WINDOW
    nbuf = NUM_BUF

    @functools.partial(
        pl.kernel,
        mesh=mesh,
        out_type=jax.ShapeDtypeStruct((CHUNK_N, LANES), jnp.float32),
        scratch_types=[
            pltpu.VMEM((CH_PER_WORKER,), jnp.int32),
            [pltpu.VMEM((w_sz, LANES), jnp.float32) for _ in range(nbuf)],
            [pltpu.SemaphoreType.DMA for _ in range(nbuf)],
            [pltpu.SemaphoreType.DMA for _ in range(nbuf)],
        ],
    )
    def gather_kernel(table_hbm, idx_hbm, out_hbm, idx_v, rows, gsems, wsems):
        wid = lax.axis_index("s") * 2 + lax.axis_index("c")
        base = wid * CH_PER_WORKER
        pltpu.sync_copy(idx_hbm.at[pl.ds(base, CH_PER_WORKER)], idx_v)

        def start_g(w, b):
            pltpu.async_copy(
                table_hbm.at[idx_v.at[pl.ds(w * w_sz, w_sz)]],
                rows[b], gsems[b],
            )

        def wait_g(b):
            pltpu.make_async_copy(
                table_hbm.at[idx_v.at[pl.ds(0, w_sz)]], rows[b], gsems[b]
            ).wait()

        def start_w(w, b):
            pltpu.async_copy(
                rows[b], out_hbm.at[pl.ds(base + w * w_sz, w_sz)], wsems[b]
            )

        def wait_w(b):
            pltpu.make_async_copy(
                table_hbm.at[idx_v.at[pl.ds(0, w_sz)]], rows[b], wsems[b]
            ).wait()

        for b in range(nbuf):
            start_g(b, b)

        @pl.loop(0, CH_NUM_WIN - nbuf, step=nbuf)
        def _(w):
            for b in range(nbuf):
                wait_g(b)
                start_w(w + b, b)
            for b in range(nbuf):
                wait_w(b)
                start_g(w + nbuf + b, b)

        for b in range(nbuf):
            wait_g(b)
            start_w(CH_NUM_WIN - nbuf + b, b)
        for b in range(nbuf):
            wait_w(b)

    return gather_kernel(table128, idx_chunk)


OT_SS = 8
OT_BB = 1024
OT_GRID_S = CHUNK_S // OT_SS


def _ot_first_body(x_ref, o_ref):
    o_ref[...] = jnp.transpose(x_ref[...][:, :, :EMBED], (2, 0, 1))


def _ot_chunk_body(x_ref, carry_ref, o_ref):
    del carry_ref
    o_ref[...] = jnp.transpose(x_ref[...][:, :, :EMBED], (2, 0, 1))


def _tc_ot_chunk(gathered_3d, carry, k):
    out_shape = jax.ShapeDtypeStruct((EMBED, SEQ, BATCH), jnp.float32)
    out_spec = pl.BlockSpec(
        (EMBED, OT_SS, OT_BB),
        lambda i, j, k=k: (0, k * OT_GRID_S + i, j),
    )
    in_spec = pl.BlockSpec((OT_SS, OT_BB, LANES), lambda i, j: (i, j, 0))
    grid = (OT_GRID_S, BATCH // OT_BB)
    if carry is None:
        return pl.pallas_call(
            _ot_first_body,
            grid=grid,
            in_specs=[in_spec],
            out_specs=out_spec,
            out_shape=out_shape,
        )(gathered_3d)
    return pl.pallas_call(
        _ot_chunk_body,
        grid=grid,
        in_specs=[
            in_spec,
            pl.BlockSpec(memory_space=pltpu.MemorySpace.HBM),
        ],
        out_specs=out_spec,
        out_shape=out_shape,
        input_output_aliases={1: 0},
    )(gathered_3d, carry)


def kernel(inputs, table):
    idx_flat = jnp.transpose(inputs).reshape(NUM_IDX).astype(jnp.int32)
    idx_chunks = idx_flat.reshape(K_CHUNKS, CHUNK_N)
    tbl_t = jnp.transpose(table)
    table128 = _tc_relayout(tbl_t)
    carry = None
    for k in range(K_CHUNKS):
        g = _sc_gather_chunk(table128, idx_chunks[k])
        carry = _tc_ot_chunk(g.reshape(CHUNK_S, BATCH, LANES), carry, k)
    return jnp.transpose(carry, (2, 0, 1))

# --- scband reference (transcript-rebuilt; emitter-appended) ---
"""Pipeline reference for scband-transpose-embed-77060303225495 (READ-ONLY COPY).

The authoritative reference and input builder live on the scoring server;
editing this copy changes nothing except your own understanding.
"""

import jax, jax.numpy as jnp
import numpy as np

VOCAB = 1000000
EMBED = 64
BATCH = 4096
SEQ = 200

def setup_inputs(seed: int = 0) -> dict:
    key = jax.random.key(seed)
    k_idx, k_tab = jax.random.split(key)
    inputs = jax.random.randint(k_idx, (BATCH, SEQ), 0, VOCAB, dtype=jnp.int64 if jax.config.jax_enable_x64 else jnp.int32)
    table = jax.random.normal(k_tab, (VOCAB, EMBED), dtype=jnp.float32) * 0.02
    return {"inputs": inputs, "table": table}

def reference(inputs, table):
    # nn.Embedding lookup: [B, S] -> [B, S, E]
    emb = jnp.take(table, inputs, axis=0)
    # permute(0, 2, 1): [B, S, E] -> [B, E, S]
    return jnp.transpose(emb, (0, 2, 1))

if __name__ == "__main__":
    import jax
    _d = setup_inputs()
    print(jax.jit(kernel)(*tuple(_d.values())))

</pallas_src>

<mosaic_0001>
#map = affine_map<(d0, d1) -> (0, 0)>
#map1 = affine_map<(d0, d1) -> (0)>
module attributes {stable_mosaic.version = 14 : i64} {
  func.func @gather_kernel(%arg0: i32, %arg1: i32, %arg2: memref<1000000x128xf32, #tpu.memory_space<hbm>>, %arg3: memref<163840xi32, #tpu.memory_space<hbm>>, %arg4: memref<163840x128xf32, #tpu.memory_space<hbm>>, %arg5: memref<5120xi32, #tpu.memory_space<vmem>>, %arg6: memref<128x128xf32, #tpu.memory_space<vmem>>, %arg7: memref<128x128xf32, #tpu.memory_space<vmem>>, %arg8: memref<128x128xf32, #tpu.memory_space<vmem>>, %arg9: memref<128x128xf32, #tpu.memory_space<vmem>>, %arg10: memref<!tpu.dma_semaphore, #tpu.memory_space<semaphore_mem>>, %arg11: memref<!tpu.dma_semaphore, #tpu.memory_space<semaphore_mem>>, %arg12: memref<!tpu.dma_semaphore, #tpu.memory_space<semaphore_mem>>, %arg13: memref<!tpu.dma_semaphore, #tpu.memory_space<semaphore_mem>>, %arg14: memref<!tpu.dma_semaphore, #tpu.memory_space<semaphore_mem>>, %arg15: memref<!tpu.dma_semaphore, #tpu.memory_space<semaphore_mem>>, %arg16: memref<!tpu.dma_semaphore, #tpu.memory_space<semaphore_mem>>, %arg17: memref<!tpu.dma_semaphore, #tpu.memory_space<semaphore_mem>>) attributes {dimension_semantics = [#tpu.dimension_semantics<core_parallel>, #tpu.dimension_semantics<subcore_parallel>], iteration_bounds = array<i64: 2, 16>, scalar_prefetch = 0 : i64, scratch_operands = 13 : i64, tpu.core_type = #tpu.core_type<sc_vector_subcore>, window_params = [{transform_indices = #map}, {transform_indices = #map1}, {transform_indices = #map}]} {
    %mul3A = arith.constant 2 : i32
    %mul3A_0 = arith.muli %arg1, %mul3A : i32
    %add3A = arith.addi %mul3A_0, %arg0 : i32
    %mul3A_1 = arith.constant 5120 : i32
    %mul3A_2 = arith.muli %add3A, %mul3A_1 : i32
    "tpu.region"() ({
      %run_scoped3A = tpu.sem_alloc : memref<!tpu.dma_semaphore, #tpu.memory_space<semaphore_mem>>
      %dma_start3A_89 = tpu.memref_slice %arg3[%mul3A_2] : memref<163840xi32, #tpu.memory_space<hbm>> -> memref<5120xi32, #tpu.memory_space<hbm>>
      %dma_start3A_90 = tpu.memref_slice %arg3[%mul3A_2] : memref<163840xi32, #tpu.memory_space<hbm>> -> memref<5120xi32, #tpu.memory_space<hbm>>
      tpu.enqueue_dma source(%dma_start3A_90 : memref<5120xi32, #tpu.memory_space<hbm>>) target(%arg5 : memref<5120xi32, #tpu.memory_space<vmem>>) target_semaphore(%run_scoped3A : memref<!tpu.dma_semaphore, #tpu.memory_space<semaphore_mem>>)
      %dma_wait3A_91 = tpu.memref_slice %arg3[%mul3A_2] : memref<163840xi32, #tpu.memory_space<hbm>> -> memref<5120xi32, #tpu.memory_space<hbm>>
      %dma_wait3A_92 = tpu.memref_slice %arg3[%mul3A_2] : memref<163840xi32, #tpu.memory_space<hbm>> -> memref<5120xi32, #tpu.memory_space<hbm>>
      tpu.wait_dma2 semaphore(%run_scoped3A : memref<!tpu.dma_semaphore, #tpu.memory_space<semaphore_mem>>) src(%dma_wait3A_92 : memref<5120xi32, #tpu.memory_space<hbm>>) dst(%arg5 : memref<5120xi32, #tpu.memory_space<vmem>>)
      tpu.yield
    }) : () -> ()
    %dma_start3A = arith.constant 0 : i32
    %dma_start3A_3 = tpu.memref_slice %arg5[%dma_start3A] : memref<5120xi32, #tpu.memory_space<vmem>> -> memref<128xi32, #tpu.memory_space<vmem>>
    %dma_start3A_4 = arith.constant 0 : i32
    %dma_start3A_5 = arith.constant 0 : i32
    %dma_start3A_6 = tpu.memref_slice %arg2[%dma_start3A_4, %dma_start3A_5] : memref<1000000x128xf32, #tpu.memory_space<hbm>> -> memref<1000000x128xf32, #tpu.memory_space<hbm>>
    tpu.enqueue_indirect_dma source(%dma_start3A_6 : memref<1000000x128xf32, #tpu.memory_space<hbm>>) target(%arg6 : memref<128x128xf32, #tpu.memory_space<vmem>>) offsets(%dma_start3A_3 : memref<128xi32, #tpu.memory_space<vmem>>) semaphore(%arg10 : memref<!tpu.dma_semaphore, #tpu.memory_space<semaphore_mem>>)
    %dma_start3A_7 = arith.constant 128 : i32
    %dma_start3A_8 = tpu.memref_slice %arg5[%dma_start3A_7] : memref<5120xi32, #tpu.memory_space<vmem>> -> memref<128xi32, #tpu.memory_space<vmem>>
    %dma_start3A_9 = arith.constant 0 : i32
    %dma_start3A_10 = arith.constant 0 : i32
    %dma_start3A_11 = tpu.memref_slice %arg2[%dma_start3A_9, %dma_start3A_10] : memref<1000000x128xf32, #tpu.memory_space<hbm>> -> memref<1000000x128xf32, #tpu.memory_space<hbm>>
    tpu.enqueue_indirect_dma source(%dma_start3A_11 : memref<1000000x128xf32, #tpu.memory_space<hbm>>) target(%arg7 : memref<128x128xf32, #tpu.memory_space<vmem>>) offsets(%dma_start3A_8 : memref<128xi32, #tpu.memory_space<vmem>>) semaphore(%arg11 : memref<!tpu.dma_semaphore, #tpu.memory_space<semaphore_mem>>)
    %dma_start3A_12 = arith.constant 256 : i32
    %dma_start3A_13 = tpu.memref_slice %arg5[%dma_start3A_12] : memref<5120xi32, #tpu.memory_space<vmem>> -> memref<128xi32, #tpu.memory_space<vmem>>
    %dma_start3A_14 = arith.constant 0 : i32
    %dma_start3A_15 = arith.constant 0 : i32
    %dma_start3A_16 = tpu.memref_slice %arg2[%dma_start3A_14, %dma_start3A_15] : memref<1000000x128xf32, #tpu.memory_space<hbm>> -> memref<1000000x128xf32, #tpu.memory_space<hbm>>
    tpu.enqueue_indirect_dma source(%dma_start3A_16 : memref<1000000x128xf32, #tpu.memory_space<hbm>>) target(%arg8 : memref<128x128xf32, #tpu.memory_space<vmem>>) offsets(%dma_start3A_13 : memref<128xi32, #tpu.memory_space<vmem>>) semaphore(%arg12 : memref<!tpu.dma_semaphore, #tpu.memory_space<semaphore_mem>>)
    %dma_start3A_17 = arith.constant 384 : i32
    %dma_start3A_18 = tpu.memref_slice %arg5[%dma_start3A_17] : memref<5120xi32, #tpu.memory_space<vmem>> -> memref<128xi32, #tpu.memory_space<vmem>>
    %dma_start3A_19 = arith.constant 0 : i32
    %dma_start3A_20 = arith.constant 0 : i32
    %dma_start3A_21 = tpu.memref_slice %arg2[%dma_start3A_19, %dma_start3A_20] : memref<1000000x128xf32, #tpu.memory_space<hbm>> -> memref<1000000x128xf32, #tpu.memory_space<hbm>>
    tpu.enqueue_indirect_dma source(%dma_start3A_21 : memref<1000000x128xf32, #tpu.memory_space<hbm>>) target(%arg9 : memref<128x128xf32, #tpu.memory_space<vmem>>) offsets(%dma_start3A_18 : memref<128xi32, #tpu.memory_space<vmem>>) semaphore(%arg13 : memref<!tpu.dma_semaphore, #tpu.memory_space<semaphore_mem>>)
    %scan3A = arith.constant 0 : i32
    %scan3A_22 = arith.constant 9 : i32
    %scan3A_23 = arith.addi %scan3A, %scan3A_22 : i32
    %scan3A_24 = arith.constant 1 : i32
    scf.for %scan3A_89 = %scan3A to %scan3A_23 step %scan3A_24  : i32 {
      %mul3A_90 = arith.constant 4 : i32
      %mul3A_91 = arith.muli %scan3A_89, %mul3A_90 : i32
      %add3A_92 = arith.constant 0 : i32
      %add3A_93 = arith.addi %add3A_92, %mul3A_91 : i32
      %dma_wait3A_94 = arith.constant 0 : i32
      %dma_wait3A_95 = tpu.memref_slice %arg5[%dma_wait3A_94] : memref<5120xi32, #tpu.memory_space<vmem>> -> memref<128xi32, #tpu.memory_space<vmem>>
      %dma_wait3A_96 = arith.constant 0 : i32
      %dma_wait3A_97 = arith.constant 0 : i32
      %dma_wait3A_98 = tpu.memref_slice %arg2[%dma_wait3A_96, %dma_wait3A_97] : memref<1000000x128xf32, #tpu.memory_space<hbm>> -> memref<1000000x128xf32, #tpu.memory_space<hbm>>
      tpu.wait_indirect_dma semaphore(%arg10 : memref<!tpu.dma_semaphore, #tpu.memory_space<semaphore_mem>>) src(%dma_wait3A_98 : memref<1000000x128xf32, #tpu.memory_space<hbm>>) dst(%arg6 : memref<128x128xf32, #tpu.memory_space<vmem>>)
      %add3A_99 = arith.constant 0 : i32
      %add3A_100 = arith.addi %add3A_93, %add3A_99 : i32
      %mul3A_101 = arith.constant 128 : i32
      %mul3A_102 = arith.muli %add3A_100, %mul3A_101 : i32
      %add3A_103 = arith.addi %mul3A_2, %mul3A_102 : i32
      %dma_start3A_104 = arith.constant 0 : i32
      %dma_start3A_105 = tpu.memref_slice %arg4[%add3A_103, %dma_start3A_104] : memref<163840x128xf32, #tpu.memory_space<hbm>> -> memref<128x128xf32, #tpu.memory_space<hbm>>
      %dma_start3A_106 = arith.constant 0 : i32
      %dma_start3A_107 = tpu.memref_slice %arg4[%add3A_103, %dma_start3A_106] : memref<163840x128xf32, #tpu.memory_space<hbm>> -> memref<128x128xf32, #tpu.memory_space<hbm>>
      tpu.enqueue_dma source(%arg6 : memref<128x128xf32, #tpu.memory_space<vmem>>) target(%dma_start3A_107 : memref<128x128xf32, #tpu.memory_space<hbm>>) target_semaphore(%arg14 : memref<!tpu.dma_semaphore, #tpu.memory_space<semaphore_mem>>)
      %dma_wait3A_108 = arith.constant 0 : i32
      %dma_wait3A_109 = tpu.memref_slice %arg5[%dma_wait3A_108] : memref<5120xi32, #tpu.memory_space<vmem>> -> memref<128xi32, #tpu.memory_space<vmem>>
      %dma_wait3A_110 = arith.constant 0 : i32
      %dma_wait3A_111 = arith.constant 0 : i32
      %dma_wait3A_112 = tpu.memref_slice %arg2[%dma_wait3A_110, %dma_wait3A_111] : memref<1000000x128xf32, #tpu.memory_space<hbm>> -> memref<1000000x128xf32, #tpu.memory_space<hbm>>
      tpu.wait_indirect_dma semaphore(%arg11 : memref<!tpu.dma_semaphore, #tpu.memory_space<semaphore_mem>>) src(%dma_wait3A_112 : memref<1000000x128xf32, #tpu.memory_space<hbm>>) dst(%arg7 : memref<128x128xf32, #tpu.memory_space<vmem>>)
      %add3A_113 = arith.constant 1 : i32
      %add3A_114 = arith.addi %add3A_93, %add3A_113 : i32
      %mul3A_115 = arith.constant 128 : i32
      %mul3A_116 = arith.muli %add3A_114, %mul3A_115 : i32
      %add3A_117 = arith.addi %mul3A_2, %mul3A_116 : i32
      %dma_start3A_118 = arith.constant 0 : i32
      %dma_start3A_119 = tpu.memref_slice %arg4[%add3A_117, %dma_start3A_118] : memref<163840x128xf32, #tpu.memory_space<hbm>> -> memref<128x128xf32, #tpu.memory_space<hbm>>
      %dma_start3A_120 = arith.constant 0 : i32
      %dma_start3A_121 = tpu.memref_slice %arg4[%add3A_117, %dma_start3A_120] : memref<163840x128xf32, #tpu.memory_space<hbm>> -> memref<128x128xf32, #tpu.memory_space<hbm>>
      tpu.enqueue_dma source(%arg7 : memref<128x128xf32, #tpu.memory_space<vmem>>) target(%dma_start3A_121 : memref<128x128xf32, #tpu.memory_space<hbm>>) target_semaphore(%arg15 : memref<!tpu.dma_semaphore, #tpu.memory_space<semaphore_mem>>)
      %dma_wait3A_122 = arith.constant 0 : i32
      %dma_wait3A_123 = tpu.memref_slice %arg5[%dma_wait3A_122] : memref<5120xi32, #tpu.memory_space<vmem>> -> memref<128xi32, #tpu.memory_space<vmem>>
      %dma_wait3A_124 = arith.constant 0 : i32
      %dma_wait3A_125 = arith.constant 0 : i32
      %dma_wait3A_126 = tpu.memref_slice %arg2[%dma_wait3A_124, %dma_wait3A_125] : memref<1000000x128xf32, #tpu.memory_space<hbm>> -> memref<1000000x128xf32, #tpu.memory_space<hbm>>
      tpu.wait_indirect_dma semaphore(%arg12 : memref<!tpu.dma_semaphore, #tpu.memory_space<semaphore_mem>>) src(%dma_wait3A_126 : memref<1000000x128xf32, #tpu.memory_space<hbm>>) dst(%arg8 : memref<128x128xf32, #tpu.memory_space<vmem>>)
      %add3A_127 = arith.constant 2 : i32
      %add3A_128 = arith.addi %add3A_93, %add3A_127 : i32
      %mul3A_129 = arith.constant 128 : i32
      %mul3A_130 = arith.muli %add3A_128, %mul3A_129 : i32
      %add3A_131 = arith.addi %mul3A_2, %mul3A_130 : i32
      %dma_start3A_132 = arith.constant 0 : i32
      %dma_start3A_133 = tpu.memref_slice %arg4[%add3A_131, %dma_start3A_132] : memref<163840x128xf32, #tpu.memory_space<hbm>> -> memref<128x128xf32, #tpu.memory_space<hbm>>
      %dma_start3A_134 = arith.constant 0 : i32
      %dma_start3A_135 = tpu.memref_slice %arg4[%add3A_131, %dma_start3A_134] : memref<163840x128xf32, #tpu.memory_space<hbm>> -> memref<128x128xf32, #tpu.memory_space<hbm>>
      tpu.enqueue_dma source(%arg8 : memref<128x128xf32, #tpu.memory_space<vmem>>) target(%dma_start3A_135 : memref<128x128xf32, #tpu.memory_space<hbm>>) target_semaphore(%arg16 : memref<!tpu.dma_semaphore, #tpu.memory_space<semaphore_mem>>)
      %dma_wait3A_136 = arith.constant 0 : i32
      %dma_wait3A_137 = tpu.memref_slice %arg5[%dma_wait3A_136] : memref<5120xi32, #tpu.memory_space<vmem>> -> memref<128xi32, #tpu.memory_space<vmem>>
      %dma_wait3A_138 = arith.constant 0 : i32
      %dma_wait3A_139 = arith.constant 0 : i32
      %dma_wait3A_140 = tpu.memref_slice %arg2[%dma_wait3A_138, %dma_wait3A_139] : memref<1000000x128xf32, #tpu.memory_space<hbm>> -> memref<1000000x128xf32, #tpu.memory_space<hbm>>
      tpu.wait_indirect_dma semaphore(%arg13 : memref<!tpu.dma_semaphore, #tpu.memory_space<semaphore_mem>>) src(%dma_wait3A_140 : memref<1000000x128xf32, #tpu.memory_space<hbm>>) dst(%arg9 : memref<128x128xf32, #tpu.memory_space<vmem>>)
      %add3A_141 = arith.constant 3 : i32
      %add3A_142 = arith.addi %add3A_93, %add3A_141 : i32
      %mul3A_143 = arith.constant 128 : i32
      %mul3A_144 = arith.muli %add3A_142, %mul3A_143 : i32
      %add3A_145 = arith.addi %mul3A_2, %mul3A_144 : i32
      %dma_start3A_146 = arith.constant 0 : i32
      %dma_start3A_147 = tpu.memref_slice %arg4[%add3A_145, %dma_start3A_146] : memref<163840x128xf32, #tpu.memory_space<hbm>> -> memref<128x128xf32, #tpu.memory_space<hbm>>
      %dma_start3A_148 = arith.constant 0 : i32
      %dma_start3A_149 = tpu.memref_slice %arg4[%add3A_145, %dma_start3A_148] : memref<163840x128xf32, #tpu.memory_space<hbm>> -> memref<128x128xf32, #tpu.memory_space<hbm>>
      tpu.enqueue_dma source(%arg9 : memref<128x128xf32, #tpu.memory_space<vmem>>) target(%dma_start3A_149 : memref<128x128xf32, #tpu.memory_space<hbm>>) target_semaphore(%arg17 : memref<!tpu.dma_semaphore, #tpu.memory_space<semaphore_mem>>)
      %dma_wait3A_150 = arith.constant 0 : i32
      %dma_wait3A_151 = tpu.memref_slice %arg5[%dma_wait3A_150] : memref<5120xi32, #tpu.memory_space<vmem>> -> memref<128xi32, #tpu.memory_space<vmem>>
      %dma_wait3A_152 = arith.constant 0 : i32
      %dma_wait3A_153 = arith.constant 0 : i32
      %dma_wait3A_154 = tpu.memref_slice %arg2[%dma_wait3A_152, %dma_wait3A_153] : memref<1000000x128xf32, #tpu.memory_space<hbm>> -> memref<1000000x128xf32, #tpu.memory_space<hbm>>
      tpu.wait_indirect_dma semaphore(%arg14 : memref<!tpu.dma_semaphore, #tpu.memory_space<semaphore_mem>>) src(%dma_wait3A_154 : memref<1000000x128xf32, #tpu.memory_space<hbm>>) dst(%arg6 : memref<128x128xf32, #tpu.memory_space<vmem>>)
      %add3A_155 = arith.constant 4 : i32
      %add3A_156 = arith.addi %add3A_93, %add3A_155 : i32
      %add3A_157 = arith.constant 0 : i32
      %add3A_158 = arith.addi %add3A_156, %add3A_157 : i32
      %mul3A_159 = arith.constant 128 : i32
      %mul3A_160 = arith.muli %add3A_158, %mul3A_159 : i32
      %dma_start3A_161 = tpu.memref_slice %arg5[%mul3A_160] : memref<5120xi32, #tpu.memory_space<vmem>> -> memref<128xi32, #tpu.memory_space<vmem>>
      %dma_start3A_162 = arith.constant 0 : i32
      %dma_start3A_163 = arith.constant 0 : i32
      %dma_start3A_164 = tpu.memref_slice %arg2[%dma_start3A_162, %dma_start3A_163] : memref<1000000x128xf32, #tpu.memory_space<hbm>> -> memref<1000000x128xf32, #tpu.memory_space<hbm>>
      tpu.enqueue_indirect_dma source(%dma_start3A_164 : memref<1000000x128xf32, #tpu.memory_space<hbm>>) target(%arg6 : memref<128x128xf32, #tpu.memory_space<vmem>>) offsets(%dma_start3A_161 : memref<128xi32, #tpu.memory_space<vmem>>) semaphore(%arg10 : memref<!tpu.dma_semaphore, #tpu.memory_space<semaphore_mem>>)
      %dma_wait3A_165 = arith.constant 0 : i32
      %dma_wait3A_166 = tpu.memref_slice %arg5[%dma_wait3A_165] : memref<5120xi32, #tpu.memory_space<vmem>> -> memref<128xi32, #tpu.memory_space<vmem>>
      %dma_wait3A_167 = arith.constant 0 : i32
      %dma_wait3A_168 = arith.constant 0 : i32
      %dma_wait3A_169 = tpu.memref_slice %arg2[%dma_wait3A_167, %dma_wait3A_168] : memref<1000000x128xf32, #tpu.memory_space<hbm>> -> memref<1000000x128xf32, #tpu.memory_space<hbm>>
      tpu.wait_indirect_dma semaphore(%arg15 : memref<!tpu.dma_semaphore, #tpu.memory_space<semaphore_mem>>) src(%dma_wait3A_169 : memref<1000000x128xf32, #tpu.memory_space<hbm>>) dst(%arg7 : memref<128x128xf32, #tpu.memory_space<vmem>>)
      %add3A_170 = arith.constant 4 : i32
      %add3A_171 = arith.addi %add3A_93, %add3A_170 : i32
      %add3A_172 = arith.constant 1 : i32
      %add3A_173 = arith.addi %add3A_171, %add3A_172 : i32
      %mul3A_174 = arith.constant 128 : i32
      %mul3A_175 = arith.muli %add3A_173, %mul3A_174 : i32
      %dma_start3A_176 = tpu.memref_slice %arg5[%mul3A_175] : memref<5120xi32, #tpu.memory_space<vmem>> -> memref<128xi32, #tpu.memory_space<vmem>>
      %dma_start3A_177 = arith.constant 0 : i32
      %dma_start3A_178 = arith.constant 0 : i32
      %dma_start3A_179 = tpu.memref_slice %arg2[%dma_start3A_177, %dma_start3A_178] : memref<1000000x128xf32, #tpu.memory_space<hbm>> -> memref<1000000x128xf32, #tpu.memory_space<hbm>>
      tpu.enqueue_indirect_dma source(%dma_start3A_179 : memref<1000000x128xf32, #tpu.memory_space<hbm>>) target(%arg7 : memref<128x128xf32, #tpu.memory_space<vmem>>) offsets(%dma_start3A_176 : memref<128xi32, #tpu.memory_space<vmem>>) semaphore(%arg11 : memref<!tpu.dma_semaphore, #tpu.memory_space<semaphore_mem>>)
      %dma_wait3A_180 = arith.constant 0 : i32
      %dma_wait3A_181 = tpu.memref_slice %arg5[%dma_wait3A_180] : memref<5120xi32, #tpu.memory_space<vmem>> -> memref<128xi32, #tpu.memory_space<vmem>>
      %dma_wait3A_182 = arith.constant 0 : i32
      %dma_wait3A_183 = arith.constant 0 : i32
      %dma_wait3A_184 = tpu.memref_slice %arg2[%dma_wait3A_182, %dma_wait3A_183] : memref<1000000x128xf32, #tpu.memory_space<hbm>> -> memref<1000000x128xf32, #tpu.memory_space<hbm>>
      tpu.wait_indirect_dma semaphore(%arg16 : memref<!tpu.dma_semaphore, #tpu.memory_space<semaphore_mem>>) src(%dma_wait3A_184 : memref<1000000x128xf32, #tpu.memory_space<hbm>>) dst(%arg8 : memref<128x128xf32, #tpu.memory_space<vmem>>)
      %add3A_185 = arith.constant 4 : i32
      %add3A_186 = arith.addi %add3A_93, %add3A_185 : i32
      %add3A_187 = arith.constant 2 : i32
      %add3A_188 = arith.addi %add3A_186, %add3A_187 : i32
      %mul3A_189 = arith.constant 128 : i32
      %mul3A_190 = arith.muli %add3A_188, %mul3A_189 : i32
      %dma_start3A_191 = tpu.memref_slice %arg5[%mul3A_190] : memref<5120xi32, #tpu.memory_space<vmem>> -> memref<128xi32, #tpu.memory_space<vmem>>
      %dma_start3A_192 = arith.constant 0 : i32
      %dma_start3A_193 = arith.constant 0 : i32
      %dma_start3A_194 = tpu.memref_slice %arg2[%dma_start3A_192, %dma_start3A_193] : memref<1000000x128xf32, #tpu.memory_space<hbm>> -> memref<1000000x128xf32, #tpu.memory_space<hbm>>
      tpu.enqueue_indirect_dma source(%dma_start3A_194 : memref<1000000x128xf32, #tpu.memory_space<hbm>>) target(%arg8 : memref<128x128xf32, #tpu.memory_space<vmem>>) offsets(%dma_start3A_191 : memref<128xi32, #tpu.memory_space<vmem>>) semaphore(%arg12 : memref<!tpu.dma_semaphore, #tpu.memory_space<semaphore_mem>>)
      %dma_wait3A_195 = arith.constant 0 : i32
      %dma_wait3A_196 = tpu.memref_slice %arg5[%dma_wait3A_195] : memref<5120xi32, #tpu.memory_space<vmem>> -> memref<128xi32, #tpu.memory_space<vmem>>
      %dma_wait3A_197 = arith.constant 0 : i32
      %dma_wait3A_198 = arith.constant 0 : i32
      %dma_wait3A_199 = tpu.memref_slice %arg2[%dma_wait3A_197, %dma_wait3A_198] : memref<1000000x128xf32, #tpu.memory_space<hbm>> -> memref<1000000x128xf32, #tpu.memory_space<hbm>>
      tpu.wait_indirect_dma semaphore(%arg17 : memref<!tpu.dma_semaphore, #tpu.memory_space<semaphore_mem>>) src(%dma_wait3A_199 : memref<1000000x128xf32, #tpu.memory_space<hbm>>) dst(%arg9 : memref<128x128xf32, #tpu.memory_space<vmem>>)
      %add3A_200 = arith.constant 4 : i32
      %add3A_201 = arith.addi %add3A_93, %add3A_200 : i32
      %add3A_202 = arith.constant 3 : i32
      %add3A_203 = arith.addi %add3A_201, %add3A_202 : i32
      %mul3A_204 = arith.constant 128 : i32
      %mul3A_205 = arith.muli %add3A_203, %mul3A_204 : i32
      %dma_start3A_206 = tpu.memref_slice %arg5[%mul3A_205] : memref<5120xi32, #tpu.memory_space<vmem>> -> memref<128xi32, #tpu.memory_space<vmem>>
      %dma_start3A_207 = arith.constant 0 : i32
      %dma_start3A_208 = arith.constant 0 : i32
      %dma_start3A_209 = tpu.memref_slice %arg2[%dma_start3A_207, %dma_start3A_208] : memref<1000000x128xf32, #tpu.memory_space<hbm>> -> memref<1000000x128xf32, #tpu.memory_space<hbm>>
      tpu.enqueue_indirect_dma source(%dma_start3A_209 : memref<1000000x128xf32, #tpu.memory_space<hbm>>) target(%arg9 : memref<128x128xf32, #tpu.memory_space<vmem>>) offsets(%dma_start3A_206 : memref<128xi32, #tpu.memory_space<vmem>>) semaphore(%arg13 : memref<!tpu.dma_semaphore, #tpu.memory_space<semaphore_mem>>)
    }
    %scan3A_25 = arith.constant 9 : i32
    %dma_wait3A = arith.constant 0 : i32
    %dma_wait3A_26 = tpu.memref_slice %arg5[%dma_wait3A] : memref<5120xi32, #tpu.memory_space<vmem>> -> memref<128xi32, #tpu.memory_space<vmem>>
    %dma_wait3A_27 = arith.constant 0 : i32
    %dma_wait3A_28 = arith.constant 0 : i32
    %dma_wait3A_29 = tpu.memref_slice %arg2[%dma_wait3A_27, %dma_wait3A_28] : memref<1000000x128xf32, #tpu.memory_space<hbm>> -> memref<1000000x128xf32, #tpu.memory_space<hbm>>
    tpu.wait_indirect_dma semaphore(%arg10 : memref<!tpu.dma_semaphore, #tpu.memory_space<semaphore_mem>>) src(%dma_wait3A_29 : memref<1000000x128xf32, #tpu.memory_space<hbm>>) dst(%arg6 : memref<128x128xf32, #tpu.memory_space<vmem>>)
    %add3A_30 = arith.constant 4608 : i32
    %add3A_31 = arith.addi %mul3A_2, %add3A_30 : i32
    %dma_start3A_32 = arith.constant 0 : i32
    %dma_start3A_33 = tpu.memref_slice %arg4[%add3A_31, %dma_start3A_32] : memref<163840x128xf32, #tpu.memory_space<hbm>> -> memref<128x128xf32, #tpu.memory_space<hbm>>
    %dma_start3A_34 = arith.constant 0 : i32
    %dma_start3A_35 = tpu.memref_slice %arg4[%add3A_31, %dma_start3A_34] : memref<163840x128xf32, #tpu.memory_space<hbm>> -> memref<128x128xf32, #tpu.memory_space<hbm>>
    tpu.enqueue_dma source(%arg6 : memref<128x128xf32, #tpu.memory_space<vmem>>) target(%dma_start3A_35 : memref<128x128xf32, #tpu.memory_space<hbm>>) target_semaphore(%arg14 : memref<!tpu.dma_semaphore, #tpu.memory_space<semaphore_mem>>)
    %dma_wait3A_36 = arith.constant 0 : i32
    %dma_wait3A_37 = tpu.memref_slice %arg5[%dma_wait3A_36] : memref<5120xi32, #tpu.memory_space<vmem>> -> memref<128xi32, #tpu.memory_space<vmem>>
    %dma_wait3A_38 = arith.constant 0 : i32
    %dma_wait3A_39 = arith.constant 0 : i32
    %dma_wait3A_40 = tpu.memref_slice %arg2[%dma_wait3A_38, %dma_wait3A_39] : memref<1000000x128xf32, #tpu.memory_space<hbm>> -> memref<1000000x128xf32, #tpu.memory_space<hbm>>
    tpu.wait_indirect_dma semaphore(%arg11 : memref<!tpu.dma_semaphore, #tpu.memory_space<semaphore_mem>>) src(%dma_wait3A_40 : memref<1000000x128xf32, #tpu.memory_space<hbm>>) dst(%arg7 : memref<128x128xf32, #tpu.memory_space<vmem>>)
    %add3A_41 = arith.constant 4736 : i32
    %add3A_42 = arith.addi %mul3A_2, %add3A_41 : i32
    %dma_start3A_43 = arith.constant 0 : i32
    %dma_start3A_44 = tpu.memref_slice %arg4[%add3A_42, %dma_start3A_43] : memref<163840x128xf32, #tpu.memory_space<hbm>> -> memref<128x128xf32, #tpu.memory_space<hbm>>
    %dma_start3A_45 = arith.constant 0 : i32
    %dma_start3A_46 = tpu.memref_slice %arg4[%add3A_42, %dma_start3A_45] : memref<163840x128xf32, #tpu.memory_space<hbm>> -> memref<128x128xf32, #tpu.memory_space<hbm>>
    tpu.enqueue_dma source(%arg7 : memref<128x128xf32, #tpu.memory_space<vmem>>) target(%dma_start3A_46 : memref<128x128xf32, #tpu.memory_space<hbm>>) target_semaphore(%arg15 : memref<!tpu.dma_semaphore, #tpu.memory_space<semaphore_mem>>)
    %dma_wait3A_47 = arith.constant 0 : i32
    %dma_wait3A_48 = tpu.memref_slice %arg5[%dma_wait3A_47] : memref<5120xi32, #tpu.memory_space<vmem>> -> memref<128xi32, #tpu.memory_space<vmem>>
    %dma_wait3A_49 = arith.constant 0 : i32
    %dma_wait3A_50 = arith.constant 0 : i32
    %dma_wait3A_51 = tpu.memref_slice %arg2[%dma_wait3A_49, %dma_wait3A_50] : memref<1000000x128xf32, #tpu.memory_space<hbm>> -> memref<1000000x128xf32, #tpu.memory_space<hbm>>
    tpu.wait_indirect_dma semaphore(%arg12 : memref<!tpu.dma_semaphore, #tpu.memory_space<semaphore_mem>>) src(%dma_wait3A_51 : memref<1000000x128xf32, #tpu.memory_space<hbm>>) dst(%arg8 : memref<128x128xf32, #tpu.memory_space<vmem>>)
    %add3A_52 = arith.constant 4864 : i32
    %add3A_53 = arith.addi %mul3A_2, %add3A_52 : i32
    %dma_start3A_54 = arith.constant 0 : i32
    %dma_start3A_55 = tpu.memref_slice %arg4[%add3A_53, %dma_start3A_54] : memref<163840x128xf32, #tpu.memory_space<hbm>> -> memref<128x128xf32, #tpu.memory_space<hbm>>
    %dma_start3A_56 = arith.constant 0 : i32
    %dma_start3A_57 = tpu.memref_slice %arg4[%add3A_53, %dma_start3A_56] : memref<163840x128xf32, #tpu.memory_space<hbm>> -> memref<128x128xf32, #tpu.memory_space<hbm>>
    tpu.enqueue_dma source(%arg8 : memref<128x128xf32, #tpu.memory_space<vmem>>) target(%dma_start3A_57 : memref<128x128xf32, #tpu.memory_space<hbm>>) target_semaphore(%arg16 : memref<!tpu.dma_semaphore, #tpu.memory_space<semaphore_mem>>)
    %dma_wait3A_58 = arith.constant 0 : i32
    %dma_wait3A_59 = tpu.memref_slice %arg5[%dma_wait3A_58] : memref<5120xi32, #tpu.memory_space<vmem>> -> memref<128xi32, #tpu.memory_space<vmem>>
    %dma_wait3A_60 = arith.constant 0 : i32
    %dma_wait3A_61 = arith.constant 0 : i32
    %dma_wait3A_62 = tpu.memref_slice %arg2[%dma_wait3A_60, %dma_wait3A_61] : memref<1000000x128xf32, #tpu.memory_space<hbm>> -> memref<1000000x128xf32, #tpu.memory_space<hbm>>
    tpu.wait_indirect_dma semaphore(%arg13 : memref<!tpu.dma_semaphore, #tpu.memory_space<semaphore_mem>>) src(%dma_wait3A_62 : memref<1000000x128xf32, #tpu.memory_space<hbm>>) dst(%arg9 : memref<128x128xf32, #tpu.memory_space<vmem>>)
    %add3A_63 = arith.constant 4992 : i32
    %add3A_64 = arith.addi %mul3A_2, %add3A_63 : i32
    %dma_start3A_65 = arith.constant 0 : i32
    %dma_start3A_66 = tpu.memref_slice %arg4[%add3A_64, %dma_start3A_65] : memref<163840x128xf32, #tpu.memory_space<hbm>> -> memref<128x128xf32, #tpu.memory_space<hbm>>
    %dma_start3A_67 = arith.constant 0 : i32
    %dma_start3A_68 = tpu.memref_slice %arg4[%add3A_64, %dma_start3A_67] : memref<163840x128xf32, #tpu.memory_space<hbm>> -> memref<128x128xf32, #tpu.memory_space<hbm>>
    tpu.enqueue_dma source(%arg9 : memref<128x128xf32, #tpu.memory_space<vmem>>) target(%dma_start3A_68 : memref<128x128xf32, #tpu.memory_space<hbm>>) target_semaphore(%arg17 : memref<!tpu.dma_semaphore, #tpu.memory_space<semaphore_mem>>)
    %dma_wait3A_69 = arith.constant 0 : i32
    %dma_wait3A_70 = tpu.memref_slice %arg5[%dma_wait3A_69] : memref<5120xi32, #tpu.memory_space<vmem>> -> memref<128xi32, #tpu.memory_space<vmem>>
    %dma_wait3A_71 = arith.constant 0 : i32
    %dma_wait3A_72 = arith.constant 0 : i32
    %dma_wait3A_73 = tpu.memref_slice %arg2[%dma_wait3A_71, %dma_wait3A_72] : memref<1000000x128xf32, #tpu.memory_space<hbm>> -> memref<1000000x128xf32, #tpu.memory_space<hbm>>
    tpu.wait_indirect_dma semaphore(%arg14 : memref<!tpu.dma_semaphore, #tpu.memory_space<semaphore_mem>>) src(%dma_wait3A_73 : memref<1000000x128xf32, #tpu.memory_space<hbm>>) dst(%arg6 : memref<128x128xf32, #tpu.memory_space<vmem>>)
    %dma_wait3A_74 = arith.constant 0 : i32
    %dma_wait3A_75 = tpu.memref_slice %arg5[%dma_wait3A_74] : memref<5120xi32, #tpu.memory_space<vmem>> -> memref<128xi32, #tpu.memory_space<vmem>>
    %dma_wait3A_76 = arith.constant 0 : i32
    %dma_wait3A_77 = arith.constant 0 : i32
    %dma_wait3A_78 = tpu.memref_slice %arg2[%dma_wait3A_76, %dma_wait3A_77] : memref<1000000x128xf32, #tpu.memory_space<hbm>> -> memref<1000000x128xf32, #tpu.memory_space<hbm>>
    tpu.wait_indirect_dma semaphore(%arg15 : memref<!tpu.dma_semaphore, #tpu.memory_space<semaphore_mem>>) src(%dma_wait3A_78 : memref<1000000x128xf32, #tpu.memory_space<hbm>>) dst(%arg7 : memref<128x128xf32, #tpu.memory_space<vmem>>)
    %dma_wait3A_79 = arith.constant 0 : i32
    %dma_wait3A_80 = tpu.memref_slice %arg5[%dma_wait3A_79] : memref<5120xi32, #tpu.memory_space<vmem>> -> memref<128xi32, #tpu.memory_space<vmem>>
    %dma_wait3A_81 = arith.constant 0 : i32
    %dma_wait3A_82 = arith.constant 0 : i32
    %dma_wait3A_83 = tpu.memref_slice %arg2[%dma_wait3A_81, %dma_wait3A_82] : memref<1000000x128xf32, #tpu.memory_space<hbm>> -> memref<1000000x128xf32, #tpu.memory_space<hbm>>
    tpu.wait_indirect_dma semaphore(%arg16 : memref<!tpu.dma_semaphore, #tpu.memory_space<semaphore_mem>>) src(%dma_wait3A_83 : memref<1000000x128xf32, #tpu.memory_space<hbm>>) dst(%arg8 : memref<128x128xf32, #tpu.memory_space<vmem>>)
    %dma_wait3A_84 = arith.constant 0 : i32
    %dma_wait3A_85 = tpu.memref_slice %arg5[%dma_wait3A_84] : memref<5120xi32, #tpu.memory_space<vmem>> -> memref<128xi32, #tpu.memory_space<vmem>>
    %dma_wait3A_86 = arith.constant 0 : i32
    %dma_wait3A_87 = arith.constant 0 : i32
    %dma_wait3A_88 = tpu.memref_slice %arg2[%dma_wait3A_86, %dma_wait3A_87] : memref<1000000x128xf32, #tpu.memory_space<hbm>> -> memref<1000000x128xf32, #tpu.memory_space<hbm>>
    tpu.wait_indirect_dma semaphore(%arg17 : memref<!tpu.dma_semaphore, #tpu.memory_space<semaphore_mem>>) src(%dma_wait3A_88 : memref<1000000x128xf32, #tpu.memory_space<hbm>>) dst(%arg9 : memref<128x128xf32, #tpu.memory_space<vmem>>)
    return
  }
}

#map = affine_map<(d0, d1) -> (0, 0)>
#map1 = affine_map<(d0, d1) -> (0)>
module attributes {stable_mosaic.version = 14 : i64} {
  func.func @gather_kernel(%arg0: i32, %arg1: i32, %arg2: memref<1000000x128xf32, #tpu.memory_space<hbm>>, %arg3: memref<163840xi32, #tpu.memory_space<hbm>>, %arg4: memref<163840x128xf32, #tpu.memory_space<hbm>>, %arg5: memref<5120xi32, #tpu.memory_space<vmem>>, %arg6: memref<128x128xf32, #tpu.memory_space<vmem>>, %arg7: memref<128x128xf32, #tpu.memory_space<vmem>>, %arg8: memref<128x128xf32, #tpu.memory_space<vmem>>, %arg9: memref<128x128xf32, #tpu.memory_space<vmem>>, %arg10: memref<!tpu.dma_semaphore, #tpu.memory_space<semaphore_mem>>, %arg11: memref<!tpu.dma_semaphore, #tpu.memory_space<semaphore_mem>>, %arg12: memref<!tpu.dma_semaphore, #tpu.memory_space<semaphore_mem>>, %arg13: memref<!tpu.dma_semaphore, #tpu.memory_space<semaphore_mem>>, %arg14: memref<!tpu.dma_semaphore, #tpu.memory_space<semaphore_mem>>, %arg15: memref<!tpu.dma_semaphore, #tpu.memory_space<semaphore_mem>>, %arg16: memref<!tpu.dma_semaphore, #tpu.memory_space<semaphore_mem>>, %arg17: memref<!tpu.dma_semaphore, #tpu.memory_space<semaphore_mem>>) attributes {dimension_semantics = [#tpu.dimension_semantics<core_parallel>, #tpu.dimension_semantics<subcore_parallel>], iteration_bounds = array<i64: 2, 16>, scalar_prefetch = 0 : i64, scratch_operands = 13 : i64, tpu.core_type = #tpu.core_type<sc_vector_subcore>, window_params = [{transform_indices = #map}, {transform_indices = #map1}, {transform_indices = #map}]} {
    %mul3A = arith.constant 2 : i32
    %mul3A_0 = arith.muli %arg1, %mul3A : i32
    %add3A = arith.addi %mul3A_0, %arg0 : i32
    %mul3A_1 = arith.constant 5120 : i32
    %mul3A_2 = arith.muli %add3A, %mul3A_1 : i32
    "tpu.region"() ({
      %run_scoped3A = tpu.sem_alloc : memref<!tpu.dma_semaphore, #tpu.memory_space<semaphore_mem>>
      %dma_start3A_89 = tpu.memref_slice %arg3[%mul3A_2] : memref<163840xi32, #tpu.memory_space<hbm>> -> memref<5120xi32, #tpu.memory_space<hbm>>
      %dma_start3A_90 = tpu.memref_slice %arg3[%mul3A_2] : memref<163840xi32, #tpu.memory_space<hbm>> -> memref<5120xi32, #tpu.memory_space<hbm>>
      tpu.enqueue_dma source(%dma_start3A_90 : memref<5120xi32, #tpu.memory_space<hbm>>) target(%arg5 : memref<5120xi32, #tpu.memory_space<vmem>>) target_semaphore(%run_scoped3A : memref<!tpu.dma_semaphore, #tpu.memory_space<semaphore_mem>>)
      %dma_wait3A_91 = tpu.memref_slice %arg3[%mul3A_2] : memref<163840xi32, #tpu.memory_space<hbm>> -> memref<5120xi32, #tpu.memory_space<hbm>>
      %dma_wait3A_92 = tpu.memref_slice %arg3[%mul3A_2] : memref<163840xi32, #tpu.memory_space<hbm>> -> memref<5120xi32, #tpu.memory_space<hbm>>
      tpu.wait_dma2 semaphore(%run_scoped3A : memref<!tpu.dma_semaphore, #tpu.memory_space<semaphore_mem>>) src(%dma_wait3A_92 : memref<5120xi32, #tpu.memory_space<hbm>>) dst(%arg5 : memref<5120xi32, #tpu.memory_space<vmem>>)
      tpu.yield
    }) : () -> ()
    %dma_start3A = arith.constant 0 : i32
    %dma_start3A_3 = tpu.memref_slice %arg5[%dma_start3A] : memref<5120xi32, #tpu.memory_space<vmem>> -> memref<128xi32, #tpu.memory_space<vmem>>
    %dma_start3A_4 = arith.constant 0 : i32
    %dma_start3A_5 = arith.constant 0 : i32
    %dma_start3A_6 = tpu.memref_slice %arg2[%dma_start3A_4, %dma_start3A_5] : memref<1000000x128xf32, #tpu.memory_space<hbm>> -> memref<1000000x128xf32, #tpu.memory_space<hbm>>
    tpu.enqueue_indirect_dma source(%dma_start3A_6 : memref<1000000x128xf32, #tpu.memory_space<hbm>>) target(%arg6 : memref<128x128xf32, #tpu.memory_space<vmem>>) offsets(%dma_start3A_3 : memref<128xi32, #tpu.memory_space<vmem>>) semaphore(%arg10 : memref<!tpu.dma_semaphore, #tpu.memory_space<semaphore_mem>>)
    %dma_start3A_7 = arith.constant 128 : i32
    %dma_start3A_8 = tpu.memref_slice %arg5[%dma_start3A_7] : memref<5120xi32, #tpu.memory_space<vmem>> -> memref<128xi32, #tpu.memory_space<vmem>>
    %dma_start3A_9 = arith.constant 0 : i32
    %dma_start3A_10 = arith.constant 0 : i32
    %dma_start3A_11 = tpu.memref_slice %arg2[%dma_start3A_9, %dma_start3A_10] : memref<1000000x128xf32, #tpu.memory_space<hbm>> -> memref<1000000x128xf32, #tpu.memory_space<hbm>>
    tpu.enqueue_indirect_dma source(%dma_start3A_11 : memref<1000000x128xf32, #tpu.memory_space<hbm>>) target(%arg7 : memref<128x128xf32, #tpu.memory_space<vmem>>) offsets(%dma_start3A_8 : memref<128xi32, #tpu.memory_space<vmem>>) semaphore(%arg11 : memref<!tpu.dma_semaphore, #tpu.memory_space<semaphore_mem>>)
    %dma_start3A_12 = arith.constant 256 : i32
    %dma_start3A_13 = tpu.memref_slice %arg5[%dma_start3A_12] : memref<5120xi32, #tpu.memory_space<vmem>> -> memref<128xi32, #tpu.memory_space<vmem>>
    %dma_start3A_14 = arith.constant 0 : i32
    %dma_start3A_15 = arith.constant 0 : i32
    %dma_start3A_16 = tpu.memref_slice %arg2[%dma_start3A_14, %dma_start3A_15] : memref<1000000x128xf32, #tpu.memory_space<hbm>> -> memref<1000000x128xf32, #tpu.memory_space<hbm>>
    tpu.enqueue_indirect_dma source(%dma_start3A_16 : memref<1000000x128xf32, #tpu.memory_space<hbm>>) target(%arg8 : memref<128x128xf32, #tpu.memory_space<vmem>>) offsets(%dma_start3A_13 : memref<128xi32, #tpu.memory_space<vmem>>) semaphore(%arg12 : memref<!tpu.dma_semaphore, #tpu.memory_space<semaphore_mem>>)
    %dma_start3A_17 = arith.constant 384 : i32
    %dma_start3A_18 = tpu.memref_slice %arg5[%dma_start3A_17] : memref<5120xi32, #tpu.memory_space<vmem>> -> memref<128xi32, #tpu.memory_space<vmem>>
    %dma_start3A_19 = arith.constant 0 : i32
    %dma_start3A_20 = arith.constant 0 : i32
    %dma_start3A_21 = tpu.memref_slice %arg2[%dma_start3A_19, %dma_start3A_20] : memref<1000000x128xf32, #tpu.memory_space<hbm>> -> memref<1000000x128xf32, #tpu.memory_space<hbm>>
    tpu.enqueue_indirect_dma source(%dma_start3A_21 : memref<1000000x128xf32, #tpu.memory_space<hbm>>) target(%arg9 : memref<128x128xf32, #tpu.memory_space<vmem>>) offsets(%dma_start3A_18 : memref<128xi32, #tpu.memory_space<vmem>>) semaphore(%arg13 : memref<!tpu.dma_semaphore, #tpu.memory_space<semaphore_mem>>)
    %scan3A = arith.constant 0 : i32
    %scan3A_22 = arith.constant 9 : i32
    %scan3A_23 = arith.addi %scan3A, %scan3A_22 : i32
    %scan3A_24 = arith.constant 1 : i32
    scf.for %scan3A_89 = %scan3A to %scan3A_23 step %scan3A_24  : i32 {
      %mul3A_90 = arith.constant 4 : i32
      %mul3A_91 = arith.muli %scan3A_89, %mul3A_90 : i32
      %add3A_92 = arith.constant 0 : i32
      %add3A_93 = arith.addi %add3A_92, %mul3A_91 : i32
      %dma_wait3A_94 = arith.constant 0 : i32
      %dma_wait3A_95 = tpu.memref_slice %arg5[%dma_wait3A_94] : memref<5120xi32, #tpu.memory_space<vmem>> -> memref<128xi32, #tpu.memory_space<vmem>>
      %dma_wait3A_96 = arith.constant 0 : i32
      %dma_wait3A_97 = arith.constant 0 : i32
      %dma_wait3A_98 = tpu.memref_slice %arg2[%dma_wait3A_96, %dma_wait3A_97] : memref<1000000x128xf32, #tpu.memory_space<hbm>> -> memref<1000000x128xf32, #tpu.memory_space<hbm>>
      tpu.wait_indirect_dma semaphore(%arg10 : memref<!tpu.dma_semaphore, #tpu.memory_space<semaphore_mem>>) src(%dma_wait3A_98 : memref<1000000x128xf32, #tpu.memory_space<hbm>>) dst(%arg6 : memref<128x128xf32, #tpu.memory_space<vmem>>)
      %add3A_99 = arith.constant 0 : i32
      %add3A_100 = arith.addi %add3A_93, %add3A_99 : i32
      %mul3A_101 = arith.constant 128 : i32
      %mul3A_102 = arith.muli %add3A_100, %mul3A_101 : i32
      %add3A_103 = arith.addi %mul3A_2, %mul3A_102 : i32
      %dma_start3A_104 = arith.constant 0 : i32
      %dma_start3A_105 = tpu.memref_slice %arg4[%add3A_103, %dma_start3A_104] : memref<163840x128xf32, #tpu.memory_space<hbm>> -> memref<128x128xf32, #tpu.memory_space<hbm>>
      %dma_start3A_106 = arith.constant 0 : i32
      %dma_start3A_107 = tpu.memref_slice %arg4[%add3A_103, %dma_start3A_106] : memref<163840x128xf32, #tpu.memory_space<hbm>> -> memref<128x128xf32, #tpu.memory_space<hbm>>
      tpu.enqueue_dma source(%arg6 : memref<128x128xf32, #tpu.memory_space<vmem>>) target(%dma_start3A_107 : memref<128x128xf32, #tpu.memory_space<hbm>>) target_semaphore(%arg14 : memref<!tpu.dma_semaphore, #tpu.memory_space<semaphore_mem>>)
      %dma_wait3A_108 = arith.constant 0 : i32
      %dma_wait3A_109 = tpu.memref_slice %arg5[%dma_wait3A_108] : memref<5120xi32, #tpu.memory_space<vmem>> -> memref<128xi32, #tpu.memory_space<vmem>>
      %dma_wait3A_110 = arith.constant 0 : i32
      %dma_wait3A_111 = arith.constant 0 : i32
      %dma_wait3A_112 = tpu.memref_slice %arg2[%dma_wait3A_110, %dma_wait3A_111] : memref<1000000x128xf32, #tpu.memory_space<hbm>> -> memref<1000000x128xf32, #tpu.memory_space<hbm>>
      tpu.wait_indirect_dma semaphore(%arg11 : memref<!tpu.dma_semaphore, #tpu.memory_space<semaphore_mem>>) src(%dma_wait3A_112 : memref<1000000x128xf32, #tpu.memory_space<hbm>>) dst(%arg7 : memref<128x128xf32, #tpu.memory_space<vmem>>)
      %add3A_113 = arith.constant 1 : i32
      %add3A_114 = arith.addi %add3A_93, %add3A_113 : i32
      %mul3A_115 = arith.constant 128 : i32
      %mul3A_116 = arith.muli %add3A_114, %mul3A_115 : i32
      %add3A_117 = arith.addi %mul3A_2, %mul3A_116 : i32
      %dma_start3A_118 = arith.constant 0 : i32
      %dma_start3A_119 = tpu.memref_slice %arg4[%add3A_117, %dma_start3A_118] : memref<163840x128xf32, #tpu.memory_space<hbm>> -> memref<128x128xf32, #tpu.memory_space<hbm>>
      %dma_start3A_120 = arith.constant 0 : i32
      %dma_start3A_121 = tpu.memref_slice %arg4[%add3A_117, %dma_start3A_120] : memref<163840x128xf32, #tpu.memory_space<hbm>> -> memref<128x128xf32, #tpu.memory_space<hbm>>
      tpu.enqueue_dma source(%arg7 : memref<128x128xf32, #tpu.memory_space<vmem>>) target(%dma_start3A_121 : memref<128x128xf32, #tpu.memory_space<hbm>>) target_semaphore(%arg15 : memref<!tpu.dma_semaphore, #tpu.memory_space<semaphore_mem>>)
      %dma_wait3A_122 = arith.constant 0 : i32
      %dma_wait3A_123 = tpu.memref_slice %arg5[%dma_wait3A_122] : memref<5120xi32, #tpu.memory_space<vmem>> -> memref<128xi32, #tpu.memory_space<vmem>>
      %dma_wait3A_124 = arith.constant 0 : i32
      %dma_wait3A_125 = arith.constant 0 : i32
      %dma_wait3A_126 = tpu.memref_slice %arg2[%dma_wait3A_124, %dma_wait3A_125] : memref<1000000x128xf32, #tpu.memory_space<hbm>> -> memref<1000000x128xf32, #tpu.memory_space<hbm>>
      tpu.wait_indirect_dma semaphore(%arg12 : memref<!tpu.dma_semaphore, #tpu.memory_space<semaphore_mem>>) src(%dma_wait3A_126 : memref<1000000x128xf32, #tpu.memory_space<hbm>>) dst(%arg8 : memref<128x128xf32, #tpu.memory_space<vmem>>)
      %add3A_127 = arith.constant 2 : i32
      %add3A_128 = arith.addi %add3A_93, %add3A_127 : i32
      %mul3A_129 = arith.constant 128 : i32
      %mul3A_130 = arith.muli %add3A_128, %mul3A_129 : i32
      %add3A_131 = arith.addi %mul3A_2, %mul3A_130 : i32
      %dma_start3A_132 = arith.constant 0 : i32
      %dma_start3A_133 = tpu.memref_slice %arg4[%add3A_131, %dma_start3A_132] : memref<163840x128xf32, #tpu.memory_space<hbm>> -> memref<128x128xf32, #tpu.memory_space<hbm>>
      %dma_start3A_134 = arith.constant 0 : i32
      %dma_start3A_135 = tpu.memref_slice %arg4[%add3A_131, %dma_start3A_134] : memref<163840x128xf32, #tpu.memory_space<hbm>> -> memref<128x128xf32, #tpu.memory_space<hbm>>
      tpu.enqueue_dma source(%arg8 : memref<128x128xf32, #tpu.memory_space<vmem>>) target(%dma_start3A_135 : memref<128x128xf32, #tpu.memory_space<hbm>>) target_semaphore(%arg16 : memref<!tpu.dma_semaphore, #tpu.memory_space<semaphore_mem>>)
      %dma_wait3A_136 = arith.constant 0 : i32
      %dma_wait3A_137 = tpu.memref_slice %arg5[%dma_wait3A_136] : memref<5120xi32, #tpu.memory_space<vmem>> -> memref<128xi32, #tpu.memory_space<vmem>>
      %dma_wait3A_138 = arith.constant 0 : i32
      %dma_wait3A_139 = arith.constant 0 : i32
      %dma_wait3A_140 = tpu.memref_slice %arg2[%dma_wait3A_138, %dma_wait3A_139] : memref<1000000x128xf32, #tpu.memory_space<hbm>> -> memref<1000000x128xf32, #tpu.memory_space<hbm>>
      tpu.wait_indirect_dma semaphore(%arg13 : memref<!tpu.dma_semaphore, #tpu.memory_space<semaphore_mem>>) src(%dma_wait3A_140 : memref<1000000x128xf32, #tpu.memory_space<hbm>>) dst(%arg9 : memref<128x128xf32, #tpu.memory_space<vmem>>)
      %add3A_141 = arith.constant 3 : i32
      %add3A_142 = arith.addi %add3A_93, %add3A_141 : i32
      %mul3A_143 = arith.constant 128 : i32
      %mul3A_144 = arith.muli %add3A_142, %mul3A_143 : i32
      %add3A_145 = arith.addi %mul3A_2, %mul3A_144 : i32
      %dma_start3A_146 = arith.constant 0 : i32
      %dma_start3A_147 = tpu.memref_slice %arg4[%add3A_145, %dma_start3A_146] : memref<163840x128xf32, #tpu.memory_space<hbm>> -> memref<128x128xf32, #tpu.memory_space<hbm>>
      %dma_start3A_148 = arith.constant 0 : i32
      %dma_start3A_149 = tpu.memref_slice %arg4[%add3A_145, %dma_start3A_148] : memref<163840x128xf32, #tpu.memory_space<hbm>> -> memref<128x128xf32, #tpu.memory_space<hbm>>
      tpu.enqueue_dma source(%arg9 : memref<128x128xf32, #tpu.memory_space<vmem>>) target(%dma_start3A_149 : memref<128x128xf32, #tpu.memory_space<hbm>>) target_semaphore(%arg17 : memref<!tpu.dma_semaphore, #tpu.memory_space<semaphore_mem>>)
      %dma_wait3A_150 = arith.constant 0 : i32
      %dma_wait3A_151 = tpu.memref_slice %arg5[%dma_wait3A_150] : memref<5120xi32, #tpu.memory_space<vmem>> -> memref<128xi32, #tpu.memory_space<vmem>>
      %dma_wait3A_152 = arith.constant 0 : i32
      %dma_wait3A_153 = arith.constant 0 : i32
      %dma_wait3A_154 = tpu.memref_slice %arg2[%dma_wait3A_152, %dma_wait3A_153] : memref<1000000x128xf32, #tpu.memory_space<hbm>> -> memref<1000000x128xf32, #tpu.memory_space<hbm>>
      tpu.wait_indirect_dma semaphore(%arg14 : memref<!tpu.dma_semaphore, #tpu.memory_space<semaphore_mem>>) src(%dma_wait3A_154 : memref<1000000x128xf32, #tpu.memory_space<hbm>>) dst(%arg6 : memref<128x128xf32, #tpu.memory_space<vmem>>)
      %add3A_155 = arith.constant 4 : i32
      %add3A_156 = arith.addi %add3A_93, %add3A_155 : i32
      %add3A_157 = arith.constant 0 : i32
      %add3A_158 = arith.addi %add3A_156, %add3A_157 : i32
      %mul3A_159 = arith.constant 128 : i32
      %mul3A_160 = arith.muli %add3A_158, %mul3A_159 : i32
      %dma_start3A_161 = tpu.memref_slice %arg5[%mul3A_160] : memref<5120xi32, #tpu.memory_space<vmem>> -> memref<128xi32, #tpu.memory_space<vmem>>
      %dma_start3A_162 = arith.constant 0 : i32
      %dma_start3A_163 = arith.constant 0 : i32
      %dma_start3A_164 = tpu.memref_slice %arg2[%dma_start3A_162, %dma_start3A_163] : memref<1000000x128xf32, #tpu.memory_space<hbm>> -> memref<1000000x128xf32, #tpu.memory_space<hbm>>
      tpu.enqueue_indirect_dma source(%dma_start3A_164 : memref<1000000x128xf32, #tpu.memory_space<hbm>>) target(%arg6 : memref<128x128xf32, #tpu.memory_space<vmem>>) offsets(%dma_start3A_161 : memref<128xi32, #tpu.memory_space<vmem>>) semaphore(%arg10 : memref<!tpu.dma_semaphore, #tpu.memory_space<semaphore_mem>>)
      %dma_wait3A_165 = arith.constant 0 : i32
      %dma_wait3A_166 = tpu.memref_slice %arg5[%dma_wait3A_165] : memref<5120xi32, #tpu.memory_space<vmem>> -> memref<128xi32, #tpu.memory_space<vmem>>
      %dma_wait3A_167 = arith.constant 0 : i32
      %dma_wait3A_168 = arith.constant 0 : i32
      %dma_wait3A_169 = tpu.memref_slice %arg2[%dma_wait3A_167, %dma_wait3A_168] : memref<1000000x128xf32, #tpu.memory_space<hbm>> -> memref<1000000x128xf32, #tpu.memory_space<hbm>>
      tpu.wait_indirect_dma semaphore(%arg15 : memref<!tpu.dma_semaphore, #tpu.memory_space<semaphore_mem>>) src(%dma_wait3A_169 : memref<1000000x128xf32, #tpu.memory_space<hbm>>) dst(%arg7 : memref<128x128xf32, #tpu.memory_space<vmem>>)
      %add3A_170 = arith.constant 4 : i32
      %add3A_171 = arith.addi %add3A_93, %add3A_170 : i32
      %add3A_172 = arith.constant 1 : i32
      %add3A_173 = arith.addi %add3A_171, %add3A_172 : i32
      %mul3A_174 = arith.constant 128 : i32
      %mul3A_175 = arith.muli %add3A_173, %mul3A_174 : i32
      %dma_start3A_176 = tpu.memref_slice %arg5[%mul3A_175] : memref<5120xi32, #tpu.memory_space<vmem>> -> memref<128xi32, #tpu.memory_space<vmem>>
      %dma_start3A_177 = arith.constant 0 : i32
      %dma_start3A_178 = arith.constant 0 : i32
      %dma_start3A_179 = tpu.memref_slice %arg2[%dma_start3A_177, %dma_start3A_178] : memref<1000000x128xf32, #tpu.memory_space<hbm>> -> memref<1000000x128xf32, #tpu.memory_space<hbm>>
      tpu.enqueue_indirect_dma source(%dma_start3A_179 : memref<1000000x128xf32, #tpu.memory_space<hbm>>) target(%arg7 : memref<128x128xf32, #tpu.memory_space<vmem>>) offsets(%dma_start3A_176 : memref<128xi32, #tpu.memory_space<vmem>>) semaphore(%arg11 : memref<!tpu.dma_semaphore, #tpu.memory_space<semaphore_mem>>)
      %dma_wait3A_180 = arith.constant 0 : i32
      %dma_wait3A_181 = tpu.memref_slice %arg5[%dma_wait3A_180] : memref<5120xi32, #tpu.memory_space<vmem>> -> memref<128xi32, #tpu.memory_space<vmem>>
      %dma_wait3A_182 = arith.constant 0 : i32
      %dma_wait3A_183 = arith.constant 0 : i32
      %dma_wait3A_184 = tpu.memref_slice %arg2[%dma_wait3A_182, %dma_wait3A_183] : memref<1000000x128xf32, #tpu.memory_space<hbm>> -> memref<1000000x128xf32, #tpu.memory_space<hbm>>
      tpu.wait_indirect_dma semaphore(%arg16 : memref<!tpu.dma_semaphore, #tpu.memory_space<semaphore_mem>>) src(%dma_wait3A_184 : memref<1000000x128xf32, #tpu.memory_space<hbm>>) dst(%arg8 : memref<128x128xf32, #tpu.memory_space<vmem>>)
      %add3A_185 = arith.constant 4 : i32
      %add3A_186 = arith.addi %add3A_93, %add3A_185 : i32
      %add3A_187 = arith.constant 2 : i32
      %add3A_188 = arith.addi %add3A_186, %add3A_187 : i32
      %mul3A_189 = arith.constant 128 : i32
      %mul3A_190 = arith.muli %add3A_188, %mul3A_189 : i32
      %dma_start3A_191 = tpu.memref_slice %arg5[%mul3A_190] : memref<5120xi32, #tpu.memory_space<vmem>> -> memref<128xi32, #tpu.memory_space<vmem>>
      %dma_start3A_192 = arith.constant 0 : i32
      %dma_start3A_193 = arith.constant 0 : i32
      %dma_start3A_194 = tpu.memref_slice %arg2[%dma_start3A_192, %dma_start3A_193] : memref<1000000x128xf32, #tpu.memory_space<hbm>> -> memref<1000000x128xf32, #tpu.memory_space<hbm>>
      tpu.enqueue_indirect_dma source(%dma_start3A_194 : memref<1000000x128xf32, #tpu.memory_space<hbm>>) target(%arg8 : memref<128x128xf32, #tpu.memory_space<vmem>>) offsets(%dma_start3A_191 : memref<128xi32, #tpu.memory_space<vmem>>) semaphore(%arg12 : memref<!tpu.dma_semaphore, #tpu.memory_space<semaphore_mem>>)
      %dma_wait3A_195 = arith.constant 0 : i32
      %dma_wait3A_196 = tpu.memref_slice %arg5[%dma_wait3A_195] : memref<5120xi32, #tpu.memory_space<vmem>> -> memref<128xi32, #tpu.memory_space<vmem>>
      %dma_wait3A_197 = arith.constant 0 : i32
      %dma_wait3A_198 = arith.constant 0 : i32
      %dma_wait3A_199 = tpu.memref_slice %arg2[%dma_wait3A_197, %dma_wait3A_198] : memref<1000000x128xf32, #tpu.memory_space<hbm>> -> memref<1000000x128xf32, #tpu.memory_space<hbm>>
      tpu.wait_indirect_dma semaphore(%arg17 : memref<!tpu.dma_semaphore, #tpu.memory_space<semaphore_mem>>) src(%dma_wait3A_199 : memref<1000000x128xf32, #tpu.memory_space<hbm>>) dst(%arg9 : memref<128x128xf32, #tpu.memory_space<vmem>>)
      %add3A_200 = arith.constant 4 : i32
      %add3A_201 = arith.addi %add3A_93, %add3A_200 : i32
      %add3A_202 = arith.constant 3 : i32
      %add3A_203 = arith.addi %add3A_201, %add3A_202 : i32
      %mul3A_204 = arith.constant 128 : i32
      %mul3A_205 = arith.muli %add3A_203, %mul3A_204 : i32
      %dma_start3A_206 = tpu.memref_slice %arg5[%mul3A_205] : memref<5120xi32, #tpu.memory_space<vmem>> -> memref<128xi32, #tpu.memory_space<vmem>>
      %dma_start3A_207 = arith.constant 0 : i32
      %dma_start3A_208 = arith.constant 0 : i32
      %dma_start3A_209 = tpu.memref_slice %arg2[%dma_start3A_207, %dma_start3A_208] : memref<1000000x128xf32, #tpu.memory_space<hbm>> -> memref<1000000x128xf32, #tpu.memory_space<hbm>>
      tpu.enqueue_indirect_dma source(%dma_start3A_209 : memref<1000000x128xf32, #tpu.memory_space<hbm>>) target(%arg9 : memref<128x128xf32, #tpu.memory_space<vmem>>) offsets(%dma_start3A_206 : memref<128xi32, #tpu.memory_space<vmem>>) semaphore(%arg13 : memref<!tpu.dma_semaphore, #tpu.memory_space<semaphore_mem>>)
    }
    %scan3A_25 = arith.constant 9 : i32
    %dma_wait3A = arith.constant 0 : i32
    %dma_wait3A_26 = tpu.memref_slice %arg5[%dma_wait3A] : memref<5120xi32, #tpu.memory_space<vmem>> -> memref<128xi32, #tpu.memory_space<vmem>>
    %dma_wait3A_27 = arith.constant 0 : i32
    %dma_wait3A_28 = arith.constant 0 : i32
    %dma_wait3A_29 = tpu.memref_slice %arg2[%dma_wait3A_27, %dma_wait3A_28] : memref<1000000x128xf32, #tpu.memory_space<hbm>> -> memref<1000000x128xf32, #tpu.memory_space<hbm>>
    tpu.wait_indirect_dma semaphore(%arg10 : memref<!tpu.dma_semaphore, #tpu.memory_space<semaphore_mem>>) src(%dma_wait3A_29 : memref<1000000x128xf32, #tpu.memory_space<hbm>>) dst(%arg6 : memref<128x128xf32, #tpu.memory_space<vmem>>)
    %add3A_30 = arith.constant 4608 : i32
    %add3A_31 = arith.addi %mul3A_2, %add3A_30 : i32
    %dma_start3A_32 = arith.constant 0 : i32
    %dma_start3A_33 = tpu.memref_slice %arg4[%add3A_31, %dma_start3A_32] : memref<163840x128xf32, #tpu.memory_space<hbm>> -> memref<128x128xf32, #tpu.memory_space<hbm>>
    %dma_start3A_34 = arith.constant 0 : i32
    %dma_start3A_35 = tpu.memref_slice %arg4[%add3A_31, %dma_start3A_34] : memref<163840x128xf32, #tpu.memory_space<hbm>> -> memref<128x128xf32, #tpu.memory_space<hbm>>
    tpu.enqueue_dma source(%arg6 : memref<128x128xf32, #tpu.memory_space<vmem>>) target(%dma_start3A_35 : memref<128x128xf32, #tpu.memory_space<hbm>>) target_semaphore(%arg14 : memref<!tpu.dma_semaphore, #tpu.memory_space<semaphore_mem>>)
    %dma_wait3A_36 = arith.constant 0 : i32
    %dma_wait3A_37 = tpu.memref_slice %arg5[%dma_wait3A_36] : memref<5120xi32, #tpu.memory_space<vmem>> -> memref<128xi32, #tpu.memory_space<vmem>>
    %dma_wait3A_38 = arith.constant 0 : i32
    %dma_wait3A_39 = arith.constant 0 : i32
    %dma_wait3A_40 = tpu.memref_slice %arg2[%dma_wait3A_38, %dma_wait3A_39] : memref<1000000x128xf32, #tpu.memory_space<hbm>> -> memref<1000000x128xf32, #tpu.memory_space<hbm>>
    tpu.wait_indirect_dma semaphore(%arg11 : memref<!tpu.dma_semaphore, #tpu.memory_space<semaphore_mem>>) src(%dma_wait3A_40 : memref<1000000x128xf32, #tpu.memory_space<hbm>>) dst(%arg7 : memref<128x128xf32, #tpu.memory_space<vmem>>)
    %add3A_41 = arith.constant 4736 : i32
    %add3A_42 = arith.addi %mul3A_2, %add3A_41 : i32
    %dma_start3A_43 = arith.constant 0 : i32
    %dma_start3A_44 = tpu.memref_slice %arg4[%add3A_42, %dma_start3A_43] : memref<163840x128xf32, #tpu.memory_space<hbm>> -> memref<128x128xf32, #tpu.memory_space<hbm>>
    %dma_start3A_45 = arith.constant 0 : i32
    %dma_start3A_46 = tpu.memref_slice %arg4[%add3A_42, %dma_start3A_45] : memref<163840x128xf32, #tpu.memory_space<hbm>> -> memref<128x128xf32, #tpu.memory_space<hbm>>
    tpu.enqueue_dma source(%arg7 : memref<128x128xf32, #tpu.memory_space<vmem>>) target(%dma_start3A_46 : memref<128x128xf32, #tpu.memory_space<hbm>>) target_semaphore(%arg15 : memref<!tpu.dma_semaphore, #tpu.memory_space<semaphore_mem>>)
    %dma_wait3A_47 = arith.constant 0 : i32
    %dma_wait3A_48 = tpu.memref_slice %arg5[%dma_wait3A_47] : memref<5120xi32, #tpu.memory_space<vmem>> -> memref<128xi32, #tpu.memory_space<vmem>>
    %dma_wait3A_49 = arith.constant 0 : i32
    %dma_wait3A_50 = arith.constant 0 : i32
    %dma_wait3A_51 = tpu.memref_slice %arg2[%dma_wait3A_49, %dma_wait3A_50] : memref<1000000x128xf32, #tpu.memory_space<hbm>> -> memref<1000000x128xf32, #tpu.memory_space<hbm>>
    tpu.wait_indirect_dma semaphore(%arg12 : memref<!tpu.dma_semaphore, #tpu.memory_space<semaphore_mem>>) src(%dma_wait3A_51 : memref<1000000x128xf32, #tpu.memory_space<hbm>>) dst(%arg8 : memref<128x128xf32, #tpu.memory_space<vmem>>)
    %add3A_52 = arith.constant 4864 : i32
    %add3A_53 = arith.addi %mul3A_2, %add3A_52 : i32
    %dma_start3A_54 = arith.constant 0 : i32
    %dma_start3A_55 = tpu.memref_slice %arg4[%add3A_53, %dma_start3A_54] : memref<163840x128xf32, #tpu.memory_space<hbm>> -> memref<128x128xf32, #tpu.memory_space<hbm>>
    %dma_start3A_56 = arith.constant 0 : i32
    %dma_start3A_57 = tpu.memref_slice %arg4[%add3A_53, %dma_start3A_56] : memref<163840x128xf32, #tpu.memory_space<hbm>> -> memref<128x128xf32, #tpu.memory_space<hbm>>
    tpu.enqueue_dma source(%arg8 : memref<128x128xf32, #tpu.memory_space<vmem>>) target(%dma_start3A_57 : memref<128x128xf32, #tpu.memory_space<hbm>>) target_semaphore(%arg16 : memref<!tpu.dma_semaphore, #tpu.memory_space<semaphore_mem>>)
    %dma_wait3A_58 = arith.constant 0 : i32
    %dma_wait3A_59 = tpu.memref_slice %arg5[%dma_wait3A_58] : memref<5120xi32, #tpu.memory_space<vmem>> -> memref<128xi32, #tpu.memory_space<vmem>>
    %dma_wait3A_60 = arith.constant 0 : i32
    %dma_wait3A_61 = arith.constant 0 : i32
    %dma_wait3A_62 = tpu.memref_slice %arg2[%dma_wait3A_60, %dma_wait3A_61] : memref<1000000x128xf32, #tpu.memory_space<hbm>> -> memref<1000000x128xf32, #tpu.memory_space<hbm>>
    tpu.wait_indirect_dma semaphore(%arg13 : memref<!tpu.dma_semaphore, #tpu.memory_space<semaphore_mem>>) src(%dma_wait3A_62 : memref<1000000x128xf32, #tpu.memory_space<hbm>>) dst(%arg9 : memref<128x128xf32, #tpu.memory_space<vmem>>)
    %add3A_63 = arith.constant 4992 : i32
    %add3A_64 = arith.addi %mul3A_2, %add3A_63 : i32
    %dma_start3A_65 = arith.constant 0 : i32
    %dma_start3A_66 = tpu.memref_slice %arg4[%add3A_64, %dma_start3A_65] : memref<163840x128xf32, #tpu.memory_space<hbm>> -> memref<128x128xf32, #tpu.memory_space<hbm>>
    %dma_start3A_67 = arith.constant 0 : i32
    %dma_start3A_68 = tpu.memref_slice %arg4[%add3A_64, %dma_start3A_67] : memref<163840x128xf32, #tpu.memory_space<hbm>> -> memref<128x128xf32, #tpu.memory_space<hbm>>
    tpu.enqueue_dma source(%arg9 : memref<128x128xf32, #tpu.memory_space<vmem>>) target(%dma_start3A_68 : memref<128x128xf32, #tpu.memory_space<hbm>>) target_semaphore(%arg17 : memref<!tpu.dma_semaphore, #tpu.memory_space<semaphore_mem>>)
    %dma_wait3A_69 = arith.constant 0 : i32
    %dma_wait3A_70 = tpu.memref_slice %arg5[%dma_wait3A_69] : memref<5120xi32, #tpu.memory_space<vmem>> -> memref<128xi32, #tpu.memory_space<vmem>>
    %dma_wait3A_71 = arith.constant 0 : i32
    %dma_wait3A_72 = arith.constant 0 : i32
    %dma_wait3A_73 = tpu.memref_slice %arg2[%dma_wait3A_71, %dma_wait3A_72] : memref<1000000x128xf32, #tpu.memory_space<hbm>> -> memref<1000000x128xf32, #tpu.memory_space<hbm>>
    tpu.wait_indirect_dma semaphore(%arg14 : memref<!tpu.dma_semaphore, #tpu.memory_space<semaphore_mem>>) src(%dma_wait3A_73 : memref<1000000x128xf32, #tpu.memory_space<hbm>>) dst(%arg6 : memref<128x128xf32, #tpu.memory_space<vmem>>)
    %dma_wait3A_74 = arith.constant 0 : i32
    %dma_wait3A_75 = tpu.memref_slice %arg5[%dma_wait3A_74] : memref<5120xi32, #tpu.memory_space<vmem>> -> memref<128xi32, #tpu.memory_space<vmem>>
    %dma_wait3A_76 = arith.constant 0 : i32
    %dma_wait3A_77 = arith.constant 0 : i32
    %dma_wait3A_78 = tpu.memref_slice %arg2[%dma_wait3A_76, %dma_wait3A_77] : memref<1000000x128xf32, #tpu.memory_space<hbm>> -> memref<1000000x128xf32, #tpu.memory_space<hbm>>
    tpu.wait_indirect_dma semaphore(%arg15 : memref<!tpu.dma_semaphore, #tpu.memory_space<semaphore_mem>>) src(%dma_wait3A_78 : memref<1000000x128xf32, #tpu.memory_space<hbm>>) dst(%arg7 : memref<128x128xf32, #tpu.memory_space<vmem>>)
    %dma_wait3A_79 = arith.constant 0 : i32
    %dma_wait3A_80 = tpu.memref_slice %arg5[%dma_wait3A_79] : memref<5120xi32, #tpu.memory_space<vmem>> -> memref<128xi32, #tpu.memory_space<vmem>>
    %dma_wait3A_81 = arith.constant 0 : i32
    %dma_wait3A_82 = arith.constant 0 : i32
    %dma_wait3A_83 = tpu.memref_slice %arg2[%dma_wait3A_81, %dma_wait3A_82] : memref<1000000x128xf32, #tpu.memory_space<hbm>> -> memref<1000000x128xf32, #tpu.memory_space<hbm>>
    tpu.wait_indirect_dma semaphore(%arg16 : memref<!tpu.dma_semaphore, #tpu.memory_space<semaphore_mem>>) src(%dma_wait3A_83 : memref<1000000x128xf32, #tpu.memory_space<hbm>>) dst(%arg8 : memref<128x128xf32, #tpu.memory_space<vmem>>)
    %dma_wait3A_84 = arith.constant 0 : i32
    %dma_wait3A_85 = tpu.memref_slice %arg5[%dma_wait3A_84] : memref<5120xi32, #tpu.memory_space<vmem>> -> memref<128xi32, #tpu.memory_space<vmem>>
    %dma_wait3A_86 = arith.constant 0 : i32
    %dma_wait3A_87 = arith.constant 0 : i32
    %dma_wait3A_88 = tpu.memref_slice %arg2[%dma_wait3A_86, %dma_wait3A_87] : memref<1000000x128xf32, #tpu.memory_space<hbm>> -> memref<1000000x128xf32, #tpu.memory_space<hbm>>
    tpu.wait_indirect_dma semaphore(%arg17 : memref<!tpu.dma_semaphore, #tpu.memory_space<semaphore_mem>>) src(%dma_wait3A_88 : memref<1000000x128xf32, #tpu.memory_space<hbm>>) dst(%arg9 : memref<128x128xf32, #tpu.memory_space<vmem>>)
    return
  }
}

#map = affine_map<(d0, d1) -> (0, 0)>
#map1 = affine_map<(d0, d1) -> (0)>
module attributes {stable_mosaic.version = 14 : i64} {
  func.func @gather_kernel(%arg0: i32, %arg1: i32, %arg2: memref<1000000x128xf32, #tpu.memory_space<hbm>>, %arg3: memref<163840xi32, #tpu.memory_space<hbm>>, %arg4: memref<163840x128xf32, #tpu.memory_space<hbm>>, %arg5: memref<5120xi32, #tpu.memory_space<vmem>>, %arg6: memref<128x128xf32, #tpu.memory_space<vmem>>, %arg7: memref<128x128xf32, #tpu.memory_space<vmem>>, %arg8: memref<128x128xf32, #tpu.memory_space<vmem>>, %arg9: memref<128x128xf32, #tpu.memory_space<vmem>>, %arg10: memref<!tpu.dma_semaphore, #tpu.memory_space<semaphore_mem>>, %arg11: memref<!tpu.dma_semaphore, #tpu.memory_space<semaphore_mem>>, %arg12: memref<!tpu.dma_semaphore, #tpu.memory_space<semaphore_mem>>, %arg13: memref<!tpu.dma_semaphore, #tpu.memory_space<semaphore_mem>>, %arg14: memref<!tpu.dma_semaphore, #tpu.memory_space<semaphore_mem>>, %arg15: memref<!tpu.dma_semaphore, #tpu.memory_space<semaphore_mem>>, %arg16: memref<!tpu.dma_semaphore, #tpu.memory_space<semaphore_mem>>, %arg17: memref<!tpu.dma_semaphore, #tpu.memory_space<semaphore_mem>>) attributes {dimension_semantics = [#tpu.dimension_semantics<core_parallel>, #tpu.dimension_semantics<subcore_parallel>], iteration_bounds = array<i64: 2, 16>, scalar_prefetch = 0 : i64, scratch_operands = 13 : i64, tpu.core_type = #tpu.core_type<sc_vector_subcore>, window_params = [{transform_indices = #map}, {transform_indices = #map1}, {transform_indices = #map}]} {
    %mul3A = arith.constant 2 : i32
    %mul3A_0 = arith.muli %arg1, %mul3A : i32
    %add3A = arith.addi %mul3A_0, %arg0 : i32
    %mul3A_1 = arith.constant 5120 : i32
    %mul3A_2 = arith.muli %add3A, %mul3A_1 : i32
    "tpu.region"() ({
      %run_scoped3A = tpu.sem_alloc : memref<!tpu.dma_semaphore, #tpu.memory_space<semaphore_mem>>
      %dma_start3A_89 = tpu.memref_slice %arg3[%mul3A_2] : memref<163840xi32, #tpu.memory_space<hbm>> -> memref<5120xi32, #tpu.memory_space<hbm>>
      %dma_start3A_90 = tpu.memref_slice %arg3[%mul3A_2] : memref<163840xi32, #tpu.memory_space<hbm>> -> memref<5120xi32, #tpu.memory_space<hbm>>
      tpu.enqueue_dma source(%dma_start3A_90 : memref<5120xi32, #tpu.memory_space<hbm>>) target(%arg5 : memref<5120xi32, #tpu.memory_space<vmem>>) target_semaphore(%run_scoped3A : memref<!tpu.dma_semaphore, #tpu.memory_space<semaphore_mem>>)
      %dma_wait3A_91 = tpu.memref_slice %arg3[%mul3A_2] : memref<163840xi32, #tpu.memory_space<hbm>> -> memref<5120xi32, #tpu.memory_space<hbm>>
      %dma_wait3A_92 = tpu.memref_slice %arg3[%mul3A_2] : memref<163840xi32, #tpu.memory_space<hbm>> -> memref<5120xi32, #tpu.memory_space<hbm>>
      tpu.wait_dma2 semaphore(%run_scoped3A : memref<!tpu.dma_semaphore, #tpu.memory_space<semaphore_mem>>) src(%dma_wait3A_92 : memref<5120xi32, #tpu.memory_space<hbm>>) dst(%arg5 : memref<5120xi32, #tpu.memory_space<vmem>>)
      tpu.yield
    }) : () -> ()
    %dma_start3A = arith.constant 0 : i32
    %dma_start3A_3 = tpu.memref_slice %arg5[%dma_start3A] : memref<5120xi32, #tpu.memory_space<vmem>> -> memref<128xi32, #tpu.memory_space<vmem>>
    %dma_start3A_4 = arith.constant 0 : i32
    %dma_start3A_5 = arith.constant 0 : i32
    %dma_start3A_6 = tpu.memref_slice %arg2[%dma_start3A_4, %dma_start3A_5] : memref<1000000x128xf32, #tpu.memory_space<hbm>> -> memref<1000000x128xf32, #tpu.memory_space<hbm>>
    tpu.enqueue_indirect_dma source(%dma_start3A_6 : memref<1000000x128xf32, #tpu.memory_space<hbm>>) target(%arg6 : memref<128x128xf32, #tpu.memory_space<vmem>>) offsets(%dma_start3A_3 : memref<128xi32, #tpu.memory_space<vmem>>) semaphore(%arg10 : memref<!tpu.dma_semaphore, #tpu.memory_space<semaphore_mem>>)
    %dma_start3A_7 = arith.constant 128 : i32
    %dma_start3A_8 = tpu.memref_slice %arg5[%dma_start3A_7] : memref<5120xi32, #tpu.memory_space<vmem>> -> memref<128xi32, #tpu.memory_space<vmem>>
    %dma_start3A_9 = arith.constant 0 : i32
    %dma_start3A_10 = arith.constant 0 : i32
    %dma_start3A_11 = tpu.memref_slice %arg2[%dma_start3A_9, %dma_start3A_10] : memref<1000000x128xf32, #tpu.memory_space<hbm>> -> memref<1000000x128xf32, #tpu.memory_space<hbm>>
    tpu.enqueue_indirect_dma source(%dma_start3A_11 : memref<1000000x128xf32, #tpu.memory_space<hbm>>) target(%arg7 : memref<128x128xf32, #tpu.memory_space<vmem>>) offsets(%dma_start3A_8 : memref<128xi32, #tpu.memory_space<vmem>>) semaphore(%arg11 : memref<!tpu.dma_semaphore, #tpu.memory_space<semaphore_mem>>)
    %dma_start3A_12 = arith.constant 256 : i32
    %dma_start3A_13 = tpu.memref_slice %arg5[%dma_start3A_12] : memref<5120xi32, #tpu.memory_space<vmem>> -> memref<128xi32, #tpu.memory_space<vmem>>
    %dma_start3A_14 = arith.constant 0 : i32
    %dma_start3A_15 = arith.constant 0 : i32
    %dma_start3A_16 = tpu.memref_slice %arg2[%dma_start3A_14, %dma_start3A_15] : memref<1000000x128xf32, #tpu.memory_space<hbm>> -> memref<1000000x128xf32, #tpu.memory_space<hbm>>
    tpu.enqueue_indirect_dma source(%dma_start3A_16 : memref<1000000x128xf32, #tpu.memory_space<hbm>>) target(%arg8 : memref<128x128xf32, #tpu.memory_space<vmem>>) offsets(%dma_start3A_13 : memref<128xi32, #tpu.memory_space<vmem>>) semaphore(%arg12 : memref<!tpu.dma_semaphore, #tpu.memory_space<semaphore_mem>>)
    %dma_start3A_17 = arith.constant 384 : i32
    %dma_start3A_18 = tpu.memref_slice %arg5[%dma_start3A_17] : memref<5120xi32, #tpu.memory_space<vmem>> -> memref<128xi32, #tpu.memory_space<vmem>>
    %dma_start3A_19 = arith.constant 0 : i32
    %dma_start3A_20 = arith.constant 0 : i32
    %dma_start3A_21 = tpu.memref_slice %arg2[%dma_start3A_19, %dma_start3A_20] : memref<1000000x128xf32, #tpu.memory_space<hbm>> -> memref<1000000x128xf32, #tpu.memory_space<hbm>>
    tpu.enqueue_indirect_dma source(%dma_start3A_21 : memref<1000000x128xf32, #tpu.memory_space<hbm>>) target(%arg9 : memref<128x128xf32, #tpu.memory_space<vmem>>) offsets(%dma_start3A_18 : memref<128xi32, #tpu.memory_space<vmem>>) semaphore(%arg13 : memref<!tpu.dma_semaphore, #tpu.memory_space<semaphore_mem>>)
    %scan3A = arith.constant 0 : i32
    %scan3A_22 = arith.constant 9 : i32
    %scan3A_23 = arith.addi %scan3A, %scan3A_22 : i32
    %scan3A_24 = arith.constant 1 : i32
    scf.for %scan3A_89 = %scan3A to %scan3A_23 step %scan3A_24  : i32 {
      %mul3A_90 = arith.constant 4 : i32
      %mul3A_91 = arith.muli %scan3A_89, %mul3A_90 : i32
      %add3A_92 = arith.constant 0 : i32
      %add3A_93 = arith.addi %add3A_92, %mul3A_91 : i32
      %dma_wait3A_94 = arith.constant 0 : i32
      %dma_wait3A_95 = tpu.memref_slice %arg5[%dma_wait3A_94] : memref<5120xi32, #tpu.memory_space<vmem>> -> memref<128xi32, #tpu.memory_space<vmem>>
      %dma_wait3A_96 = arith.constant 0 : i32
      %dma_wait3A_97 = arith.constant 0 : i32
      %dma_wait3A_98 = tpu.memref_slice %arg2[%dma_wait3A_96, %dma_wait3A_97] : memref<1000000x128xf32, #tpu.memory_space<hbm>> -> memref<1000000x128xf32, #tpu.memory_space<hbm>>
      tpu.wait_indirect_dma semaphore(%arg10 : memref<!tpu.dma_semaphore, #tpu.memory_space<semaphore_mem>>) src(%dma_wait3A_98 : memref<1000000x128xf32, #tpu.memory_space<hbm>>) dst(%arg6 : memref<128x128xf32, #tpu.memory_space<vmem>>)
      %add3A_99 = arith.constant 0 : i32
      %add3A_100 = arith.addi %add3A_93, %add3A_99 : i32
      %mul3A_101 = arith.constant 128 : i32
      %mul3A_102 = arith.muli %add3A_100, %mul3A_101 : i32
      %add3A_103 = arith.addi %mul3A_2, %mul3A_102 : i32
      %dma_start3A_104 = arith.constant 0 : i32
      %dma_start3A_105 = tpu.memref_slice %arg4[%add3A_103, %dma_start3A_104] : memref<163840x128xf32, #tpu.memory_space<hbm>> -> memref<128x128xf32, #tpu.memory_space<hbm>>
      %dma_start3A_106 = arith.constant 0 : i32
      %dma_start3A_107 = tpu.memref_slice %arg4[%add3A_103, %dma_start3A_106] : memref<163840x128xf32, #tpu.memory_space<hbm>> -> memref<128x128xf32, #tpu.memory_space<hbm>>
      tpu.enqueue_dma source(%arg6 : memref<128x128xf32, #tpu.memory_space<vmem>>) target(%dma_start3A_107 : memref<128x128xf32, #tpu.memory_space<hbm>>) target_semaphore(%arg14 : memref<!tpu.dma_semaphore, #tpu.memory_space<semaphore_mem>>)
      %dma_wait3A_108 = arith.constant 0 : i32
      %dma_wait3A_109 = tpu.memref_slice %arg5[%dma_wait3A_108] : memref<5120xi32, #tpu.memory_space<vmem>> -> memref<128xi32, #tpu.memory_space<vmem>>
      %dma_wait3A_110 = arith.constant 0 : i32
      %dma_wait3A_111 = arith.constant 0 : i32
      %dma_wait3A_112 = tpu.memref_slice %arg2[%dma_wait3A_110, %dma_wait3A_111] : memref<1000000x128xf32, #tpu.memory_space<hbm>> -> memref<1000000x128xf32, #tpu.memory_space<hbm>>
      tpu.wait_indirect_dma semaphore(%arg11 : memref<!tpu.dma_semaphore, #tpu.memory_space<semaphore_mem>>) src(%dma_wait3A_112 : memref<1000000x128xf32, #tpu.memory_space<hbm>>) dst(%arg7 : memref<128x128xf32, #tpu.memory_space<vmem>>)
      %add3A_113 = arith.constant 1 : i32
      %add3A_114 = arith.addi %add3A_93, %add3A_113 : i32
      %mul3A_115 = arith.constant 128 : i32
      %mul3A_116 = arith.muli %add3A_114, %mul3A_115 : i32
      %add3A_117 = arith.addi %mul3A_2, %mul3A_116 : i32
      %dma_start3A_118 = arith.constant 0 : i32
      %dma_start3A_119 = tpu.memref_slice %arg4[%add3A_117, %dma_start3A_118] : memref<163840x128xf32, #tpu.memory_space<hbm>> -> memref<128x128xf32, #tpu.memory_space<hbm>>
      %dma_start3A_120 = arith.constant 0 : i32
      %dma_start3A_121 = tpu.memref_slice %arg4[%add3A_117, %dma_start3A_120] : memref<163840x128xf32, #tpu.memory_space<hbm>> -> memref<128x128xf32, #tpu.memory_space<hbm>>
      tpu.enqueue_dma source(%arg7 : memref<128x128xf32, #tpu.memory_space<vmem>>) target(%dma_start3A_121 : memref<128x128xf32, #tpu.memory_space<hbm>>) target_semaphore(%arg15 : memref<!tpu.dma_semaphore, #tpu.memory_space<semaphore_mem>>)
      %dma_wait3A_122 = arith.constant 0 : i32
      %dma_wait3A_123 = tpu.memref_slice %arg5[%dma_wait3A_122] : memref<5120xi32, #tpu.memory_space<vmem>> -> memref<128xi32, #tpu.memory_space<vmem>>
      %dma_wait3A_124 = arith.constant 0 : i32
      %dma_wait3A_125 = arith.constant 0 : i32
      %dma_wait3A_126 = tpu.memref_slice %arg2[%dma_wait3A_124, %dma_wait3A_125] : memref<1000000x128xf32, #tpu.memory_space<hbm>> -> memref<1000000x128xf32, #tpu.memory_space<hbm>>
      tpu.wait_indirect_dma semaphore(%arg12 : memref<!tpu.dma_semaphore, #tpu.memory_space<semaphore_mem>>) src(%dma_wait3A_126 : memref<1000000x128xf32, #tpu.memory_space<hbm>>) dst(%arg8 : memref<128x128xf32, #tpu.memory_space<vmem>>)
      %add3A_127 = arith.constant 2 : i32
      %add3A_128 = arith.addi %add3A_93, %add3A_127 : i32
      %mul3A_129 = arith.constant 128 : i32
      %mul3A_130 = arith.muli %add3A_128, %mul3A_129 : i32
      %add3A_131 = arith.addi %mul3A_2, %mul3A_130 : i32
      %dma_start3A_132 = arith.constant 0 : i32
      %dma_start3A_133 = tpu.memref_slice %arg4[%add3A_131, %dma_start3A_132] : memref<163840x128xf32, #tpu.memory_space<hbm>> -> memref<128x128xf32, #tpu.memory_space<hbm>>
      %dma_start3A_134 = arith.constant 0 : i32
      %dma_start3A_135 = tpu.memref_slice %arg4[%add3A_131, %dma_start3A_134] : memref<163840x128xf32, #tpu.memory_space<hbm>> -> memref<128x128xf32, #tpu.memory_space<hbm>>
      tpu.enqueue_dma source(%arg8 : memref<128x128xf32, #tpu.memory_space<vmem>>) target(%dma_start3A_135 : memref<128x128xf32, #tpu.memory_space<hbm>>) target_semaphore(%arg16 : memref<!tpu.dma_semaphore, #tpu.memory_space<semaphore_mem>>)
      %dma_wait3A_136 = arith.constant 0 : i32
      %dma_wait3A_137 = tpu.memref_slice %arg5[%dma_wait3A_136] : memref<5120xi32, #tpu.memory_space<vmem>> -> memref<128xi32, #tpu.memory_space<vmem>>
      %dma_wait3A_138 = arith.constant 0 : i32
      %dma_wait3A_139 = arith.constant 0 : i32
      %dma_wait3A_140 = tpu.memref_slice %arg2[%dma_wait3A_138, %dma_wait3A_139] : memref<1000000x128xf32, #tpu.memory_space<hbm>> -> memref<1000000x128xf32, #tpu.memory_space<hbm>>
      tpu.wait_indirect_dma semaphore(%arg13 : memref<!tpu.dma_semaphore, #tpu.memory_space<semaphore_mem>>) src(%dma_wait3A_140 : memref<1000000x128xf32, #tpu.memory_space<hbm>>) dst(%arg9 : memref<128x128xf32, #tpu.memory_space<vmem>>)
      %add3A_141 = arith.constant 3 : i32
      %add3A_142 = arith.addi %add3A_93, %add3A_141 : i32
      %mul3A_143 = arith.constant 128 : i32
      %mul3A_144 = arith.muli %add3A_142, %mul3A_143 : i32
      %add3A_145 = arith.addi %mul3A_2, %mul3A_144 : i32
      %dma_start3A_146 = arith.constant 0 : i32
      %dma_start3A_147 = tpu.memref_slice %arg4[%add3A_145, %dma_start3A_146] : memref<163840x128xf32, #tpu.memory_space<hbm>> -> memref<128x128xf32, #tpu.memory_space<hbm>>
      %dma_start3A_148 = arith.constant 0 : i32
      %dma_start3A_149 = tpu.memref_slice %arg4[%add3A_145, %dma_start3A_148] : memref<163840x128xf32, #tpu.memory_space<hbm>> -> memref<128x128xf32, #tpu.memory_space<hbm>>
      tpu.enqueue_dma source(%arg9 : memref<128x128xf32, #tpu.memory_space<vmem>>) target(%dma_start3A_149 : memref<128x128xf32, #tpu.memory_space<hbm>>) target_semaphore(%arg17 : memref<!tpu.dma_semaphore, #tpu.memory_space<semaphore_mem>>)
      %dma_wait3A_150 = arith.constant 0 : i32
      %dma_wait3A_151 = tpu.memref_slice %arg5[%dma_wait3A_150] : memref<5120xi32, #tpu.memory_space<vmem>> -> memref<128xi32, #tpu.memory_space<vmem>>
      %dma_wait3A_152 = arith.constant 0 : i32
      %dma_wait3A_153 = arith.constant 0 : i32
      %dma_wait3A_154 = tpu.memref_slice %arg2[%dma_wait3A_152, %dma_wait3A_153] : memref<1000000x128xf32, #tpu.memory_space<hbm>> -> memref<1000000x128xf32, #tpu.memory_space<hbm>>
      tpu.wait_indirect_dma semaphore(%arg14 : memref<!tpu.dma_semaphore, #tpu.memory_space<semaphore_mem>>) src(%dma_wait3A_154 : memref<1000000x128xf32, #tpu.memory_space<hbm>>) dst(%arg6 : memref<128x128xf32, #tpu.memory_space<vmem>>)
      %add3A_155 = arith.constant 4 : i32
      %add3A_156 = arith.addi %add3A_93, %add3A_155 : i32
      %add3A_157 = arith.constant 0 : i32
      %add3A_158 = arith.addi %add3A_156, %add3A_157 : i32
      %mul3A_159 = arith.constant 128 : i32
      %mul3A_160 = arith.muli %add3A_158, %mul3A_159 : i32
      %dma_start3A_161 = tpu.memref_slice %arg5[%mul3A_160] : memref<5120xi32, #tpu.memory_space<vmem>> -> memref<128xi32, #tpu.memory_space<vmem>>
      %dma_start3A_162 = arith.constant 0 : i32
      %dma_start3A_163 = arith.constant 0 : i32
      %dma_start3A_164 = tpu.memref_slice %arg2[%dma_start3A_162, %dma_start3A_163] : memref<1000000x128xf32, #tpu.memory_space<hbm>> -> memref<1000000x128xf32, #tpu.memory_space<hbm>>
      tpu.enqueue_indirect_dma source(%dma_start3A_164 : memref<1000000x128xf32, #tpu.memory_space<hbm>>) target(%arg6 : memref<128x128xf32, #tpu.memory_space<vmem>>) offsets(%dma_start3A_161 : memref<128xi32, #tpu.memory_space<vmem>>) semaphore(%arg10 : memref<!tpu.dma_semaphore, #tpu.memory_space<semaphore_mem>>)
      %dma_wait3A_165 = arith.constant 0 : i32
      %dma_wait3A_166 = tpu.memref_slice %arg5[%dma_wait3A_165] : memref<5120xi32, #tpu.memory_space<vmem>> -> memref<128xi32, #tpu.memory_space<vmem>>
      %dma_wait3A_167 = arith.constant 0 : i32
      %dma_wait3A_168 = arith.constant 0 : i32
      %dma_wait3A_169 = tpu.memref_slice %arg2[%dma_wait3A_167, %dma_wait3A_168] : memref<1000000x128xf32, #tpu.memory_space<hbm>> -> memref<1000000x128xf32, #tpu.memory_space<hbm>>
      tpu.wait_indirect_dma semaphore(%arg15 : memref<!tpu.dma_semaphore, #tpu.memory_space<semaphore_mem>>) src(%dma_wait3A_169 : memref<1000000x128xf32, #tpu.memory_space<hbm>>) dst(%arg7 : memref<128x128xf32, #tpu.memory_space<vmem>>)
      %add3A_170 = arith.constant 4 : i32
      %add3A_171 = arith.addi %add3A_93, %add3A_170 : i32
      %add3A_172 = arith.constant 1 : i32
      %add3A_173 = arith.addi %add3A_171, %add3A_172 : i32
      %mul3A_174 = arith.constant 128 : i32
      %mul3A_175 = arith.muli %add3A_173, %mul3A_174 : i32
      %dma_start3A_176 = tpu.memref_slice %arg5[%mul3A_175] : memref<5120xi32, #tpu.memory_space<vmem>> -> memref<128xi32, #tpu.memory_space<vmem>>
      %dma_start3A_177 = arith.constant 0 : i32
      %dma_start3A_178 = arith.constant 0 : i32
      %dma_start3A_179 = tpu.memref_slice %arg2[%dma_start3A_177, %dma_start3A_178] : memref<1000000x128xf32, #tpu.memory_space<hbm>> -> memref<1000000x128xf32, #tpu.memory_space<hbm>>
      tpu.enqueue_indirect_dma source(%dma_start3A_179 : memref<1000000x128xf32, #tpu.memory_space<hbm>>) target(%arg7 : memref<128x128xf32, #tpu.memory_space<vmem>>) offsets(%dma_start3A_176 : memref<128xi32, #tpu.memory_space<vmem>>) semaphore(%arg11 : memref<!tpu.dma_semaphore, #tpu.memory_space<semaphore_mem>>)
      %dma_wait3A_180 = arith.constant 0 : i32
      %dma_wait3A_181 = tpu.memref_slice %arg5[%dma_wait3A_180] : memref<5120xi32, #tpu.memory_space<vmem>> -> memref<128xi32, #tpu.memory_space<vmem>>
      %dma_wait3A_182 = arith.constant 0 : i32
      %dma_wait3A_183 = arith.constant 0 : i32
      %dma_wait3A_184 = tpu.memref_slice %arg2[%dma_wait3A_182, %dma_wait3A_183] : memref<1000000x128xf32, #tpu.memory_space<hbm>> -> memref<1000000x128xf32, #tpu.memory_space<hbm>>
      tpu.wait_indirect_dma semaphore(%arg16 : memref<!tpu.dma_semaphore, #tpu.memory_space<semaphore_mem>>) src(%dma_wait3A_184 : memref<1000000x128xf32, #tpu.memory_space<hbm>>) dst(%arg8 : memref<128x128xf32, #tpu.memory_space<vmem>>)
      %add3A_185 = arith.constant 4 : i32
      %add3A_186 = arith.addi %add3A_93, %add3A_185 : i32
      %add3A_187 = arith.constant 2 : i32
      %add3A_188 = arith.addi %add3A_186, %add3A_187 : i32
      %mul3A_189 = arith.constant 128 : i32
      %mul3A_190 = arith.muli %add3A_188, %mul3A_189 : i32
      %dma_start3A_191 = tpu.memref_slice %arg5[%mul3A_190] : memref<5120xi32, #tpu.memory_space<vmem>> -> memref<128xi32, #tpu.memory_space<vmem>>
      %dma_start3A_192 = arith.constant 0 : i32
      %dma_start3A_193 = arith.constant 0 : i32
      %dma_start3A_194 = tpu.memref_slice %arg2[%dma_start3A_192, %dma_start3A_193] : memref<1000000x128xf32, #tpu.memory_space<hbm>> -> memref<1000000x128xf32, #tpu.memory_space<hbm>>
      tpu.enqueue_indirect_dma source(%dma_start3A_194 : memref<1000000x128xf32, #tpu.memory_space<hbm>>) target(%arg8 : memref<128x128xf32, #tpu.memory_space<vmem>>) offsets(%dma_start3A_191 : memref<128xi32, #tpu.memory_space<vmem>>) semaphore(%arg12 : memref<!tpu.dma_semaphore, #tpu.memory_space<semaphore_mem>>)
      %dma_wait3A_195 = arith.constant 0 : i32
      %dma_wait3A_196 = tpu.memref_slice %arg5[%dma_wait3A_195] : memref<5120xi32, #tpu.memory_space<vmem>> -> memref<128xi32, #tpu.memory_space<vmem>>
      %dma_wait3A_197 = arith.constant 0 : i32
      %dma_wait3A_198 = arith.constant 0 : i32
      %dma_wait3A_199 = tpu.memref_slice %arg2[%dma_wait3A_197, %dma_wait3A_198] : memref<1000000x128xf32, #tpu.memory_space<hbm>> -> memref<1000000x128xf32, #tpu.memory_space<hbm>>
      tpu.wait_indirect_dma semaphore(%arg17 : memref<!tpu.dma_semaphore, #tpu.memory_space<semaphore_mem>>) src(%dma_wait3A_199 : memref<1000000x128xf32, #tpu.memory_space<hbm>>) dst(%arg9 : memref<128x128xf32, #tpu.memory_space<vmem>>)
      %add3A_200 = arith.constant 4 : i32
      %add3A_201 = arith.addi %add3A_93, %add3A_200 : i32
      %add3A_202 = arith.constant 3 : i32
      %add3A_203 = arith.addi %add3A_201, %add3A_202 : i32
      %mul3A_204 = arith.constant 128 : i32
      %mul3A_205 = arith.muli %add3A_203, %mul3A_204 : i32
      %dma_start3A_206 = tpu.memref_slice %arg5[%mul3A_205] : memref<5120xi32, #tpu.memory_space<vmem>> -> memref<128xi32, #tpu.memory_space<vmem>>
      %dma_start3A_207 = arith.constant 0 : i32
      %dma_start3A_208 = arith.constant 0 : i32
      %dma_start3A_209 = tpu.memref_slice %arg2[%dma_start3A_207, %dma_start3A_208] : memref<1000000x128xf32, #tpu.memory_space<hbm>> -> memref<1000000x128xf32, #tpu.memory_space<hbm>>
      tpu.enqueue_indirect_dma source(%dma_start3A_209 : memref<1000000x128xf32, #tpu.memory_space<hbm>>) target(%arg9 : memref<128x128xf32, #tpu.memory_space<vmem>>) offsets(%dma_start3A_206 : memref<128xi32, #tpu.memory_space<vmem>>) semaphore(%arg13 : memref<!tpu.dma_semaphore, #tpu.memory_space<semaphore_mem>>)
    }
    %scan3A_25 = arith.constant 9 : i32
    %dma_wait3A = arith.constant 0 : i32
    %dma_wait3A_26 = tpu.memref_slice %arg5[%dma_wait3A] : memref<5120xi32, #tpu.memory_space<vmem>> -> memref<128xi32, #tpu.memory_space<vmem>>
    %dma_wait3A_27 = arith.constant 0 : i32
    %dma_wait3A_28 = arith.constant 0 : i32
    %dma_wait3A_29 = tpu.memref_slice %arg2[%dma_wait3A_27, %dma_wait3A_28] : memref<1000000x128xf32, #tpu.memory_space<hbm>> -> memref<1000000x128xf32, #tpu.memory_space<hbm>>
    tpu.wait_indirect_dma semaphore(%arg10 : memref<!tpu.dma_semaphore, #tpu.memory_space<semaphore_mem>>) src(%dma_wait3A_29 : memref<1000000x128xf32, #tpu.memory_space<hbm>>) dst(%arg6 : memref<128x128xf32, #tpu.memory_space<vmem>>)
    %add3A_30 = arith.constant 4608 : i32
    %add3A_31 = arith.addi %mul3A_2, %add3A_30 : i32
    %dma_start3A_32 = arith.constant 0 : i32
    %dma_start3A_33 = tpu.memref_slice %arg4[%add3A_31, %dma_start3A_32] : memref<163840x128xf32, #tpu.memory_space<hbm>> -> memref<128x128xf32, #tpu.memory_space<hbm>>
    %dma_start3A_34 = arith.constant 0 : i32
    %dma_start3A_35 = tpu.memref_slice %arg4[%add3A_31, %dma_start3A_34] : memref<163840x128xf32, #tpu.memory_space<hbm>> -> memref<128x128xf32, #tpu.memory_space<hbm>>
    tpu.enqueue_dma source(%arg6 : memref<128x128xf32, #tpu.memory_space<vmem>>) target(%dma_start3A_35 : memref<128x128xf32, #tpu.memory_space<hbm>>) target_semaphore(%arg14 : memref<!tpu.dma_semaphore, #tpu.memory_space<semaphore_mem>>)
    %dma_wait3A_36 = arith.constant 0 : i32
    %dma_wait3A_37 = tpu.memref_slice %arg5[%dma_wait3A_36] : memref<5120xi32, #tpu.memory_space<vmem>> -> memref<128xi32, #tpu.memory_space<vmem>>
    %dma_wait3A_38 = arith.constant 0 : i32
    %dma_wait3A_39 = arith.constant 0 : i32
    %dma_wait3A_40 = tpu.memref_slice %arg2[%dma_wait3A_38, %dma_wait3A_39] : memref<1000000x128xf32, #tpu.memory_space<hbm>> -> memref<1000000x128xf32, #tpu.memory_space<hbm>>
    tpu.wait_indirect_dma semaphore(%arg11 : memref<!tpu.dma_semaphore, #tpu.memory_space<semaphore_mem>>) src(%dma_wait3A_40 : memref<1000000x128xf32, #tpu.memory_space<hbm>>) dst(%arg7 : memref<128x128xf32, #tpu.memory_space<vmem>>)
    %add3A_41 = arith.constant 4736 : i32
    %add3A_42 = arith.addi %mul3A_2, %add3A_41 : i32
    %dma_start3A_43 = arith.constant 0 : i32
    %dma_start3A_44 = tpu.memref_slice %arg4[%add3A_42, %dma_start3A_43] : memref<163840x128xf32, #tpu.memory_space<hbm>> -> memref<128x128xf32, #tpu.memory_space<hbm>>
    %dma_start3A_45 = arith.constant 0 : i32
    %dma_start3A_46 = tpu.memref_slice %arg4[%add3A_42, %dma_start3A_45] : memref<163840x128xf32, #tpu.memory_space<hbm>> -> memref<128x128xf32, #tpu.memory_space<hbm>>
    tpu.enqueue_dma source(%arg7 : memref<128x128xf32, #tpu.memory_space<vmem>>) target(%dma_start3A_46 : memref<128x128xf32, #tpu.memory_space<hbm>>) target_semaphore(%arg15 : memref<!tpu.dma_semaphore, #tpu.memory_space<semaphore_mem>>)
    %dma_wait3A_47 = arith.constant 0 : i32
    %dma_wait3A_48 = tpu.memref_slice %arg5[%dma_wait3A_47] : memref<5120xi32, #tpu.memory_space<vmem>> -> memref<128xi32, #tpu.memory_space<vmem>>
    %dma_wait3A_49 = arith.constant 0 : i32
    %dma_wait3A_50 = arith.constant 0 : i32
    %dma_wait3A_51 = tpu.memref_slice %arg2[%dma_wait3A_49, %dma_wait3A_50] : memref<1000000x128xf32, #tpu.memory_space<hbm>> -> memref<1000000x128xf32, #tpu.memory_space<hbm>>
    tpu.wait_indirect_dma semaphore(%arg12 : memref<!tpu.dma_semaphore, #tpu.memory_space<semaphore_mem>>) src(%dma_wait3A_51 : memref<1000000x128xf32, #tpu.memory_space<hbm>>) dst(%arg8 : memref<128x128xf32, #tpu.memory_space<vmem>>)
    %add3A_52 = arith.constant 4864 : i32
    %add3A_53 = arith.addi %mul3A_2, %add3A_52 : i32
    %dma_start3A_54 = arith.constant 0 : i32
    %dma_start3A_55 = tpu.memref_slice %arg4[%add3A_53, %dma_start3A_54] : memref<163840x128xf32, #tpu.memory_space<hbm>> -> memref<128x128xf32, #tpu.memory_space<hbm>>
    %dma_start3A_56 = arith.constant 0 : i32
    %dma_start3A_57 = tpu.memref_slice %arg4[%add3A_53, %dma_start3A_56] : memref<163840x128xf32, #tpu.memory_space<hbm>> -> memref<128x128xf32, #tpu.memory_space<hbm>>
    tpu.enqueue_dma source(%arg8 : memref<128x128xf32, #tpu.memory_space<vmem>>) target(%dma_start3A_57 : memref<128x128xf32, #tpu.memory_space<hbm>>) target_semaphore(%arg16 : memref<!tpu.dma_semaphore, #tpu.memory_space<semaphore_mem>>)
    %dma_wait3A_58 = arith.constant 0 : i32
    %dma_wait3A_59 = tpu.memref_slice %arg5[%dma_wait3A_58] : memref<5120xi32, #tpu.memory_space<vmem>> -> memref<128xi32, #tpu.memory_space<vmem>>
    %dma_wait3A_60 = arith.constant 0 : i32
    %dma_wait3A_61 = arith.constant 0 : i32
    %dma_wait3A_62 = tpu.memref_slice %arg2[%dma_wait3A_60, %dma_wait3A_61] : memref<1000000x128xf32, #tpu.memory_space<hbm>> -> memref<1000000x128xf32, #tpu.memory_space<hbm>>
    tpu.wait_indirect_dma semaphore(%arg13 : memref<!tpu.dma_semaphore, #tpu.memory_space<semaphore_mem>>) src(%dma_wait3A_62 : memref<1000000x128xf32, #tpu.memory_space<hbm>>) dst(%arg9 : memref<128x128xf32, #tpu.memory_space<vmem>>)
    %add3A_63 = arith.constant 4992 : i32
    %add3A_64 = arith.addi %mul3A_2, %add3A_63 : i32
    %dma_start3A_65 = arith.constant 0 : i32
    %dma_start3A_66 = tpu.memref_slice %arg4[%add3A_64, %dma_start3A_65] : memref<163840x128xf32, #tpu.memory_space<hbm>> -> memref<128x128xf32, #tpu.memory_space<hbm>>
    %dma_start3A_67 = arith.constant 0 : i32
    %dma_start3A_68 = tpu.memref_slice %arg4[%add3A_64, %dma_start3A_67] : memref<163840x128xf32, #tpu.memory_space<hbm>> -> memref<128x128xf32, #tpu.memory_space<hbm>>
    tpu.enqueue_dma source(%arg9 : memref<128x128xf32, #tpu.memory_space<vmem>>) target(%dma_start3A_68 : memref<128x128xf32, #tpu.memory_space<hbm>>) target_semaphore(%arg17 : memref<!tpu.dma_semaphore, #tpu.memory_space<semaphore_mem>>)
    %dma_wait3A_69 = arith.constant 0 : i32
    %dma_wait3A_70 = tpu.memref_slice %arg5[%dma_wait3A_69] : memref<5120xi32, #tpu.memory_space<vmem>> -> memref<128xi32, #tpu.memory_space<vmem>>
    %dma_wait3A_71 = arith.constant 0 : i32
    %dma_wait3A_72 = arith.constant 0 : i32
    %dma_wait3A_73 = tpu.memref_slice %arg2[%dma_wait3A_71, %dma_wait3A_72] : memref<1000000x128xf32, #tpu.memory_space<hbm>> -> memref<1000000x128xf32, #tpu.memory_space<hbm>>
    tpu.wait_indirect_dma semaphore(%arg14 : memref<!tpu.dma_semaphore, #tpu.memory_space<semaphore_mem>>) src(%dma_wait3A_73 : memref<1000000x128xf32, #tpu.memory_space<hbm>>) dst(%arg6 : memref<128x128xf32, #tpu.memory_space<vmem>>)
    %dma_wait3A_74 = arith.constant 0 : i32
    %dma_wait3A_75 = tpu.memref_slice %arg5[%dma_wait3A_74] : memref<5120xi32, #tpu.memory_space<vmem>> -> memref<128xi32, #tpu.memory_space<vmem>>
    %dma_wait3A_76 = arith.constant 0 : i32
    %dma_wait3A_77 = arith.constant 0 : i32
    %dma_wait3A_78 = tpu.memref_slice %arg2[%dma_wait3A_76, %dma_wait3A_77] : memref<1000000x128xf32, #tpu.memory_space<hbm>> -> memref<1000000x128xf32, #tpu.memory_space<hbm>>
    tpu.wait_indirect_dma semaphore(%arg15 : memref<!tpu.dma_semaphore, #tpu.memory_space<semaphore_mem>>) src(%dma_wait3A_78 : memref<1000000x128xf32, #tpu.memory_space<hbm>>) dst(%arg7 : memref<128x128xf32, #tpu.memory_space<vmem>>)
    %dma_wait3A_79 = arith.constant 0 : i32
    %dma_wait3A_80 = tpu.memref_slice %arg5[%dma_wait3A_79] : memref<5120xi32, #tpu.memory_space<vmem>> -> memref<128xi32, #tpu.memory_space<vmem>>
    %dma_wait3A_81 = arith.constant 0 : i32
    %dma_wait3A_82 = arith.constant 0 : i32
    %dma_wait3A_83 = tpu.memref_slice %arg2[%dma_wait3A_81, %dma_wait3A_82] : memref<1000000x128xf32, #tpu.memory_space<hbm>> -> memref<1000000x128xf32, #tpu.memory_space<hbm>>
    tpu.wait_indirect_dma semaphore(%arg16 : memref<!tpu.dma_semaphore, #tpu.memory_space<semaphore_mem>>) src(%dma_wait3A_83 : memref<1000000x128xf32, #tpu.memory_space<hbm>>) dst(%arg8 : memref<128x128xf32, #tpu.memory_space<vmem>>)
    %dma_wait3A_84 = arith.constant 0 : i32
    %dma_wait3A_85 = tpu.memref_slice %arg5[%dma_wait3A_84] : memref<5120xi32, #tpu.memory_space<vmem>> -> memref<128xi32, #tpu.memory_space<vmem>>
    %dma_wait3A_86 = arith.constant 0 : i32
    %dma_wait3A_87 = arith.constant 0 : i32
    %dma_wait3A_88 = tpu.memref_slice %arg2[%dma_wait3A_86, %dma_wait3A_87] : memref<1000000x128xf32, #tpu.memory_space<hbm>> -> memref<1000000x128xf32, #tpu.memory_space<hbm>>
    tpu.wait_indirect_dma semaphore(%arg17 : memref<!tpu.dma_semaphore, #tpu.memory_space<semaphore_mem>>) src(%dma_wait3A_88 : memref<1000000x128xf32, #tpu.memory_space<hbm>>) dst(%arg9 : memref<128x128xf32, #tpu.memory_space<vmem>>)
    return
  }
}

#map = affine_map<(d0, d1) -> (0, 0)>
#map1 = affine_map<(d0, d1) -> (0)>
module attributes {stable_mosaic.version = 14 : i64} {
  func.func @gather_kernel(%arg0: i32, %arg1: i32, %arg2: memref<1000000x128xf32, #tpu.memory_space<hbm>>, %arg3: memref<163840xi32, #tpu.memory_space<hbm>>, %arg4: memref<163840x128xf32, #tpu.memory_space<hbm>>, %arg5: memref<5120xi32, #tpu.memory_space<vmem>>, %arg6: memref<128x128xf32, #tpu.memory_space<vmem>>, %arg7: memref<128x128xf32, #tpu.memory_space<vmem>>, %arg8: memref<128x128xf32, #tpu.memory_space<vmem>>, %arg9: memref<128x128xf32, #tpu.memory_space<vmem>>, %arg10: memref<!tpu.dma_semaphore, #tpu.memory_space<semaphore_mem>>, %arg11: memref<!tpu.dma_semaphore, #tpu.memory_space<semaphore_mem>>, %arg12: memref<!tpu.dma_semaphore, #tpu.memory_space<semaphore_mem>>, %arg13: memref<!tpu.dma_semaphore, #tpu.memory_space<semaphore_mem>>, %arg14: memref<!tpu.dma_semaphore, #tpu.memory_space<semaphore_mem>>, %arg15: memref<!tpu.dma_semaphore, #tpu.memory_space<semaphore_mem>>, %arg16: memref<!tpu.dma_semaphore, #tpu.memory_space<semaphore_mem>>, %arg17: memref<!tpu.dma_semaphore, #tpu.memory_space<semaphore_mem>>) attributes {dimension_semantics = [#tpu.dimension_semantics<core_parallel>, #tpu.dimension_semantics<subcore_parallel>], iteration_bounds = array<i64: 2, 16>, scalar_prefetch = 0 : i64, scratch_operands = 13 : i64, tpu.core_type = #tpu.core_type<sc_vector_subcore>, window_params = [{transform_indices = #map}, {transform_indices = #map1}, {transform_indices = #map}]} {
    %mul3A = arith.constant 2 : i32
    %mul3A_0 = arith.muli %arg1, %mul3A : i32
    %add3A = arith.addi %mul3A_0, %arg0 : i32
    %mul3A_1 = arith.constant 5120 : i32
    %mul3A_2 = arith.muli %add3A, %mul3A_1 : i32
    "tpu.region"() ({
      %run_scoped3A = tpu.sem_alloc : memref<!tpu.dma_semaphore, #tpu.memory_space<semaphore_mem>>
      %dma_start3A_89 = tpu.memref_slice %arg3[%mul3A_2] : memref<163840xi32, #tpu.memory_space<hbm>> -> memref<5120xi32, #tpu.memory_space<hbm>>
      %dma_start3A_90 = tpu.memref_slice %arg3[%mul3A_2] : memref<163840xi32, #tpu.memory_space<hbm>> -> memref<5120xi32, #tpu.memory_space<hbm>>
      tpu.enqueue_dma source(%dma_start3A_90 : memref<5120xi32, #tpu.memory_space<hbm>>) target(%arg5 : memref<5120xi32, #tpu.memory_space<vmem>>) target_semaphore(%run_scoped3A : memref<!tpu.dma_semaphore, #tpu.memory_space<semaphore_mem>>)
      %dma_wait3A_91 = tpu.memref_slice %arg3[%mul3A_2] : memref<163840xi32, #tpu.memory_space<hbm>> -> memref<5120xi32, #tpu.memory_space<hbm>>
      %dma_wait3A_92 = tpu.memref_slice %arg3[%mul3A_2] : memref<163840xi32, #tpu.memory_space<hbm>> -> memref<5120xi32, #tpu.memory_space<hbm>>
      tpu.wait_dma2 semaphore(%run_scoped3A : memref<!tpu.dma_semaphore, #tpu.memory_space<semaphore_mem>>) src(%dma_wait3A_92 : memref<5120xi32, #tpu.memory_space<hbm>>) dst(%arg5 : memref<5120xi32, #tpu.memory_space<vmem>>)
      tpu.yield
    }) : () -> ()
    %dma_start3A = arith.constant 0 : i32
    %dma_start3A_3 = tpu.memref_slice %arg5[%dma_start3A] : memref<5120xi32, #tpu.memory_space<vmem>> -> memref<128xi32, #tpu.memory_space<vmem>>
    %dma_start3A_4 = arith.constant 0 : i32
    %dma_start3A_5 = arith.constant 0 : i32
    %dma_start3A_6 = tpu.memref_slice %arg2[%dma_start3A_4, %dma_start3A_5] : memref<1000000x128xf32, #tpu.memory_space<hbm>> -> memref<1000000x128xf32, #tpu.memory_space<hbm>>
    tpu.enqueue_indirect_dma source(%dma_start3A_6 : memref<1000000x128xf32, #tpu.memory_space<hbm>>) target(%arg6 : memref<128x128xf32, #tpu.memory_space<vmem>>) offsets(%dma_start3A_3 : memref<128xi32, #tpu.memory_space<vmem>>) semaphore(%arg10 : memref<!tpu.dma_semaphore, #tpu.memory_space<semaphore_mem>>)
    %dma_start3A_7 = arith.constant 128 : i32
    %dma_start3A_8 = tpu.memref_slice %arg5[%dma_start3A_7] : memref<5120xi32, #tpu.memory_space<vmem>> -> memref<128xi32, #tpu.memory_space<vmem>>
    %dma_start3A_9 = arith.constant 0 : i32
    %dma_start3A_10 = arith.constant 0 : i32
    %dma_start3A_11 = tpu.memref_slice %arg2[%dma_start3A_9, %dma_start3A_10] : memref<1000000x128xf32, #tpu.memory_space<hbm>> -> memref<1000000x128xf32, #tpu.memory_space<hbm>>
    tpu.enqueue_indirect_dma source(%dma_start3A_11 : memref<1000000x128xf32, #tpu.memory_space<hbm>>) target(%arg7 : memref<128x128xf32, #tpu.memory_space<vmem>>) offsets(%dma_start3A_8 : memref<128xi32, #tpu.memory_space<vmem>>) semaphore(%arg11 : memref<!tpu.dma_semaphore, #tpu.memory_space<semaphore_mem>>)
    %dma_start3A_12 = arith.constant 256 : i32
    %dma_start3A_13 = tpu.memref_slice %arg5[%dma_start3A_12] : memref<5120xi32, #tpu.memory_space<vmem>> -> memref<128xi32, #tpu.memory_space<vmem>>
    %dma_start3A_14 = arith.constant 0 : i32
    %dma_start3A_15 = arith.constant 0 : i32
    %dma_start3A_16 = tpu.memref_slice %arg2[%dma_start3A_14, %dma_start3A_15] : memref<1000000x128xf32, #tpu.memory_space<hbm>> -> memref<1000000x128xf32, #tpu.memory_space<hbm>>
    tpu.enqueue_indirect_dma source(%dma_start3A_16 : memref<1000000x128xf32, #tpu.memory_space<hbm>>) target(%arg8 : memref<128x128xf32, #tpu.memory_space<vmem>>) offsets(%dma_start3A_13 : memref<128xi32, #tpu.memory_space<vmem>>) semaphore(%arg12 : memref<!tpu.dma_semaphore, #tpu.memory_space<semaphore_mem>>)
    %dma_start3A_17 = arith.constant 384 : i32
    %dma_start3A_18 = tpu.memref_slice %arg5[%dma_start3A_17] : memref<5120xi32, #tpu.memory_space<vmem>> -> memref<128xi32, #tpu.memory_space<vmem>>
    %dma_start3A_19 = arith.constant 0 : i32
    %dma_start3A_20 = arith.constant 0 : i32
    %dma_start3A_21 = tpu.memref_slice %arg2[%dma_start3A_19, %dma_start3A_20] : memref<1000000x128xf32, #tpu.memory_space<hbm>> -> memref<1000000x128xf32, #tpu.memory_space<hbm>>
    tpu.enqueue_indirect_dma source(%dma_start3A_21 : memref<1000000x128xf32, #tpu.memory_space<hbm>>) target(%arg9 : memref<128x128xf32, #tpu.memory_space<vmem>>) offsets(%dma_start3A_18 : memref<128xi32, #tpu.memory_space<vmem>>) semaphore(%arg13 : memref<!tpu.dma_semaphore, #tpu.memory_space<semaphore_mem>>)
    %scan3A = arith.constant 0 : i32
    %scan3A_22 = arith.constant 9 : i32
    %scan3A_23 = arith.addi %scan3A, %scan3A_22 : i32
    %scan3A_24 = arith.constant 1 : i32
    scf.for %scan3A_89 = %scan3A to %scan3A_23 step %scan3A_24  : i32 {
      %mul3A_90 = arith.constant 4 : i32
      %mul3A_91 = arith.muli %scan3A_89, %mul3A_90 : i32
      %add3A_92 = arith.constant 0 : i32
      %add3A_93 = arith.addi %add3A_92, %mul3A_91 : i32
      %dma_wait3A_94 = arith.constant 0 : i32
      %dma_wait3A_95 = tpu.memref_slice %arg5[%dma_wait3A_94] : memref<5120xi32, #tpu.memory_space<vmem>> -> memref<128xi32, #tpu.memory_space<vmem>>
      %dma_wait3A_96 = arith.constant 0 : i32
      %dma_wait3A_97 = arith.constant 0 : i32
      %dma_wait3A_98 = tpu.memref_slice %arg2[%dma_wait3A_96, %dma_wait3A_97] : memref<1000000x128xf32, #tpu.memory_space<hbm>> -> memref<1000000x128xf32, #tpu.memory_space<hbm>>
      tpu.wait_indirect_dma semaphore(%arg10 : memref<!tpu.dma_semaphore, #tpu.memory_space<semaphore_mem>>) src(%dma_wait3A_98 : memref<1000000x128xf32, #tpu.memory_space<hbm>>) dst(%arg6 : memref<128x128xf32, #tpu.memory_space<vmem>>)
      %add3A_99 = arith.constant 0 : i32
      %add3A_100 = arith.addi %add3A_93, %add3A_99 : i32
      %mul3A_101 = arith.constant 128 : i32
      %mul3A_102 = arith.muli %add3A_100, %mul3A_101 : i32
      %add3A_103 = arith.addi %mul3A_2, %mul3A_102 : i32
      %dma_start3A_104 = arith.constant 0 : i32
      %dma_start3A_105 = tpu.memref_slice %arg4[%add3A_103, %dma_start3A_104] : memref<163840x128xf32, #tpu.memory_space<hbm>> -> memref<128x128xf32, #tpu.memory_space<hbm>>
      %dma_start3A_106 = arith.constant 0 : i32
      %dma_start3A_107 = tpu.memref_slice %arg4[%add3A_103, %dma_start3A_106] : memref<163840x128xf32, #tpu.memory_space<hbm>> -> memref<128x128xf32, #tpu.memory_space<hbm>>
      tpu.enqueue_dma source(%arg6 : memref<128x128xf32, #tpu.memory_space<vmem>>) target(%dma_start3A_107 : memref<128x128xf32, #tpu.memory_space<hbm>>) target_semaphore(%arg14 : memref<!tpu.dma_semaphore, #tpu.memory_space<semaphore_mem>>)
      %dma_wait3A_108 = arith.constant 0 : i32
      %dma_wait3A_109 = tpu.memref_slice %arg5[%dma_wait3A_108] : memref<5120xi32, #tpu.memory_space<vmem>> -> memref<128xi32, #tpu.memory_space<vmem>>
      %dma_wait3A_110 = arith.constant 0 : i32
      %dma_wait3A_111 = arith.constant 0 : i32
      %dma_wait3A_112 = tpu.memref_slice %arg2[%dma_wait3A_110, %dma_wait3A_111] : memref<1000000x128xf32, #tpu.memory_space<hbm>> -> memref<1000000x128xf32, #tpu.memory_space<hbm>>
      tpu.wait_indirect_dma semaphore(%arg11 : memref<!tpu.dma_semaphore, #tpu.memory_space<semaphore_mem>>) src(%dma_wait3A_112 : memref<1000000x128xf32, #tpu.memory_space<hbm>>) dst(%arg7 : memref<128x128xf32, #tpu.memory_space<vmem>>)
      %add3A_113 = arith.constant 1 : i32
      %add3A_114 = arith.addi %add3A_93, %add3A_113 : i32
      %mul3A_115 = arith.constant 128 : i32
      %mul3A_116 = arith.muli %add3A_114, %mul3A_115 : i32
      %add3A_117 = arith.addi %mul3A_2, %mul3A_116 : i32
      %dma_start3A_118 = arith.constant 0 : i32
      %dma_start3A_119 = tpu.memref_slice %arg4[%add3A_117, %dma_start3A_118] : memref<163840x128xf32, #tpu.memory_space<hbm>> -> memref<128x128xf32, #tpu.memory_space<hbm>>
      %dma_start3A_120 = arith.constant 0 : i32
      %dma_start3A_121 = tpu.memref_slice %arg4[%add3A_117, %dma_start3A_120] : memref<163840x128xf32, #tpu.memory_space<hbm>> -> memref<128x128xf32, #tpu.memory_space<hbm>>
      tpu.enqueue_dma source(%arg7 : memref<128x128xf32, #tpu.memory_space<vmem>>) target(%dma_start3A_121 : memref<128x128xf32, #tpu.memory_space<hbm>>) target_semaphore(%arg15 : memref<!tpu.dma_semaphore, #tpu.memory_space<semaphore_mem>>)
      %dma_wait3A_122 = arith.constant 0 : i32
      %dma_wait3A_123 = tpu.memref_slice %arg5[%dma_wait3A_122] : memref<5120xi32, #tpu.memory_space<vmem>> -> memref<128xi32, #tpu.memory_space<vmem>>
      %dma_wait3A_124 = arith.constant 0 : i32
      %dma_wait3A_125 = arith.constant 0 : i32
      %dma_wait3A_126 = tpu.memref_slice %arg2[%dma_wait3A_124, %dma_wait3A_125] : memref<1000000x128xf32, #tpu.memory_space<hbm>> -> memref<1000000x128xf32, #tpu.memory_space<hbm>>
      tpu.wait_indirect_dma semaphore(%arg12 : memref<!tpu.dma_semaphore, #tpu.memory_space<semaphore_mem>>) src(%dma_wait3A_126 : memref<1000000x128xf32, #tpu.memory_space<hbm>>) dst(%arg8 : memref<128x128xf32, #tpu.memory_space<vmem>>)
      %add3A_127 = arith.constant 2 : i32
      %add3A_128 = arith.addi %add3A_93, %add3A_127 : i32
      %mul3A_129 = arith.constant 128 : i32
      %mul3A_130 = arith.muli %add3A_128, %mul3A_129 : i32
      %add3A_131 = arith.addi %mul3A_2, %mul3A_130 : i32
      %dma_start3A_132 = arith.constant 0 : i32
      %dma_start3A_133 = tpu.memref_slice %arg4[%add3A_131, %dma_start3A_132] : memref<163840x128xf32, #tpu.memory_space<hbm>> -> memref<128x128xf32, #tpu.memory_space<hbm>>
      %dma_start3A_134 = arith.constant 0 : i32
      %dma_start3A_135 = tpu.memref_slice %arg4[%add3A_131, %dma_start3A_134] : memref<163840x128xf32, #tpu.memory_space<hbm>> -> memref<128x128xf32, #tpu.memory_space<hbm>>
      tpu.enqueue_dma source(%arg8 : memref<128x128xf32, #tpu.memory_space<vmem>>) target(%dma_start3A_135 : memref<128x128xf32, #tpu.memory_space<hbm>>) target_semaphore(%arg16 : memref<!tpu.dma_semaphore, #tpu.memory_space<semaphore_mem>>)
      %dma_wait3A_136 = arith.constant 0 : i32
      %dma_wait3A_137 = tpu.memref_slice %arg5[%dma_wait3A_136] : memref<5120xi32, #tpu.memory_space<vmem>> -> memref<128xi32, #tpu.memory_space<vmem>>
      %dma_wait3A_138 = arith.constant 0 : i32
      %dma_wait3A_139 = arith.constant 0 : i32
      %dma_wait3A_140 = tpu.memref_slice %arg2[%dma_wait3A_138, %dma_wait3A_139] : memref<1000000x128xf32, #tpu.memory_space<hbm>> -> memref<1000000x128xf32, #tpu.memory_space<hbm>>
      tpu.wait_indirect_dma semaphore(%arg13 : memref<!tpu.dma_semaphore, #tpu.memory_space<semaphore_mem>>) src(%dma_wait3A_140 : memref<1000000x128xf32, #tpu.memory_space<hbm>>) dst(%arg9 : memref<128x128xf32, #tpu.memory_space<vmem>>)
      %add3A_141 = arith.constant 3 : i32
      %add3A_142 = arith.addi %add3A_93, %add3A_141 : i32
      %mul3A_143 = arith.constant 128 : i32
      %mul3A_144 = arith.muli %add3A_142, %mul3A_143 : i32
      %add3A_145 = arith.addi %mul3A_2, %mul3A_144 : i32
      %dma_start3A_146 = arith.constant 0 : i32
      %dma_start3A_147 = tpu.memref_slice %arg4[%add3A_145, %dma_start3A_146] : memref<163840x128xf32, #tpu.memory_space<hbm>> -> memref<128x128xf32, #tpu.memory_space<hbm>>
      %dma_start3A_148 = arith.constant 0 : i32
      %dma_start3A_149 = tpu.memref_slice %arg4[%add3A_145, %dma_start3A_148] : memref<163840x128xf32, #tpu.memory_space<hbm>> -> memref<128x128xf32, #tpu.memory_space<hbm>>
      tpu.enqueue_dma source(%arg9 : memref<128x128xf32, #tpu.memory_space<vmem>>) target(%dma_start3A_149 : memref<128x128xf32, #tpu.memory_space<hbm>>) target_semaphore(%arg17 : memref<!tpu.dma_semaphore, #tpu.memory_space<semaphore_mem>>)
      %dma_wait3A_150 = arith.constant 0 : i32
      %dma_wait3A_151 = tpu.memref_slice %arg5[%dma_wait3A_150] : memref<5120xi32, #tpu.memory_space<vmem>> -> memref<128xi32, #tpu.memory_space<vmem>>
      %dma_wait3A_152 = arith.constant 0 : i32
      %dma_wait3A_153 = arith.constant 0 : i32
      %dma_wait3A_154 = tpu.memref_slice %arg2[%dma_wait3A_152, %dma_wait3A_153] : memref<1000000x128xf32, #tpu.memory_space<hbm>> -> memref<1000000x128xf32, #tpu.memory_space<hbm>>
      tpu.wait_indirect_dma semaphore(%arg14 : memref<!tpu.dma_semaphore, #tpu.memory_space<semaphore_mem>>) src(%dma_wait3A_154 : memref<1000000x128xf32, #tpu.memory_space<hbm>>) dst(%arg6 : memref<128x128xf32, #tpu.memory_space<vmem>>)
      %add3A_155 = arith.constant 4 : i32
      %add3A_156 = arith.addi %add3A_93, %add3A_155 : i32
      %add3A_157 = arith.constant 0 : i32
      %add3A_158 = arith.addi %add3A_156, %add3A_157 : i32
      %mul3A_159 = arith.constant 128 : i32
      %mul3A_160 = arith.muli %add3A_158, %mul3A_159 : i32
      %dma_start3A_161 = tpu.memref_slice %arg5[%mul3A_160] : memref<5120xi32, #tpu.memory_space<vmem>> -> memref<128xi32, #tpu.memory_space<vmem>>
      %dma_start3A_162 = arith.constant 0 : i32
      %dma_start3A_163 = arith.constant 0 : i32
      %dma_start3A_164 = tpu.memref_slice %arg2[%dma_start3A_162, %dma_start3A_163] : memref<1000000x128xf32, #tpu.memory_space<hbm>> -> memref<1000000x128xf32, #tpu.memory_space<hbm>>
      tpu.enqueue_indirect_dma source(%dma_start3A_164 : memref<1000000x128xf32, #tpu.memory_space<hbm>>) target(%arg6 : memref<128x128xf32, #tpu.memory_space<vmem>>) offsets(%dma_start3A_161 : memref<128xi32, #tpu.memory_space<vmem>>) semaphore(%arg10 : memref<!tpu.dma_semaphore, #tpu.memory_space<semaphore_mem>>)
      %dma_wait3A_165 = arith.constant 0 : i32
      %dma_wait3A_166 = tpu.memref_slice %arg5[%dma_wait3A_165] : memref<5120xi32, #tpu.memory_space<vmem>> -> memref<128xi32, #tpu.memory_space<vmem>>
      %dma_wait3A_167 = arith.constant 0 : i32
      %dma_wait3A_168 = arith.constant 0 : i32
      %dma_wait3A_169 = tpu.memref_slice %arg2[%dma_wait3A_167, %dma_wait3A_168] : memref<1000000x128xf32, #tpu.memory_space<hbm>> -> memref<1000000x128xf32, #tpu.memory_space<hbm>>
      tpu.wait_indirect_dma semaphore(%arg15 : memref<!tpu.dma_semaphore, #tpu.memory_space<semaphore_mem>>) src(%dma_wait3A_169 : memref<1000000x128xf32, #tpu.memory_space<hbm>>) dst(%arg7 : memref<128x128xf32, #tpu.memory_space<vmem>>)
      %add3A_170 = arith.constant 4 : i32
      %add3A_171 = arith.addi %add3A_93, %add3A_170 : i32
      %add3A_172 = arith.constant 1 : i32
      %add3A_173 = arith.addi %add3A_171, %add3A_172 : i32
      %mul3A_174 = arith.constant 128 : i32
      %mul3A_175 = arith.muli %add3A_173, %mul3A_174 : i32
      %dma_start3A_176 = tpu.memref_slice %arg5[%mul3A_175] : memref<5120xi32, #tpu.memory_space<vmem>> -> memref<128xi32, #tpu.memory_space<vmem>>
      %dma_start3A_177 = arith.constant 0 : i32
      %dma_start3A_178 = arith.constant 0 : i32
      %dma_start3A_179 = tpu.memref_slice %arg2[%dma_start3A_177, %dma_start3A_178] : memref<1000000x128xf32, #tpu.memory_space<hbm>> -> memref<1000000x128xf32, #tpu.memory_space<hbm>>
      tpu.enqueue_indirect_dma source(%dma_start3A_179 : memref<1000000x128xf32, #tpu.memory_space<hbm>>) target(%arg7 : memref<128x128xf32, #tpu.memory_space<vmem>>) offsets(%dma_start3A_176 : memref<128xi32, #tpu.memory_space<vmem>>) semaphore(%arg11 : memref<!tpu.dma_semaphore, #tpu.memory_space<semaphore_mem>>)
      %dma_wait3A_180 = arith.constant 0 : i32
      %dma_wait3A_181 = tpu.memref_slice %arg5[%dma_wait3A_180] : memref<5120xi32, #tpu.memory_space<vmem>> -> memref<128xi32, #tpu.memory_space<vmem>>
      %dma_wait3A_182 = arith.constant 0 : i32
      %dma_wait3A_183 = arith.constant 0 : i32
      %dma_wait3A_184 = tpu.memref_slice %arg2[%dma_wait3A_182, %dma_wait3A_183] : memref<1000000x128xf32, #tpu.memory_space<hbm>> -> memref<1000000x128xf32, #tpu.memory_space<hbm>>
      tpu.wait_indirect_dma semaphore(%arg16 : memref<!tpu.dma_semaphore, #tpu.memory_space<semaphore_mem>>) src(%dma_wait3A_184 : memref<1000000x128xf32, #tpu.memory_space<hbm>>) dst(%arg8 : memref<128x128xf32, #tpu.memory_space<vmem>>)
      %add3A_185 = arith.constant 4 : i32
      %add3A_186 = arith.addi %add3A_93, %add3A_185 : i32
      %add3A_187 = arith.constant 2 : i32
      %add3A_188 = arith.addi %add3A_186, %add3A_187 : i32
      %mul3A_189 = arith.constant 128 : i32
      %mul3A_190 = arith.muli %add3A_188, %mul3A_189 : i32
      %dma_start3A_191 = tpu.memref_slice %arg5[%mul3A_190] : memref<5120xi32, #tpu.memory_space<vmem>> -> memref<128xi32, #tpu.memory_space<vmem>>
      %dma_start3A_192 = arith.constant 0 : i32
      %dma_start3A_193 = arith.constant 0 : i32
      %dma_start3A_194 = tpu.memref_slice %arg2[%dma_start3A_192, %dma_start3A_193] : memref<1000000x128xf32, #tpu.memory_space<hbm>> -> memref<1000000x128xf32, #tpu.memory_space<hbm>>
      tpu.enqueue_indirect_dma source(%dma_start3A_194 : memref<1000000x128xf32, #tpu.memory_space<hbm>>) target(%arg8 : memref<128x128xf32, #tpu.memory_space<vmem>>) offsets(%dma_start3A_191 : memref<128xi32, #tpu.memory_space<vmem>>) semaphore(%arg12 : memref<!tpu.dma_semaphore, #tpu.memory_space<semaphore_mem>>)
      %dma_wait3A_195 = arith.constant 0 : i32
      %dma_wait3A_196 = tpu.memref_slice %arg5[%dma_wait3A_195] : memref<5120xi32, #tpu.memory_space<vmem>> -> memref<128xi32, #tpu.memory_space<vmem>>
      %dma_wait3A_197 = arith.constant 0 : i32
      %dma_wait3A_198 = arith.constant 0 : i32
      %dma_wait3A_199 = tpu.memref_slice %arg2[%dma_wait3A_197, %dma_wait3A_198] : memref<1000000x128xf32, #tpu.memory_space<hbm>> -> memref<1000000x128xf32, #tpu.memory_space<hbm>>
      tpu.wait_indirect_dma semaphore(%arg17 : memref<!tpu.dma_semaphore, #tpu.memory_space<semaphore_mem>>) src(%dma_wait3A_199 : memref<1000000x128xf32, #tpu.memory_space<hbm>>) dst(%arg9 : memref<128x128xf32, #tpu.memory_space<vmem>>)
      %add3A_200 = arith.constant 4 : i32
      %add3A_201 = arith.addi %add3A_93, %add3A_200 : i32
      %add3A_202 = arith.constant 3 : i32
      %add3A_203 = arith.addi %add3A_201, %add3A_202 : i32
      %mul3A_204 = arith.constant 128 : i32
      %mul3A_205 = arith.muli %add3A_203, %mul3A_204 : i32
      %dma_start3A_206 = tpu.memref_slice %arg5[%mul3A_205] : memref<5120xi32, #tpu.memory_space<vmem>> -> memref<128xi32, #tpu.memory_space<vmem>>
      %dma_start3A_207 = arith.constant 0 : i32
      %dma_start3A_208 = arith.constant 0 : i32
      %dma_start3A_209 = tpu.memref_slice %arg2[%dma_start3A_207, %dma_start3A_208] : memref<1000000x128xf32, #tpu.memory_space<hbm>> -> memref<1000000x128xf32, #tpu.memory_space<hbm>>
      tpu.enqueue_indirect_dma source(%dma_start3A_209 : memref<1000000x128xf32, #tpu.memory_space<hbm>>) target(%arg9 : memref<128x128xf32, #tpu.memory_space<vmem>>) offsets(%dma_start3A_206 : memref<128xi32, #tpu.memory_space<vmem>>) semaphore(%arg13 : memref<!tpu.dma_semaphore, #tpu.memory_space<semaphore_mem>>)
    }
    %scan3A_25 = arith.constant 9 : i32
    %dma_wait3A = arith.constant 0 : i32
    %dma_wait3A_26 = tpu.memref_slice %arg5[%dma_wait3A] : memref<5120xi32, #tpu.memory_space<vmem>> -> memref<128xi32, #tpu.memory_space<vmem>>
    %dma_wait3A_27 = arith.constant 0 : i32
    %dma_wait3A_28 = arith.constant 0 : i32
    %dma_wait3A_29 = tpu.memref_slice %arg2[%dma_wait3A_27, %dma_wait3A_28] : memref<1000000x128xf32, #tpu.memory_space<hbm>> -> memref<1000000x128xf32, #tpu.memory_space<hbm>>
    tpu.wait_indirect_dma semaphore(%arg10 : memref<!tpu.dma_semaphore, #tpu.memory_space<semaphore_mem>>) src(%dma_wait3A_29 : memref<1000000x128xf32, #tpu.memory_space<hbm>>) dst(%arg6 : memref<128x128xf32, #tpu.memory_space<vmem>>)
    %add3A_30 = arith.constant 4608 : i32
    %add3A_31 = arith.addi %mul3A_2, %add3A_30 : i32
    %dma_start3A_32 = arith.constant 0 : i32
    %dma_start3A_33 = tpu.memref_slice %arg4[%add3A_31, %dma_start3A_32] : memref<163840x128xf32, #tpu.memory_space<hbm>> -> memref<128x128xf32, #tpu.memory_space<hbm>>
    %dma_start3A_34 = arith.constant 0 : i32
    %dma_start3A_35 = tpu.memref_slice %arg4[%add3A_31, %dma_start3A_34] : memref<163840x128xf32, #tpu.memory_space<hbm>> -> memref<128x128xf32, #tpu.memory_space<hbm>>
    tpu.enqueue_dma source(%arg6 : memref<128x128xf32, #tpu.memory_space<vmem>>) target(%dma_start3A_35 : memref<128x128xf32, #tpu.memory_space<hbm>>) target_semaphore(%arg14 : memref<!tpu.dma_semaphore, #tpu.memory_space<semaphore_mem>>)
    %dma_wait3A_36 = arith.constant 0 : i32
    %dma_wait3A_37 = tpu.memref_slice %arg5[%dma_wait3A_36] : memref<5120xi32, #tpu.memory_space<vmem>> -> memref<128xi32, #tpu.memory_space<vmem>>
    %dma_wait3A_38 = arith.constant 0 : i32
    %dma_wait3A_39 = arith.constant 0 : i32
    %dma_wait3A_40 = tpu.memref_slice %arg2[%dma_wait3A_38, %dma_wait3A_39] : memref<1000000x128xf32, #tpu.memory_space<hbm>> -> memref<1000000x128xf32, #tpu.memory_space<hbm>>
    tpu.wait_indirect_dma semaphore(%arg11 : memref<!tpu.dma_semaphore, #tpu.memory_space<semaphore_mem>>) src(%dma_wait3A_40 : memref<1000000x128xf32, #tpu.memory_space<hbm>>) dst(%arg7 : memref<128x128xf32, #tpu.memory_space<vmem>>)
    %add3A_41 = arith.constant 4736 : i32
    %add3A_42 = arith.addi %mul3A_2, %add3A_41 : i32
    %dma_start3A_43 = arith.constant 0 : i32
    %dma_start3A_44 = tpu.memref_slice %arg4[%add3A_42, %dma_start3A_43] : memref<163840x128xf32, #tpu.memory_space<hbm>> -> memref<128x128xf32, #tpu.memory_space<hbm>>
    %dma_start3A_45 = arith.constant 0 : i32
    %dma_start3A_46 = tpu.memref_slice %arg4[%add3A_42, %dma_start3A_45] : memref<163840x128xf32, #tpu.memory_space<hbm>> -> memref<128x128xf32, #tpu.memory_space<hbm>>
    tpu.enqueue_dma source(%arg7 : memref<128x128xf32, #tpu.memory_space<vmem>>) target(%dma_start3A_46 : memref<128x128xf32, #tpu.memory_space<hbm>>) target_semaphore(%arg15 : memref<!tpu.dma_semaphore, #tpu.memory_space<semaphore_mem>>)
    %dma_wait3A_47 = arith.constant 0 : i32
    %dma_wait3A_48 = tpu.memref_slice %arg5[%dma_wait3A_47] : memref<5120xi32, #tpu.memory_space<vmem>> -> memref<128xi32, #tpu.memory_space<vmem>>
    %dma_wait3A_49 = arith.constant 0 : i32
    %dma_wait3A_50 = arith.constant 0 : i32
    %dma_wait3A_51 = tpu.memref_slice %arg2[%dma_wait3A_49, %dma_wait3A_50] : memref<1000000x128xf32, #tpu.memory_space<hbm>> -> memref<1000000x128xf32, #tpu.memory_space<hbm>>
    tpu.wait_indirect_dma semaphore(%arg12 : memref<!tpu.dma_semaphore, #tpu.memory_space<semaphore_mem>>) src(%dma_wait3A_51 : memref<1000000x128xf32, #tpu.memory_space<hbm>>) dst(%arg8 : memref<128x128xf32, #tpu.memory_space<vmem>>)
    %add3A_52 = arith.constant 4864 : i32
    %add3A_53 = arith.addi %mul3A_2, %add3A_52 : i32
    %dma_start3A_54 = arith.constant 0 : i32
    %dma_start3A_55 = tpu.memref_slice %arg4[%add3A_53, %dma_start3A_54] : memref<163840x128xf32, #tpu.memory_space<hbm>> -> memref<128x128xf32, #tpu.memory_space<hbm>>
    %dma_start3A_56 = arith.constant 0 : i32
    %dma_start3A_57 = tpu.memref_slice %arg4[%add3A_53, %dma_start3A_56] : memref<163840x128xf32, #tpu.memory_space<hbm>> -> memref<128x128xf32, #tpu.memory_space<hbm>>
    tpu.enqueue_dma source(%arg8 : memref<128x128xf32, #tpu.memory_space<vmem>>) target(%dma_start3A_57 : memref<128x128xf32, #tpu.memory_space<hbm>>) target_semaphore(%arg16 : memref<!tpu.dma_semaphore, #tpu.memory_space<semaphore_mem>>)
    %dma_wait3A_58 = arith.constant 0 : i32
    %dma_wait3A_59 = tpu.memref_slice %arg5[%dma_wait3A_58] : memref<5120xi32, #tpu.memory_space<vmem>> -> memref<128xi32, #tpu.memory_space<vmem>>
    %dma_wait3A_60 = arith.constant 0 : i32
    %dma_wait3A_61 = arith.constant 0 : i32
    %dma_wait3A_62 = tpu.memref_slice %arg2[%dma_wait3A_60, %dma_wait3A_61] : memref<1000000x128xf32, #tpu.memory_space<hbm>> -> memref<1000000x128xf32, #tpu.memory_space<hbm>>
    tpu.wait_indirect_dma semaphore(%arg13 : memref<!tpu.dma_semaphore, #tpu.memory_space<semaphore_mem>>) src(%dma_wait3A_62 : memref<1000000x128xf32, #tpu.memory_space<hbm>>) dst(%arg9 : memref<128x128xf32, #tpu.memory_space<vmem>>)
    %add3A_63 = arith.constant 4992 : i32
    %add3A_64 = arith.addi %mul3A_2, %add3A_63 : i32
    %dma_start3A_65 = arith.constant 0 : i32
    %dma_start3A_66 = tpu.memref_slice %arg4[%add3A_64, %dma_start3A_65] : memref<163840x128xf32, #tpu.memory_space<hbm>> -> memref<128x128xf32, #tpu.memory_space<hbm>>
    %dma_start3A_67 = arith.constant 0 : i32
    %dma_start3A_68 = tpu.memref_slice %arg4[%add3A_64, %dma_start3A_67] : memref<163840x128xf32, #tpu.memory_space<hbm>> -> memref<128x128xf32, #tpu.memory_space<hbm>>
    tpu.enqueue_dma source(%arg9 : memref<128x128xf32, #tpu.memory_space<vmem>>) target(%dma_start3A_68 : memref<128x128xf32, #tpu.memory_space<hbm>>) target_semaphore(%arg17 : memref<!tpu.dma_semaphore, #tpu.memory_space<semaphore_mem>>)
    %dma_wait3A_69 = arith.constant 0 : i32
    %dma_wait3A_70 = tpu.memref_slice %arg5[%dma_wait3A_69] : memref<5120xi32, #tpu.memory_space<vmem>> -> memref<128xi32, #tpu.memory_space<vmem>>
    %dma_wait3A_71 = arith.constant 0 : i32
    %dma_wait3A_72 = arith.constant 0 : i32
    %dma_wait3A_73 = tpu.memref_slice %arg2[%dma_wait3A_71, %dma_wait3A_72] : memref<1000000x128xf32, #tpu.memory_space<hbm>> -> memref<1000000x128xf32, #tpu.memory_space<hbm>>
    tpu.wait_indirect_dma semaphore(%arg14 : memref<!tpu.dma_semaphore, #tpu.memory_space<semaphore_mem>>) src(%dma_wait3A_73 : memref<1000000x128xf32, #tpu.memory_space<hbm>>) dst(%arg6 : memref<128x128xf32, #tpu.memory_space<vmem>>)
    %dma_wait3A_74 = arith.constant 0 : i32
    %dma_wait3A_75 = tpu.memref_slice %arg5[%dma_wait3A_74] : memref<5120xi32, #tpu.memory_space<vmem>> -> memref<128xi32, #tpu.memory_space<vmem>>
    %dma_wait3A_76 = arith.constant 0 : i32
    %dma_wait3A_77 = arith.constant 0 : i32
    %dma_wait3A_78 = tpu.memref_slice %arg2[%dma_wait3A_76, %dma_wait3A_77] : memref<1000000x128xf32, #tpu.memory_space<hbm>> -> memref<1000000x128xf32, #tpu.memory_space<hbm>>
    tpu.wait_indirect_dma semaphore(%arg15 : memref<!tpu.dma_semaphore, #tpu.memory_space<semaphore_mem>>) src(%dma_wait3A_78 : memref<1000000x128xf32, #tpu.memory_space<hbm>>) dst(%arg7 : memref<128x128xf32, #tpu.memory_space<vmem>>)
    %dma_wait3A_79 = arith.constant 0 : i32
    %dma_wait3A_80 = tpu.memref_slice %arg5[%dma_wait3A_79] : memref<5120xi32, #tpu.memory_space<vmem>> -> memref<128xi32, #tpu.memory_space<vmem>>
    %dma_wait3A_81 = arith.constant 0 : i32
    %dma_wait3A_82 = arith.constant 0 : i32
    %dma_wait3A_83 = tpu.memref_slice %arg2[%dma_wait3A_81, %dma_wait3A_82] : memref<1000000x128xf32, #tpu.memory_space<hbm>> -> memref<1000000x128xf32, #tpu.memory_space<hbm>>
    tpu.wait_indirect_dma semaphore(%arg16 : memref<!tpu.dma_semaphore, #tpu.memory_space<semaphore_mem>>) src(%dma_wait3A_83 : memref<1000000x128xf32, #tpu.memory_space<hbm>>) dst(%arg8 : memref<128x128xf32, #tpu.memory_space<vmem>>)
    %dma_wait3A_84 = arith.constant 0 : i32
    %dma_wait3A_85 = tpu.memref_slice %arg5[%dma_wait3A_84] : memref<5120xi32, #tpu.memory_space<vmem>> -> memref<128xi32, #tpu.memory_space<vmem>>
    %dma_wait3A_86 = arith.constant 0 : i32
    %dma_wait3A_87 = arith.constant 0 : i32
    %dma_wait3A_88 = tpu.memref_slice %arg2[%dma_wait3A_86, %dma_wait3A_87] : memref<1000000x128xf32, #tpu.memory_space<hbm>> -> memref<1000000x128xf32, #tpu.memory_space<hbm>>
    tpu.wait_indirect_dma semaphore(%arg17 : memref<!tpu.dma_semaphore, #tpu.memory_space<semaphore_mem>>) src(%dma_wait3A_88 : memref<1000000x128xf32, #tpu.memory_space<hbm>>) dst(%arg9 : memref<128x128xf32, #tpu.memory_space<vmem>>)
    return
  }
}

#map = affine_map<(d0, d1) -> (0, 0)>
#map1 = affine_map<(d0, d1) -> (0)>
module attributes {stable_mosaic.version = 14 : i64} {
  func.func @gather_kernel(%arg0: i32, %arg1: i32, %arg2: memref<1000000x128xf32, #tpu.memory_space<hbm>>, %arg3: memref<163840xi32, #tpu.memory_space<hbm>>, %arg4: memref<163840x128xf32, #tpu.memory_space<hbm>>, %arg5: memref<5120xi32, #tpu.memory_space<vmem>>, %arg6: memref<128x128xf32, #tpu.memory_space<vmem>>, %arg7: memref<128x128xf32, #tpu.memory_space<vmem>>, %arg8: memref<128x128xf32, #tpu.memory_space<vmem>>, %arg9: memref<128x128xf32, #tpu.memory_space<vmem>>, %arg10: memref<!tpu.dma_semaphore, #tpu.memory_space<semaphore_mem>>, %arg11: memref<!tpu.dma_semaphore, #tpu.memory_space<semaphore_mem>>, %arg12: memref<!tpu.dma_semaphore, #tpu.memory_space<semaphore_mem>>, %arg13: memref<!tpu.dma_semaphore, #tpu.memory_space<semaphore_mem>>, %arg14: memref<!tpu.dma_semaphore, #tpu.memory_space<semaphore_mem>>, %arg15: memref<!tpu.dma_semaphore, #tpu.memory_space<semaphore_mem>>, %arg16: memref<!tpu.dma_semaphore, #tpu.memory_space<semaphore_mem>>, %arg17: memref<!tpu.dma_semaphore, #tpu.memory_space<semaphore_mem>>) attributes {dimension_semantics = [#tpu.dimension_semantics<core_parallel>, #tpu.dimension_semantics<subcore_parallel>], iteration_bounds = array<i64: 2, 16>, scalar_prefetch = 0 : i64, scratch_operands = 13 : i64, tpu.core_type = #tpu.core_type<sc_vector_subcore>, window_params = [{transform_indices = #map}, {transform_indices = #map1}, {transform_indices = #map}]} {
    %mul3A = arith.constant 2 : i32
    %mul3A_0 = arith.muli %arg1, %mul3A : i32
    %add3A = arith.addi %mul3A_0, %arg0 : i32
    %mul3A_1 = arith.constant 5120 : i32
    %mul3A_2 = arith.muli %add3A, %mul3A_1 : i32
    "tpu.region"() ({
      %run_scoped3A = tpu.sem_alloc : memref<!tpu.dma_semaphore, #tpu.memory_space<semaphore_mem>>
      %dma_start3A_89 = tpu.memref_slice %arg3[%mul3A_2] : memref<163840xi32, #tpu.memory_space<hbm>> -> memref<5120xi32, #tpu.memory_space<hbm>>
      %dma_start3A_90 = tpu.memref_slice %arg3[%mul3A_2] : memref<163840xi32, #tpu.memory_space<hbm>> -> memref<5120xi32, #tpu.memory_space<hbm>>
      tpu.enqueue_dma source(%dma_start3A_90 : memref<5120xi32, #tpu.memory_space<hbm>>) target(%arg5 : memref<5120xi32, #tpu.memory_space<vmem>>) target_semaphore(%run_scoped3A : memref<!tpu.dma_semaphore, #tpu.memory_space<semaphore_mem>>)
      %dma_wait3A_91 = tpu.memref_slice %arg3[%mul3A_2] : memref<163840xi32, #tpu.memory_space<hbm>> -> memref<5120xi32, #tpu.memory_space<hbm>>
      %dma_wait3A_92 = tpu.memref_slice %arg3[%mul3A_2] : memref<163840xi32, #tpu.memory_space<hbm>> -> memref<5120xi32, #tpu.memory_space<hbm>>
      tpu.wait_dma2 semaphore(%run_scoped3A : memref<!tpu.dma_semaphore, #tpu.memory_space<semaphore_mem>>) src(%dma_wait3A_92 : memref<5120xi32, #tpu.memory_space<hbm>>) dst(%arg5 : memref<5120xi32, #tpu.memory_space<vmem>>)
      tpu.yield
    }) : () -> ()
    %dma_start3A = arith.constant 0 : i32
    %dma_start3A_3 = tpu.memref_slice %arg5[%dma_start3A] : memref<5120xi32, #tpu.memory_space<vmem>> -> memref<128xi32, #tpu.memory_space<vmem>>
    %dma_start3A_4 = arith.constant 0 : i32
    %dma_start3A_5 = arith.constant 0 : i32
    %dma_start3A_6 = tpu.memref_slice %arg2[%dma_start3A_4, %dma_start3A_5] : memref<1000000x128xf32, #tpu.memory_space<hbm>> -> memref<1000000x128xf32, #tpu.memory_space<hbm>>
    tpu.enqueue_indirect_dma source(%dma_start3A_6 : memref<1000000x128xf32, #tpu.memory_space<hbm>>) target(%arg6 : memref<128x128xf32, #tpu.memory_space<vmem>>) offsets(%dma_start3A_3 : memref<128xi32, #tpu.memory_space<vmem>>) semaphore(%arg10 : memref<!tpu.dma_semaphore, #tpu.memory_space<semaphore_mem>>)
    %dma_start3A_7 = arith.constant 128 : i32
    %dma_start3A_8 = tpu.memref_slice %arg5[%dma_start3A_7] : memref<5120xi32, #tpu.memory_space<vmem>> -> memref<128xi32, #tpu.memory_space<vmem>>
    %dma_start3A_9 = arith.constant 0 : i32
    %dma_start3A_10 = arith.constant 0 : i32
    %dma_start3A_11 = tpu.memref_slice %arg2[%dma_start3A_9, %dma_start3A_10] : memref<1000000x128xf32, #tpu.memory_space<hbm>> -> memref<1000000x128xf32, #tpu.memory_space<hbm>>
    tpu.enqueue_indirect_dma source(%dma_start3A_11 : memref<1000000x128xf32, #tpu.memory_space<hbm>>) target(%arg7 : memref<128x128xf32, #tpu.memory_space<vmem>>) offsets(%dma_start3A_8 : memref<128xi32, #tpu.memory_space<vmem>>) semaphore(%arg11 : memref<!tpu.dma_semaphore, #tpu.memory_space<semaphore_mem>>)
    %dma_start3A_12 = arith.constant 256 : i32
    %dma_start3A_13 = tpu.memref_slice %arg5[%dma_start3A_12] : memref<5120xi32, #tpu.memory_space<vmem>> -> memref<128xi32, #tpu.memory_space<vmem>>
    %dma_start3A_14 = arith.constant 0 : i32
    %dma_start3A_15 = arith.constant 0 : i32
    %dma_start3A_16 = tpu.memref_slice %arg2[%dma_start3A_14, %dma_start3A_15] : memref<1000000x128xf32, #tpu.memory_space<hbm>> -> memref<1000000x128xf32, #tpu.memory_space<hbm>>
    tpu.enqueue_indirect_dma source(%dma_start3A_16 : memref<1000000x128xf32, #tpu.memory_space<hbm>>) target(%arg8 : memref<128x128xf32, #tpu.memory_space<vmem>>) offsets(%dma_start3A_13 : memref<128xi32, #tpu.memory_space<vmem>>) semaphore(%arg12 : memref<!tpu.dma_semaphore, #tpu.memory_space<semaphore_mem>>)
    %dma_start3A_17 = arith.constant 384 : i32
    %dma_start3A_18 = tpu.memref_slice %arg5[%dma_start3A_17] : memref<5120xi32, #tpu.memory_space<vmem>> -> memref<128xi32, #tpu.memory_space<vmem>>
    %dma_start3A_19 = arith.constant 0 : i32
    %dma_start3A_20 = arith.constant 0 : i32
    %dma_start3A_21 = tpu.memref_slice %arg2[%dma_start3A_19, %dma_start3A_20] : memref<1000000x128xf32, #tpu.memory_space<hbm>> -> memref<1000000x128xf32, #tpu.memory_space<hbm>>
    tpu.enqueue_indirect_dma source(%dma_start3A_21 : memref<1000000x128xf32, #tpu.memory_space<hbm>>) target(%arg9 : memref<128x128xf32, #tpu.memory_space<vmem>>) offsets(%dma_start3A_18 : memref<128xi32, #tpu.memory_space<vmem>>) semaphore(%arg13 : memref<!tpu.dma_semaphore, #tpu.memory_space<semaphore_mem>>)
    %scan3A = arith.constant 0 : i32
    %scan3A_22 = arith.constant 9 : i32
    %scan3A_23 = arith.addi %scan3A, %scan3A_22 : i32
    %scan3A_24 = arith.constant 1 : i32
    scf.for %scan3A_89 = %scan3A to %scan3A_23 step %scan3A_24  : i32 {
      %mul3A_90 = arith.constant 4 : i32
      %mul3A_91 = arith.muli %scan3A_89, %mul3A_90 : i32
      %add3A_92 = arith.constant 0 : i32
      %add3A_93 = arith.addi %add3A_92, %mul3A_91 : i32
      %dma_wait3A_94 = arith.constant 0 : i32
      %dma_wait3A_95 = tpu.memref_slice %arg5[%dma_wait3A_94] : memref<5120xi32, #tpu.memory_space<vmem>> -> memref<128xi32, #tpu.memory_space<vmem>>
      %dma_wait3A_96 = arith.constant 0 : i32
      %dma_wait3A_97 = arith.constant 0 : i32
      %dma_wait3A_98 = tpu.memref_slice %arg2[%dma_wait3A_96, %dma_wait3A_97] : memref<1000000x128xf32, #tpu.memory_space<hbm>> -> memref<1000000x128xf32, #tpu.memory_space<hbm>>
      tpu.wait_indirect_dma semaphore(%arg10 : memref<!tpu.dma_semaphore, #tpu.memory_space<semaphore_mem>>) src(%dma_wait3A_98 : memref<1000000x128xf32, #tpu.memory_space<hbm>>) dst(%arg6 : memref<128x128xf32, #tpu.memory_space<vmem>>)
      %add3A_99 = arith.constant 0 : i32
      %add3A_100 = arith.addi %add3A_93, %add3A_99 : i32
      %mul3A_101 = arith.constant 128 : i32
      %mul3A_102 = arith.muli %add3A_100, %mul3A_101 : i32
      %add3A_103 = arith.addi %mul3A_2, %mul3A_102 : i32
      %dma_start3A_104 = arith.constant 0 : i32
      %dma_start3A_105 = tpu.memref_slice %arg4[%add3A_103, %dma_start3A_104] : memref<163840x128xf32, #tpu.memory_space<hbm>> -> memref<128x128xf32, #tpu.memory_space<hbm>>
      %dma_start3A_106 = arith.constant 0 : i32
      %dma_start3A_107 = tpu.memref_slice %arg4[%add3A_103, %dma_start3A_106] : memref<163840x128xf32, #tpu.memory_space<hbm>> -> memref<128x128xf32, #tpu.memory_space<hbm>>
      tpu.enqueue_dma source(%arg6 : memref<128x128xf32, #tpu.memory_space<vmem>>) target(%dma_start3A_107 : memref<128x128xf32, #tpu.memory_space<hbm>>) target_semaphore(%arg14 : memref<!tpu.dma_semaphore, #tpu.memory_space<semaphore_mem>>)
      %dma_wait3A_108 = arith.constant 0 : i32
      %dma_wait3A_109 = tpu.memref_slice %arg5[%dma_wait3A_108] : memref<5120xi32, #tpu.memory_space<vmem>> -> memref<128xi32, #tpu.memory_space<vmem>>
      %dma_wait3A_110 = arith.constant 0 : i32
      %dma_wait3A_111 = arith.constant 0 : i32
      %dma_wait3A_112 = tpu.memref_slice %arg2[%dma_wait3A_110, %dma_wait3A_111] : memref<1000000x128xf32, #tpu.memory_space<hbm>> -> memref<1000000x128xf32, #tpu.memory_space<hbm>>
      tpu.wait_indirect_dma semaphore(%arg11 : memref<!tpu.dma_semaphore, #tpu.memory_space<semaphore_mem>>) src(%dma_wait3A_112 : memref<1000000x128xf32, #tpu.memory_space<hbm>>) dst(%arg7 : memref<128x128xf32, #tpu.memory_space<vmem>>)
      %add3A_113 = arith.constant 1 : i32
      %add3A_114 = arith.addi %add3A_93, %add3A_113 : i32
      %mul3A_115 = arith.constant 128 : i32
      %mul3A_116 = arith.muli %add3A_114, %mul3A_115 : i32
      %add3A_117 = arith.addi %mul3A_2, %mul3A_116 : i32
      %dma_start3A_118 = arith.constant 0 : i32
      %dma_start3A_119 = tpu.memref_slice %arg4[%add3A_117, %dma_start3A_118] : memref<163840x128xf32, #tpu.memory_space<hbm>> -> memref<128x128xf32, #tpu.memory_space<hbm>>
      %dma_start3A_120 = arith.constant 0 : i32
      %dma_start3A_121 = tpu.memref_slice %arg4[%add3A_117, %dma_start3A_120] : memref<163840x128xf32, #tpu.memory_space<hbm>> -> memref<128x128xf32, #tpu.memory_space<hbm>>
      tpu.enqueue_dma source(%arg7 : memref<128x128xf32, #tpu.memory_space<vmem>>) target(%dma_start3A_121 : memref<128x128xf32, #tpu.memory_space<hbm>>) target_semaphore(%arg15 : memref<!tpu.dma_semaphore, #tpu.memory_space<semaphore_mem>>)
      %dma_wait3A_122 = arith.constant 0 : i32
      %dma_wait3A_123 = tpu.memref_slice %arg5[%dma_wait3A_122] : memref<5120xi32, #tpu.memory_space<vmem>> -> memref<128xi32, #tpu.memory_space<vmem>>
      %dma_wait3A_124 = arith.constant 0 : i32
      %dma_wait3A_125 = arith.constant 0 : i32
      %dma_wait3A_126 = tpu.memref_slice %arg2[%dma_wait3A_124, %dma_wait3A_125] : memref<1000000x128xf32, #tpu.memory_space<hbm>> -> memref<1000000x128xf32, #tpu.memory_space<hbm>>
      tpu.wait_indirect_dma semaphore(%arg12 : memref<!tpu.dma_semaphore, #tpu.memory_space<semaphore_mem>>) src(%dma_wait3A_126 : memref<1000000x128xf32, #tpu.memory_space<hbm>>) dst(%arg8 : memref<128x128xf32, #tpu.memory_space<vmem>>)
      %add3A_127 = arith.constant 2 : i32
      %add3A_128 = arith.addi %add3A_93, %add3A_127 : i32
      %mul3A_129 = arith.constant 128 : i32
      %mul3A_130 = arith.muli %add3A_128, %mul3A_129 : i32
      %add3A_131 = arith.addi %mul3A_2, %mul3A_130 : i32
      %dma_start3A_132 = arith.constant 0 : i32
      %dma_start3A_133 = tpu.memref_slice %arg4[%add3A_131, %dma_start3A_132] : memref<163840x128xf32, #tpu.memory_space<hbm>> -> memref<128x128xf32, #tpu.memory_space<hbm>>
      %dma_start3A_134 = arith.constant 0 : i32
      %dma_start3A_135 = tpu.memref_slice %arg4[%add3A_131, %dma_start3A_134] : memref<163840x128xf32, #tpu.memory_space<hbm>> -> memref<128x128xf32, #tpu.memory_space<hbm>>
      tpu.enqueue_dma source(%arg8 : memref<128x128xf32, #tpu.memory_space<vmem>>) target(%dma_start3A_135 : memref<128x128xf32, #tpu.memory_space<hbm>>) target_semaphore(%arg16 : memref<!tpu.dma_semaphore, #tpu.memory_space<semaphore_mem>>)
      %dma_wait3A_136 = arith.constant 0 : i32
      %dma_wait3A_137 = tpu.memref_slice %arg5[%dma_wait3A_136] : memref<5120xi32, #tpu.memory_space<vmem>> -> memref<128xi32, #tpu.memory_space<vmem>>
      %dma_wait3A_138 = arith.constant 0 : i32
      %dma_wait3A_139 = arith.constant 0 : i32
      %dma_wait3A_140 = tpu.memref_slice %arg2[%dma_wait3A_138, %dma_wait3A_139] : memref<1000000x128xf32, #tpu.memory_space<hbm>> -> memref<1000000x128xf32, #tpu.memory_space<hbm>>
      tpu.wait_indirect_dma semaphore(%arg13 : memref<!tpu.dma_semaphore, #tpu.memory_space<semaphore_mem>>) src(%dma_wait3A_140 : memref<1000000x128xf32, #tpu.memory_space<hbm>>) dst(%arg9 : memref<128x128xf32, #tpu.memory_space<vmem>>)
      %add3A_141 = arith.constant 3 : i32
      %add3A_142 = arith.addi %add3A_93, %add3A_141 : i32
      %mul3A_143 = arith.constant 128 : i32
      %mul3A_144 = arith.muli %add3A_142, %mul3A_143 : i32
      %add3A_145 = arith.addi %mul3A_2, %mul3A_144 : i32
      %dma_start3A_146 = arith.constant 0 : i32
      %dma_start3A_147 = tpu.memref_slice %arg4[%add3A_145, %dma_start3A_146] : memref<163840x128xf32, #tpu.memory_space<hbm>> -> memref<128x128xf32, #tpu.memory_space<hbm>>
      %dma_start3A_148 = arith.constant 0 : i32
      %dma_start3A_149 = tpu.memref_slice %arg4[%add3A_145, %dma_start3A_148] : memref<163840x128xf32, #tpu.memory_space<hbm>> -> memref<128x128xf32, #tpu.memory_space<hbm>>
      tpu.enqueue_dma source(%arg9 : memref<128x128xf32, #tpu.memory_space<vmem>>) target(%dma_start3A_149 : memref<128x128xf32, #tpu.memory_space<hbm>>) target_semaphore(%arg17 : memref<!tpu.dma_semaphore, #tpu.memory_space<semaphore_mem>>)
      %dma_wait3A_150 = arith.constant 0 : i32
      %dma_wait3A_151 = tpu.memref_slice %arg5[%dma_wait3A_150] : memref<5120xi32, #tpu.memory_space<vmem>> -> memref<128xi32, #tpu.memory_space<vmem>>
      %dma_wait3A_152 = arith.constant 0 : i32
      %dma_wait3A_153 = arith.constant 0 : i32
      %dma_wait3A_154 = tpu.memref_slice %arg2[%dma_wait3A_152, %dma_wait3A_153] : memref<1000000x128xf32, #tpu.memory_space<hbm>> -> memref<1000000x128xf32, #tpu.memory_space<hbm>>
      tpu.wait_indirect_dma semaphore(%arg14 : memref<!tpu.dma_semaphore, #tpu.memory_space<semaphore_mem>>) src(%dma_wait3A_154 : memref<1000000x128xf32, #tpu.memory_space<hbm>>) dst(%arg6 : memref<128x128xf32, #tpu.memory_space<vmem>>)
      %add3A_155 = arith.constant 4 : i32
      %add3A_156 = arith.addi %add3A_93, %add3A_155 : i32
      %add3A_157 = arith.constant 0 : i32
      %add3A_158 = arith.addi %add3A_156, %add3A_157 : i32
      %mul3A_159 = arith.constant 128 : i32
      %mul3A_160 = arith.muli %add3A_158, %mul3A_159 : i32
      %dma_start3A_161 = tpu.memref_slice %arg5[%mul3A_160] : memref<5120xi32, #tpu.memory_space<vmem>> -> memref<128xi32, #tpu.memory_space<vmem>>
      %dma_start3A_162 = arith.constant 0 : i32
      %dma_start3A_163 = arith.constant 0 : i32
      %dma_start3A_164 = tpu.memref_slice %arg2[%dma_start3A_162, %dma_start3A_163] : memref<1000000x128xf32, #tpu.memory_space<hbm>> -> memref<1000000x128xf32, #tpu.memory_space<hbm>>
      tpu.enqueue_indirect_dma source(%dma_start3A_164 : memref<1000000x128xf32, #tpu.memory_space<hbm>>) target(%arg6 : memref<128x128xf32, #tpu.memory_space<vmem>>) offsets(%dma_start3A_161 : memref<128xi32, #tpu.memory_space<vmem>>) semaphore(%arg10 : memref<!tpu.dma_semaphore, #tpu.memory_space<semaphore_mem>>)
      %dma_wait3A_165 = arith.constant 0 : i32
      %dma_wait3A_166 = tpu.memref_slice %arg5[%dma_wait3A_165] : memref<5120xi32, #tpu.memory_space<vmem>> -> memref<128xi32, #tpu.memory_space<vmem>>
      %dma_wait3A_167 = arith.constant 0 : i32
      %dma_wait3A_168 = arith.constant 0 : i32
      %dma_wait3A_169 = tpu.memref_slice %arg2[%dma_wait3A_167, %dma_wait3A_168] : memref<1000000x128xf32, #tpu.memory_space<hbm>> -> memref<1000000x128xf32, #tpu.memory_space<hbm>>
      tpu.wait_indirect_dma semaphore(%arg15 : memref<!tpu.dma_semaphore, #tpu.memory_space<semaphore_mem>>) src(%dma_wait3A_169 : memref<1000000x128xf32, #tpu.memory_space<hbm>>) dst(%arg7 : memref<128x128xf32, #tpu.memory_space<vmem>>)
      %add3A_170 = arith.constant 4 : i32
      %add3A_171 = arith.addi %add3A_93, %add3A_170 : i32
      %add3A_172 = arith.constant 1 : i32
      %add3A_173 = arith.addi %add3A_171, %add3A_172 : i32
      %mul3A_174 = arith.constant 128 : i32
      %mul3A_175 = arith.muli %add3A_173, %mul3A_174 : i32
      %dma_start3A_176 = tpu.memref_slice %arg5[%mul3A_175] : memref<5120xi32, #tpu.memory_space<vmem>> -> memref<128xi32, #tpu.memory_space<vmem>>
      %dma_start3A_177 = arith.constant 0 : i32
      %dma_start3A_178 = arith.constant 0 : i32
      %dma_start3A_179 = tpu.memref_slice %arg2[%dma_start3A_177, %dma_start3A_178] : memref<1000000x128xf32, #tpu.memory_space<hbm>> -> memref<1000000x128xf32, #tpu.memory_space<hbm>>
      tpu.enqueue_indirect_dma source(%dma_start3A_179 : memref<1000000x128xf32, #tpu.memory_space<hbm>>) target(%arg7 : memref<128x128xf32, #tpu.memory_space<vmem>>) offsets(%dma_start3A_176 : memref<128xi32, #tpu.memory_space<vmem>>) semaphore(%arg11 : memref<!tpu.dma_semaphore, #tpu.memory_space<semaphore_mem>>)
      %dma_wait3A_180 = arith.constant 0 : i32
      %dma_wait3A_181 = tpu.memref_slice %arg5[%dma_wait3A_180] : memref<5120xi32, #tpu.memory_space<vmem>> -> memref<128xi32, #tpu.memory_space<vmem>>
      %dma_wait3A_182 = arith.constant 0 : i32
      %dma_wait3A_183 = arith.constant 0 : i32
      %dma_wait3A_184 = tpu.memref_slice %arg2[%dma_wait3A_182, %dma_wait3A_183] : memref<1000000x128xf32, #tpu.memory_space<hbm>> -> memref<1000000x128xf32, #tpu.memory_space<hbm>>
      tpu.wait_indirect_dma semaphore(%arg16 : memref<!tpu.dma_semaphore, #tpu.memory_space<semaphore_mem>>) src(%dma_wait3A_184 : memref<1000000x128xf32, #tpu.memory_space<hbm>>) dst(%arg8 : memref<128x128xf32, #tpu.memory_space<vmem>>)
      %add3A_185 = arith.constant 4 : i32
      %add3A_186 = arith.addi %add3A_93, %add3A_185 : i32
      %add3A_187 = arith.constant 2 : i32
      %add3A_188 = arith.addi %add3A_186, %add3A_187 : i32
      %mul3A_189 = arith.constant 128 : i32
      %mul3A_190 = arith.muli %add3A_188, %mul3A_189 : i32
      %dma_start3A_191 = tpu.memref_slice %arg5[%mul3A_190] : memref<5120xi32, #tpu.memory_space<vmem>> -> memref<128xi32, #tpu.memory_space<vmem>>
      %dma_start3A_192 = arith.constant 0 : i32
      %dma_start3A_193 = arith.constant 0 : i32
      %dma_start3A_194 = tpu.memref_slice %arg2[%dma_start3A_192, %dma_start3A_193] : memref<1000000x128xf32, #tpu.memory_space<hbm>> -> memref<1000000x128xf32, #tpu.memory_space<hbm>>
      tpu.enqueue_indirect_dma source(%dma_start3A_194 : memref<1000000x128xf32, #tpu.memory_space<hbm>>) target(%arg8 : memref<128x128xf32, #tpu.memory_space<vmem>>) offsets(%dma_start3A_191 : memref<128xi32, #tpu.memory_space<vmem>>) semaphore(%arg12 : memref<!tpu.dma_semaphore, #tpu.memory_space<semaphore_mem>>)
      %dma_wait3A_195 = arith.constant 0 : i32
      %dma_wait3A_196 = tpu.memref_slice %arg5[%dma_wait3A_195] : memref<5120xi32, #tpu.memory_space<vmem>> -> memref<128xi32, #tpu.memory_space<vmem>>
      %dma_wait3A_197 = arith.constant 0 : i32
      %dma_wait3A_198 = arith.constant 0 : i32
      %dma_wait3A_199 = tpu.memref_slice %arg2[%dma_wait3A_197, %dma_wait3A_198] : memref<1000000x128xf32, #tpu.memory_space<hbm>> -> memref<1000000x128xf32, #tpu.memory_space<hbm>>
      tpu.wait_indirect_dma semaphore(%arg17 : memref<!tpu.dma_semaphore, #tpu.memory_space<semaphore_mem>>) src(%dma_wait3A_199 : memref<1000000x128xf32, #tpu.memory_space<hbm>>) dst(%arg9 : memref<128x128xf32, #tpu.memory_space<vmem>>)
      %add3A_200 = arith.constant 4 : i32
      %add3A_201 = arith.addi %add3A_93, %add3A_200 : i32
      %add3A_202 = arith.constant 3 : i32
      %add3A_203 = arith.addi %add3A_201, %add3A_202 : i32
      %mul3A_204 = arith.constant 128 : i32
      %mul3A_205 = arith.muli %add3A_203, %mul3A_204 : i32
      %dma_start3A_206 = tpu.memref_slice %arg5[%mul3A_205] : memref<5120xi32, #tpu.memory_space<vmem>> -> memref<128xi32, #tpu.memory_space<vmem>>
      %dma_start3A_207 = arith.constant 0 : i32
      %dma_start3A_208 = arith.constant 0 : i32
      %dma_start3A_209 = tpu.memref_slice %arg2[%dma_start3A_207, %dma_start3A_208] : memref<1000000x128xf32, #tpu.memory_space<hbm>> -> memref<1000000x128xf32, #tpu.memory_space<hbm>>
      tpu.enqueue_indirect_dma source(%dma_start3A_209 : memref<1000000x128xf32, #tpu.memory_space<hbm>>) target(%arg9 : memref<128x128xf32, #tpu.memory_space<vmem>>) offsets(%dma_start3A_206 : memref<128xi32, #tpu.memory_space<vmem>>) semaphore(%arg13 : memref<!tpu.dma_semaphore, #tpu.memory_space<semaphore_mem>>)
    }
    %scan3A_25 = arith.constant 9 : i32
    %dma_wait3A = arith.constant 0 : i32
    %dma_wait3A_26 = tpu.memref_slice %arg5[%dma_wait3A] : memref<5120xi32, #tpu.memory_space<vmem>> -> memref<128xi32, #tpu.memory_space<vmem>>
    %dma_wait3A_27 = arith.constant 0 : i32
    %dma_wait3A_28 = arith.constant 0 : i32
    %dma_wait3A_29 = tpu.memref_slice %arg2[%dma_wait3A_27, %dma_wait3A_28] : memref<1000000x128xf32, #tpu.memory_space<hbm>> -> memref<1000000x128xf32, #tpu.memory_space<hbm>>
    tpu.wait_indirect_dma semaphore(%arg10 : memref<!tpu.dma_semaphore, #tpu.memory_space<semaphore_mem>>) src(%dma_wait3A_29 : memref<1000000x128xf32, #tpu.memory_space<hbm>>) dst(%arg6 : memref<128x128xf32, #tpu.memory_space<vmem>>)
    %add3A_30 = arith.constant 4608 : i32
    %add3A_31 = arith.addi %mul3A_2, %add3A_30 : i32
    %dma_start3A_32 = arith.constant 0 : i32
    %dma_start3A_33 = tpu.memref_slice %arg4[%add3A_31, %dma_start3A_32] : memref<163840x128xf32, #tpu.memory_space<hbm>> -> memref<128x128xf32, #tpu.memory_space<hbm>>
    %dma_start3A_34 = arith.constant 0 : i32
    %dma_start3A_35 = tpu.memref_slice %arg4[%add3A_31, %dma_start3A_34] : memref<163840x128xf32, #tpu.memory_space<hbm>> -> memref<128x128xf32, #tpu.memory_space<hbm>>
    tpu.enqueue_dma source(%arg6 : memref<128x128xf32, #tpu.memory_space<vmem>>) target(%dma_start3A_35 : memref<128x128xf32, #tpu.memory_space<hbm>>) target_semaphore(%arg14 : memref<!tpu.dma_semaphore, #tpu.memory_space<semaphore_mem>>)
    %dma_wait3A_36 = arith.constant 0 : i32
    %dma_wait3A_37 = tpu.memref_slice %arg5[%dma_wait3A_36] : memref<5120xi32, #tpu.memory_space<vmem>> -> memref<128xi32, #tpu.memory_space<vmem>>
    %dma_wait3A_38 = arith.constant 0 : i32
    %dma_wait3A_39 = arith.constant 0 : i32
    %dma_wait3A_40 = tpu.memref_slice %arg2[%dma_wait3A_38, %dma_wait3A_39] : memref<1000000x128xf32, #tpu.memory_space<hbm>> -> memref<1000000x128xf32, #tpu.memory_space<hbm>>
    tpu.wait_indirect_dma semaphore(%arg11 : memref<!tpu.dma_semaphore, #tpu.memory_space<semaphore_mem>>) src(%dma_wait3A_40 : memref<1000000x128xf32, #tpu.memory_space<hbm>>) dst(%arg7 : memref<128x128xf32, #tpu.memory_space<vmem>>)
    %add3A_41 = arith.constant 4736 : i32
    %add3A_42 = arith.addi %mul3A_2, %add3A_41 : i32
    %dma_start3A_43 = arith.constant 0 : i32
    %dma_start3A_44 = tpu.memref_slice %arg4[%add3A_42, %dma_start3A_43] : memref<163840x128xf32, #tpu.memory_space<hbm>> -> memref<128x128xf32, #tpu.memory_space<hbm>>
    %dma_start3A_45 = arith.constant 0 : i32
    %dma_start3A_46 = tpu.memref_slice %arg4[%add3A_42, %dma_start3A_45] : memref<163840x128xf32, #tpu.memory_space<hbm>> -> memref<128x128xf32, #tpu.memory_space<hbm>>
    tpu.enqueue_dma source(%arg7 : memref<128x128xf32, #tpu.memory_space<vmem>>) target(%dma_start3A_46 : memref<128x128xf32, #tpu.memory_space<hbm>>) target_semaphore(%arg15 : memref<!tpu.dma_semaphore, #tpu.memory_space<semaphore_mem>>)
    %dma_wait3A_47 = arith.constant 0 : i32
    %dma_wait3A_48 = tpu.memref_slice %arg5[%dma_wait3A_47] : memref<5120xi32, #tpu.memory_space<vmem>> -> memref<128xi32, #tpu.memory_space<vmem>>
    %dma_wait3A_49 = arith.constant 0 : i32
    %dma_wait3A_50 = arith.constant 0 : i32
    %dma_wait3A_51 = tpu.memref_slice %arg2[%dma_wait3A_49, %dma_wait3A_50] : memref<1000000x128xf32, #tpu.memory_space<hbm>> -> memref<1000000x128xf32, #tpu.memory_space<hbm>>
    tpu.wait_indirect_dma semaphore(%arg12 : memref<!tpu.dma_semaphore, #tpu.memory_space<semaphore_mem>>) src(%dma_wait3A_51 : memref<1000000x128xf32, #tpu.memory_space<hbm>>) dst(%arg8 : memref<128x128xf32, #tpu.memory_space<vmem>>)
    %add3A_52 = arith.constant 4864 : i32
    %add3A_53 = arith.addi %mul3A_2, %add3A_52 : i32
    %dma_start3A_54 = arith.constant 0 : i32
    %dma_start3A_55 = tpu.memref_slice %arg4[%add3A_53, %dma_start3A_54] : memref<163840x128xf32, #tpu.memory_space<hbm>> -> memref<128x128xf32, #tpu.memory_space<hbm>>
    %dma_start3A_56 = arith.constant 0 : i32
    %dma_start3A_57 = tpu.memref_slice %arg4[%add3A_53, %dma_start3A_56] : memref<163840x128xf32, #tpu.memory_space<hbm>> -> memref<128x128xf32, #tpu.memory_space<hbm>>
    tpu.enqueue_dma source(%arg8 : memref<128x128xf32, #tpu.memory_space<vmem>>) target(%dma_start3A_57 : memref<128x128xf32, #tpu.memory_space<hbm>>) target_semaphore(%arg16 : memref<!tpu.dma_semaphore, #tpu.memory_space<semaphore_mem>>)
    %dma_wait3A_58 = arith.constant 0 : i32
    %dma_wait3A_59 = tpu.memref_slice %arg5[%dma_wait3A_58] : memref<5120xi32, #tpu.memory_space<vmem>> -> memref<128xi32, #tpu.memory_space<vmem>>
    %dma_wait3A_60 = arith.constant 0 : i32
    %dma_wait3A_61 = arith.constant 0 : i32
    %dma_wait3A_62 = tpu.memref_slice %arg2[%dma_wait3A_60, %dma_wait3A_61] : memref<1000000x128xf32, #tpu.memory_space<hbm>> -> memref<1000000x128xf32, #tpu.memory_space<hbm>>
    tpu.wait_indirect_dma semaphore(%arg13 : memref<!tpu.dma_semaphore, #tpu.memory_space<semaphore_mem>>) src(%dma_wait3A_62 : memref<1000000x128xf32, #tpu.memory_space<hbm>>) dst(%arg9 : memref<128x128xf32, #tpu.memory_space<vmem>>)
    %add3A_63 = arith.constant 4992 : i32
    %add3A_64 = arith.addi %mul3A_2, %add3A_63 : i32
    %dma_start3A_65 = arith.constant 0 : i32
    %dma_start3A_66 = tpu.memref_slice %arg4[%add3A_64, %dma_start3A_65] : memref<163840x128xf32, #tpu.memory_space<hbm>> -> memref<128x128xf32, #tpu.memory_space<hbm>>
    %dma_start3A_67 = arith.constant 0 : i32
    %dma_start3A_68 = tpu.memref_slice %arg4[%add3A_64, %dma_start3A_67] : memref<163840x128xf32, #tpu.memory_space<hbm>> -> memref<128x128xf32, #tpu.memory_space<hbm>>
    tpu.enqueue_dma source(%arg9 : memref<128x128xf32, #tpu.memory_space<vmem>>) target(%dma_start3A_68 : memref<128x128xf32, #tpu.memory_space<hbm>>) target_semaphore(%arg17 : memref<!tpu.dma_semaphore, #tpu.memory_space<semaphore_mem>>)
    %dma_wait3A_69 = arith.constant 0 : i32
    %dma_wait3A_70 = tpu.memref_slice %arg5[%dma_wait3A_69] : memref<5120xi32, #tpu.memory_space<vmem>> -> memref<128xi32, #tpu.memory_space<vmem>>
    %dma_wait3A_71 = arith.constant 0 : i32
    %dma_wait3A_72 = arith.constant 0 : i32
    %dma_wait3A_73 = tpu.memref_slice %arg2[%dma_wait3A_71, %dma_wait3A_72] : memref<1000000x128xf32, #tpu.memory_space<hbm>> -> memref<1000000x128xf32, #tpu.memory_space<hbm>>
    tpu.wait_indirect_dma semaphore(%arg14 : memref<!tpu.dma_semaphore, #tpu.memory_space<semaphore_mem>>) src(%dma_wait3A_73 : memref<1000000x128xf32, #tpu.memory_space<hbm>>) dst(%arg6 : memref<128x128xf32, #tpu.memory_space<vmem>>)
    %dma_wait3A_74 = arith.constant 0 : i32
    %dma_wait3A_75 = tpu.memref_slice %arg5[%dma_wait3A_74] : memref<5120xi32, #tpu.memory_space<vmem>> -> memref<128xi32, #tpu.memory_space<vmem>>
    %dma_wait3A_76 = arith.constant 0 : i32
    %dma_wait3A_77 = arith.constant 0 : i32
    %dma_wait3A_78 = tpu.memref_slice %arg2[%dma_wait3A_76, %dma_wait3A_77] : memref<1000000x128xf32, #tpu.memory_space<hbm>> -> memref<1000000x128xf32, #tpu.memory_space<hbm>>
    tpu.wait_indirect_dma semaphore(%arg15 : memref<!tpu.dma_semaphore, #tpu.memory_space<semaphore_mem>>) src(%dma_wait3A_78 : memref<1000000x128xf32, #tpu.memory_space<hbm>>) dst(%arg7 : memref<128x128xf32, #tpu.memory_space<vmem>>)
    %dma_wait3A_79 = arith.constant 0 : i32
    %dma_wait3A_80 = tpu.memref_slice %arg5[%dma_wait3A_79] : memref<5120xi32, #tpu.memory_space<vmem>> -> memref<128xi32, #tpu.memory_space<vmem>>
    %dma_wait3A_81 = arith.constant 0 : i32
    %dma_wait3A_82 = arith.constant 0 : i32
    %dma_wait3A_83 = tpu.memref_slice %arg2[%dma_wait3A_81, %dma_wait3A_82] : memref<1000000x128xf32, #tpu.memory_space<hbm>> -> memref<1000000x128xf32, #tpu.memory_space<hbm>>
    tpu.wait_indirect_dma semaphore(%arg16 : memref<!tpu.dma_semaphore, #tpu.memory_space<semaphore_mem>>) src(%dma_wait3A_83 : memref<1000000x128xf32, #tpu.memory_space<hbm>>) dst(%arg8 : memref<128x128xf32, #tpu.memory_space<vmem>>)
    %dma_wait3A_84 = arith.constant 0 : i32
    %dma_wait3A_85 = tpu.memref_slice %arg5[%dma_wait3A_84] : memref<5120xi32, #tpu.memory_space<vmem>> -> memref<128xi32, #tpu.memory_space<vmem>>
    %dma_wait3A_86 = arith.constant 0 : i32
    %dma_wait3A_87 = arith.constant 0 : i32
    %dma_wait3A_88 = tpu.memref_slice %arg2[%dma_wait3A_86, %dma_wait3A_87] : memref<1000000x128xf32, #tpu.memory_space<hbm>> -> memref<1000000x128xf32, #tpu.memory_space<hbm>>
    tpu.wait_indirect_dma semaphore(%arg17 : memref<!tpu.dma_semaphore, #tpu.memory_space<semaphore_mem>>) src(%dma_wait3A_88 : memref<1000000x128xf32, #tpu.memory_space<hbm>>) dst(%arg9 : memref<128x128xf32, #tpu.memory_space<vmem>>)
    return
  }
}

module attributes {stable_mosaic.version = 14 : i64} {
  func.func @_relayout_body(%arg0: i32, %arg1: memref<64x16384xf32, #tpu.memory_space<vmem>>, %arg2: memref<16384x128xf32, #tpu.memory_space<vmem>>) attributes {dimension_semantics = [#tpu.dimension_semantics<arbitrary>], iteration_bounds = array<i64: 62>, scalar_prefetch = 0 : i64, scratch_operands = 0 : i64, tpu.core_type = #tpu.core_type<tc>, window_params = [{transform_indices = @transform_0, window_bounds = array<i64: 64, 16384>}, {transform_indices = @transform_1, window_bounds = array<i64: 16384, 128>}]} {
    %get3A = arith.constant 0 : index
    %get3A_0 = arith.constant 0 : index
    %get3A_1 = vector.load %arg1[%get3A, %get3A_0] : memref<64x16384xf32, #tpu.memory_space<vmem>>, vector<64x16384xf32>
    %transpose3A = tpu.transpose %get3A_1, [1, 0] : vector<64x16384xf32> -> vector<16384x64xf32>
    %broadcast_in_dim3A = arith.constant 0.000000e+00 : f32
    %broadcast_in_dim3A_2 = vector.broadcast %broadcast_in_dim3A : f32 to vector<16384x64xf32>
    %concatenate3A = tpu.concatenate %transpose3A, %broadcast_in_dim3A_2 in 1 : vector<16384x64xf32>, vector<16384x64xf32> -> vector<16384x128xf32>
    %swap3A = arith.constant 0 : index
    %swap3A_3 = arith.constant 0 : index
    %swap3A_4 = vector.load %arg2[%swap3A, %swap3A_3] : memref<16384x128xf32, #tpu.memory_space<vmem>>, vector<16384x128xf32>
    tpu.vector_store %arg2[%swap3A, %swap3A_3], %concatenate3A {strides = array<i32>} : memref<16384x128xf32, #tpu.memory_space<vmem>>, vector<16384x128xf32>,
    return
  }
  func.func @transform_0(%arg0: i32) -> (i32, i32) {
    %c0_i32 = arith.constant 0 : i32
    %c0_i32_0 = arith.constant 0 : i32
    return %c0_i32, %arg0 : i32, i32
  }
  func.func @transform_1(%arg0: i32) -> (i32, i32) {
    %c0_i32 = arith.constant 0 : i32
    %c0_i32_0 = arith.constant 0 : i32
    return %arg0, %c0_i32 : i32, i32
  }
}

module attributes {stable_mosaic.version = 14 : i64} {
  func.func @_ot_first_body(%arg0: i32, %arg1: i32, %arg2: memref<8x1024x128xf32, #tpu.memory_space<vmem>>, %arg3: memref<64x8x1024xf32, #tpu.memory_space<vmem>>) attributes {dimension_semantics = [#tpu.dimension_semantics<arbitrary>, #tpu.dimension_semantics<arbitrary>], iteration_bounds = array<i64: 5, 4>, scalar_prefetch = 0 : i64, scratch_operands = 0 : i64, tpu.core_type = #tpu.core_type<tc>, window_params = [{transform_indices = @transform_0, window_bounds = array<i64: 8, 1024, 128>}, {transform_indices = @transform_1, window_bounds = array<i64: 64, 8, 1024>}]} {
    %get3A = arith.constant 0 : index
    %get3A_0 = arith.constant 0 : index
    %get3A_1 = arith.constant 0 : index
    %get3A_2 = vector.load %arg2[%get3A, %get3A_0, %get3A_1] : memref<8x1024x128xf32, #tpu.memory_space<vmem>>, vector<8x1024x128xf32>
    %slice3A = vector.extract_strided_slice %get3A_2 {offsets = [0, 0, 0], sizes = [8, 1024, 64], strides = [1, 1, 1]} : vector<8x1024x128xf32> to vector<8x1024x64xf32>
    %transpose3A = tpu.transpose %slice3A, [2, 0, 1] : vector<8x1024x64xf32> -> vector<64x8x1024xf32>
    %swap3A = arith.constant 0 : index
    %swap3A_3 = arith.constant 0 : index
    %swap3A_4 = arith.constant 0 : index
    %swap3A_5 = vector.load %arg3[%swap3A, %swap3A_3, %swap3A_4] : memref<64x8x1024xf32, #tpu.memory_space<vmem>>, vector<64x8x1024xf32>
    tpu.vector_store %arg3[%swap3A, %swap3A_3, %swap3A_4], %transpose3A {strides = array<i32>} : memref<64x8x1024xf32, #tpu.memory_space<vmem>>, vector<64x8x1024xf32>,
    return
  }
  func.func @transform_0(%arg0: i32, %arg1: i32) -> (i32, i32, i32) {
    %c0_i32 = arith.constant 0 : i32
    %c0_i32_0 = arith.constant 0 : i32
    return %arg0, %arg1, %c0_i32 : i32, i32, i32
  }
  func.func @transform_1(%arg0: i32, %arg1: i32) -> (i32, i32, i32) {
    %add3A = arith.constant 0 : i32
    %add3A_0 = arith.addi %add3A, %arg0 : i32
    %c0_i32 = arith.constant 0 : i32
    %c0_i32_1 = arith.constant 0 : i32
    return %c0_i32, %add3A_0, %arg1 : i32, i32, i32
  }
}

module attributes {stable_mosaic.version = 14 : i64} {
  func.func @_ot_chunk_body(%arg0: i32, %arg1: i32, %arg2: memref<8x1024x128xf32, #tpu.memory_space<vmem>>, %arg3: memref<64x200x4096xf32, #tpu.memory_space<hbm>>, %arg4: memref<64x8x1024xf32, #tpu.memory_space<vmem>>) attributes {dimension_semantics = [#tpu.dimension_semantics<arbitrary>, #tpu.dimension_semantics<arbitrary>], iteration_bounds = array<i64: 5, 4>, scalar_prefetch = 0 : i64, scratch_operands = 0 : i64, tpu.core_type = #tpu.core_type<tc>, window_params = [{transform_indices = @transform_0, window_bounds = array<i64: 8, 1024, 128>}, {}, {transform_indices = @transform_2, window_bounds = array<i64: 64, 8, 1024>}]} {
    %get3A = arith.constant 0 : index
    %get3A_0 = arith.constant 0 : index
    %get3A_1 = arith.constant 0 : index
    %get3A_2 = vector.load %arg2[%get3A, %get3A_0, %get3A_1] : memref<8x1024x128xf32, #tpu.memory_space<vmem>>, vector<8x1024x128xf32>
    %slice3A = vector.extract_strided_slice %get3A_2 {offsets = [0, 0, 0], sizes = [8, 1024, 64], strides = [1, 1, 1]} : vector<8x1024x128xf32> to vector<8x1024x64xf32>
    %transpose3A = tpu.transpose %slice3A, [2, 0, 1] : vector<8x1024x64xf32> -> vector<64x8x1024xf32>
    %swap3A = arith.constant 0 : index
    %swap3A_3 = arith.constant 0 : index
    %swap3A_4 = arith.constant 0 : index
    %swap3A_5 = vector.load %arg4[%swap3A, %swap3A_3, %swap3A_4] : memref<64x8x1024xf32, #tpu.memory_space<vmem>>, vector<64x8x1024xf32>
    tpu.vector_store %arg4[%swap3A, %swap3A_3, %swap3A_4], %transpose3A {strides = array<i32>} : memref<64x8x1024xf32, #tpu.memory_space<vmem>>, vector<64x8x1024xf32>,
    return
  }
  func.func @transform_0(%arg0: i32, %arg1: i32) -> (i32, i32, i32) {
    %c0_i32 = arith.constant 0 : i32
    %c0_i32_0 = arith.constant 0 : i32
    return %arg0, %arg1, %c0_i32 : i32, i32, i32
  }
  func.func @transform_2(%arg0: i32, %arg1: i32) -> (i32, i32, i32) {
    %add3A = arith.constant 5 : i32
    %add3A_0 = arith.addi %add3A, %arg0 : i32
    %c0_i32 = arith.constant 0 : i32
    %c0_i32_1 = arith.constant 0 : i32
    return %c0_i32, %add3A_0, %arg1 : i32, i32, i32
  }
}

module attributes {stable_mosaic.version = 14 : i64} {
  func.func @_ot_chunk_body(%arg0: i32, %arg1: i32, %arg2: memref<8x1024x128xf32, #tpu.memory_space<vmem>>, %arg3: memref<64x200x4096xf32, #tpu.memory_space<hbm>>, %arg4: memref<64x8x1024xf32, #tpu.memory_space<vmem>>) attributes {dimension_semantics = [#tpu.dimension_semantics<arbitrary>, #tpu.dimension_semantics<arbitrary>], iteration_bounds = array<i64: 5, 4>, scalar_prefetch = 0 : i64, scratch_operands = 0 : i64, tpu.core_type = #tpu.core_type<tc>, window_params = [{transform_indices = @transform_0, window_bounds = array<i64: 8, 1024, 128>}, {}, {transform_indices = @transform_2, window_bounds = array<i64: 64, 8, 1024>}]} {
    %get3A = arith.constant 0 : index
    %get3A_0 = arith.constant 0 : index
    %get3A_1 = arith.constant 0 : index
    %get3A_2 = vector.load %arg2[%get3A, %get3A_0, %get3A_1] : memref<8x1024x128xf32, #tpu.memory_space<vmem>>, vector<8x1024x128xf32>
    %slice3A = vector.extract_strided_slice %get3A_2 {offsets = [0, 0, 0], sizes = [8, 1024, 64], strides = [1, 1, 1]} : vector<8x1024x128xf32> to vector<8x1024x64xf32>
    %transpose3A = tpu.transpose %slice3A, [2, 0, 1] : vector<8x1024x64xf32> -> vector<64x8x1024xf32>
    %swap3A = arith.constant 0 : index
    %swap3A_3 = arith.constant 0 : index
    %swap3A_4 = arith.constant 0 : index
    %swap3A_5 = vector.load %arg4[%swap3A, %swap3A_3, %swap3A_4] : memref<64x8x1024xf32, #tpu.memory_space<vmem>>, vector<64x8x1024xf32>
    tpu.vector_store %arg4[%swap3A, %swap3A_3, %swap3A_4], %transpose3A {strides = array<i32>} : memref<64x8x1024xf32, #tpu.memory_space<vmem>>, vector<64x8x1024xf32>,
    return
  }
  func.func @transform_0(%arg0: i32, %arg1: i32) -> (i32, i32, i32) {
    %c0_i32 = arith.constant 0 : i32
    %c0_i32_0 = arith.constant 0 : i32
    return %arg0, %arg1, %c0_i32 : i32, i32, i32
  }
  func.func @transform_2(%arg0: i32, %arg1: i32) -> (i32, i32, i32) {
    %add3A = arith.constant 10 : i32
    %add3A_0 = arith.addi %add3A, %arg0 : i32
    %c0_i32 = arith.constant 0 : i32
    %c0_i32_1 = arith.constant 0 : i32
    return %c0_i32, %add3A_0, %arg1 : i32, i32, i32
  }
}

module attributes {stable_mosaic.version = 14 : i64} {
  func.func @_ot_chunk_body(%arg0: i32, %arg1: i32, %arg2: memref<8x1024x128xf32, #tpu.memory_space<vmem>>, %arg3: memref<64x200x4096xf32, #tpu.memory_space<hbm>>, %arg4: memref<64x8x1024xf32, #tpu.memory_space<vmem>>) attributes {dimension_semantics = [#tpu.dimension_semantics<arbitrary>, #tpu.dimension_semantics<arbitrary>], iteration_bounds = array<i64: 5, 4>, scalar_prefetch = 0 : i64, scratch_operands = 0 : i64, tpu.core_type = #tpu.core_type<tc>, window_params = [{transform_indices = @transform_0, window_bounds = array<i64: 8, 1024, 128>}, {}, {transform_indices = @transform_2, window_bounds = array<i64: 64, 8, 1024>}]} {
    %get3A = arith.constant 0 : index
    %get3A_0 = arith.constant 0 : index
    %get3A_1 = arith.constant 0 : index
    %get3A_2 = vector.load %arg2[%get3A, %get3A_0, %get3A_1] : memref<8x1024x128xf32, #tpu.memory_space<vmem>>, vector<8x1024x128xf32>
    %slice3A = vector.extract_strided_slice %get3A_2 {offsets = [0, 0, 0], sizes = [8, 1024, 64], strides = [1, 1, 1]} : vector<8x1024x128xf32> to vector<8x1024x64xf32>
    %transpose3A = tpu.transpose %slice3A, [2, 0, 1] : vector<8x1024x64xf32> -> vector<64x8x1024xf32>
    %swap3A = arith.constant 0 : index
    %swap3A_3 = arith.constant 0 : index
    %swap3A_4 = arith.constant 0 : index
    %swap3A_5 = vector.load %arg4[%swap3A, %swap3A_3, %swap3A_4] : memref<64x8x1024xf32, #tpu.memory_space<vmem>>, vector<64x8x1024xf32>
    tpu.vector_store %arg4[%swap3A, %swap3A_3, %swap3A_4], %transpose3A {strides = array<i32>} : memref<64x8x1024xf32, #tpu.memory_space<vmem>>, vector<64x8x1024xf32>,
    return
  }
  func.func @transform_0(%arg0: i32, %arg1: i32) -> (i32, i32, i32) {
    %c0_i32 = arith.constant 0 : i32
    %c0_i32_0 = arith.constant 0 : i32
    return %arg0, %arg1, %c0_i32 : i32, i32, i32
  }
  func.func @transform_2(%arg0: i32, %arg1: i32) -> (i32, i32, i32) {
    %add3A = arith.constant 15 : i32
    %add3A_0 = arith.addi %add3A, %arg0 : i32
    %c0_i32 = arith.constant 0 : i32
    %c0_i32_1 = arith.constant 0 : i32
    return %c0_i32, %add3A_0, %arg1 : i32, i32, i32
  }
}

module attributes {stable_mosaic.version = 14 : i64} {
  func.func @_ot_chunk_body(%arg0: i32, %arg1: i32, %arg2: memref<8x1024x128xf32, #tpu.memory_space<vmem>>, %arg3: memref<64x200x4096xf32, #tpu.memory_space<hbm>>, %arg4: memref<64x8x1024xf32, #tpu.memory_space<vmem>>) attributes {dimension_semantics = [#tpu.dimension_semantics<arbitrary>, #tpu.dimension_semantics<arbitrary>], iteration_bounds = array<i64: 5, 4>, scalar_prefetch = 0 : i64, scratch_operands = 0 : i64, tpu.core_type = #tpu.core_type<tc>, window_params = [{transform_indices = @transform_0, window_bounds = array<i64: 8, 1024, 128>}, {}, {transform_indices = @transform_2, window_bounds = array<i64: 64, 8, 1024>}]} {
    %get3A = arith.constant 0 : index
    %get3A_0 = arith.constant 0 : index
    %get3A_1 = arith.constant 0 : index
    %get3A_2 = vector.load %arg2[%get3A, %get3A_0, %get3A_1] : memref<8x1024x128xf32, #tpu.memory_space<vmem>>, vector<8x1024x128xf32>
    %slice3A = vector.extract_strided_slice %get3A_2 {offsets = [0, 0, 0], sizes = [8, 1024, 64], strides = [1, 1, 1]} : vector<8x1024x128xf32> to vector<8x1024x64xf32>
    %transpose3A = tpu.transpose %slice3A, [2, 0, 1] : vector<8x1024x64xf32> -> vector<64x8x1024xf32>
    %swap3A = arith.constant 0 : index
    %swap3A_3 = arith.constant 0 : index
    %swap3A_4 = arith.constant 0 : index
    %swap3A_5 = vector.load %arg4[%swap3A, %swap3A_3, %swap3A_4] : memref<64x8x1024xf32, #tpu.memory_space<vmem>>, vector<64x8x1024xf32>
    tpu.vector_store %arg4[%swap3A, %swap3A_3, %swap3A_4], %transpose3A {strides = array<i32>} : memref<64x8x1024xf32, #tpu.memory_space<vmem>>, vector<64x8x1024xf32>,
    return
  }
  func.func @transform_0(%arg0: i32, %arg1: i32) -> (i32, i32, i32) {
    %c0_i32 = arith.constant 0 : i32
    %c0_i32_0 = arith.constant 0 : i32
    return %arg0, %arg1, %c0_i32 : i32, i32, i32
  }
  func.func @transform_2(%arg0: i32, %arg1: i32) -> (i32, i32, i32) {
    %add3A = arith.constant 20 : i32
    %add3A_0 = arith.addi %add3A, %arg0 : i32
    %c0_i32 = arith.constant 0 : i32
    %c0_i32_1 = arith.constant 0 : i32
    return %c0_i32, %add3A_0, %arg1 : i32, i32, i32
  }
}

</mosaic_0001>

<sc_bundles>
// kernel: kernel.13.cloned.1.call-start
scs
__scs_entry_jumppad:
0x0: {  	(pc) =	sbr.rel $0x88, $3  }
0x1: {  	(tag) =	ssettag $0x0;
	lr =	simm.s32 $0x1  }
0x2: {  	[smem:$0x3F9F] =	sst lr;
	_ =	strace $0xD0000000  }
0x3: {  	_ = 	snop  }
0x4: {  	_ = 	snop  }
0x5: {  	_ = 	snop  }
0x6: {  	_ = 	snop  }
0x7: {  	_ = 	snop  }
__scs_overlays_trampoline_lowered:
0x8: {  	[smem:$0x3FAE] =	sst s0  }
0x9: {  	[smem:$0x3FAF] =	sst s1  }
0xa: {  	[smem:$0x3FB0] =	sst s2  }
0xb: {  	[smem:$0x3FB1] =	sst s3  }
0xc: {  	[smem:$0x3FB2] =	sst s4  }
0xd: {  	[smem:$0x3FB3] =	sst s5  }
0xe: {  	[smem:$0x3FB4] =	sst s6  }
0xf: {  	[smem:$0x3FB5] =	sst s7  }
0x10: {  	[smem:$0x3FB6] =	sst s8  }
0x11: {  	[smem:$0x3FB7] =	sst s9;
	s0 =	simm.s32 @!p0 $0x0  }
0x12: {  	s1 =	sld [smem:$0x3F9D];
	s0 =	simm.s32 @p0 $0x1  }
0x13: {  	[smem:$0x3FB8] =	sst s0;
	s0 =	simm.s32 @!p1 $0x0  }
0x14: {  	s2 =	sld [smem:$0x3F9C];
	s0 =	simm.s32 @p1 $0x1  }
0x15: {  	[smem:$0x3FB9] =	sst s0;
	s0 =	simm.s32 @!p2 $0x0  }
0x16: {  	s3 =	sld [smem:$0x3FDB];
	s0 =	simm.s32 @p2 $0x1  }
0x17: {  	s4 =	simm.s32 $0x1BF5;
	[smem:$0x3FBB] =	sst s0  }
0x18: {  	s0 =	sld [smem:$0x3F9E];
	_ =	swait.ge [sflag:s4], $0x0  }
0x19: {  	s7 =	sld [smem:$0x3F9F]  }
0x1a: {  	s8 =	sadd.s32 $0xFFFFE003, lr  }
0x1b: {  	s9 =	sadd.s32 $0xFFFFFEF7, lr;
	s5 =	simm.s32 $0xFFFFFFFF;
	p2 =	slt.u32 s8, $0xFFFFF086  }
0x1c: {  	p1 =	slt.u32 s9, $0xF7A;
	s5 =	simm.s32 @!p2 $0x0  }
0x1d: {  	s5 =	simm.s32 @p1 $0x1;
	p0 =	seq.s32 s7, s2  }
0x1e: {  	s7 =	smul.u32 @!p0 $0xF7A, s2;
	p2 =	seq.s32 @!p0 s5, $0x0  }
0x1f: {  	s9 =	smul.u32 $0xF7A, s1;
	s8 =	simm.s32 @!p0 $0x1BF5;
	p2 =	por !p2, p0  }
0x20: {  	[sflag:s8] =	ssyncset.s32 @!p0 $0xFFFFF086;
	s6 =	sadd.s32 @!p0 s3, s7;
	s7 =	simm.s32 @!p0 $0x108  }
0x21: {  	s3 =	sadd.s32 s3, s9;
	s6 =	sadd.s32 @!p0 $0x88, s6;
	s7 =	simm.s32 @p2 $0x1082  }
0x22: {  	[simem:s7], [sflag:s8] =	dma.local @!p0 [hbm:s6], $0xF7A  }
0x23: {  	s9 =	sor.u32 $0xD0000000, s2;
	s6 =	simm.s32 $0x108;
	_ =	swait.ge @!p0 [sflag:s8], $0x0  }
0x24: {  	s3 =	sadd.s32 $0x88, s3;
	s6 =	simm.s32 @!p1 $0x1082;
	[sflag:s4] =	ssyncset.s32 $0xFFFFF086  }
0x25: {  	[simem:s6], [sflag:s4] =	dma.local [hbm:s3], $0xF7A  }
0x26: {  	[smem:$0x3F9F] =	sst s1;
	(tag) =	ssettag s2;
	_ =	strace s9  }
0x27: {  	s1 =	sld [smem:$0x3FAF]  }
0x28: {  	s2 =	sld [smem:$0x3FB0]  }
0x29: {  	s4 =	sld [smem:$0x3FB2]  }
0x2a: {  	p0 =	seq.s32 s5, $0x0;
	s5 =	sld [smem:$0x3FB3]  }
0x2b: {  	s6 =	sld [smem:$0x3FB4]  }
0x2c: {  	s7 =	sld [smem:$0x3FB5]  }
0x2d: {  	s3 =	simm.s32 $0x108;
	s8 =	sld [smem:$0x3FB6]  }
0x2e: {  	s3 =	simm.s32 @!p0 $0x1082;
	s9 =	sld [smem:$0x3FB7]  }
0x2f: {  	lr =	sadd.s32 s0, s3;
	s0 =	sld [smem:$0x3FAE]  }
0x30: {  	s3 =	sld [smem:$0x3FB1]  }
0x31: {  	[smem:$0x3FBA] =	sst s10  }
0x32: {  	s10 =	sld [smem:$0x3FB8];
	_ =	sdelay $0x3  }
0x33: {  	p0 =	seq.s32 s10, $0x1;
	s10 =	sld [smem:$0x3FBA];
	_ =	sdelay $0x3  }
0x34: {  	[smem:$0x3FBA] =	sst s10  }
0x35: {  	s10 =	sld [smem:$0x3FB9];
	_ =	sdelay $0x3  }
0x36: {  	p1 =	seq.s32 s10, $0x1;
	s10 =	sld [smem:$0x3FBA];
	_ =	sdelay $0x3  }
0x37: {  	[smem:$0x3FBA] =	sst s10  }
0x38: {  	s10 =	sld [smem:$0x3FBB]  }
0x39: {  	_ = 	snop;
	(pc) =	sbr.ind lr, $3  }
0x3a: {  	_ = 	snop  }
0x3b: {  	_ = 	snop  }
0x3c: {  	p2 =	seq.s32 s10, $0x1;
	s10 =	sld [smem:$0x3FBA]  }
0x3d: {  	_ =	shalt  }
0x3e: {  	_ =	shalt  }
0x3f: {  	_ =	shalt  }
0x40: {  	_ =	shalt  }
0x41: {  	_ =	shalt  }
0x42: {  	_ =	shalt  }
0x43: {  	_ =	shalt  }
0x44: {  	_ =	shalt  }
0x45: {  	_ =	shalt  }
0x46: {  	_ =	shalt  }
0x47: {  	_ =	shalt  }
0x48: {  	_ =	shalt  }
0x49: {  	_ =	shalt  }
0x4a: {  	_ =	shalt  }
0x4b: {  	_ =	shalt  }
0x4c: {  	_ =	shalt  }
0x4d: {  	_ =	shalt  }
0x4e: {  	_ =	shalt  }
0x4f: {  	_ =	shalt  }
0x50: {  	_ =	shalt  }
0x51: {  	_ =	shalt  }
0x52: {  	_ =	shalt  }
0x53: {  	_ =	shalt  }
0x54: {  	_ =	shalt  }
0x55: {  	_ =	shalt  }
0x56: {  	_ =	shalt  }
0x57: {  	_ =	shalt  }
0x58: {  	_ =	shalt  }
0x59: {  	_ =	shalt  }
0x5a: {  	_ =	shalt  }
0x5b: {  	_ =	shalt  }
0x5c: {  	_ =	shalt  }
0x5d: {  	_ =	shalt  }
0x5e: {  	_ =	shalt  }
0x5f: {  	_ =	shalt  }
0x60: {  	_ =	shalt  }
0x61: {  	_ =	shalt  }
0x62: {  	_ =	shalt  }
0x63: {  	_ =	shalt  }
0x64: {  	_ =	shalt  }
0x65: {  	_ =	shalt  }
0x66: {  	_ =	shalt  }
0x67: {  	_ =	shalt  }
0x68: {  	_ =	shalt  }
0x69: {  	_ =	shalt  }
0x6a: {  	_ =	shalt  }
0x6b: {  	_ =	shalt  }
0x6c: {  	_ =	shalt  }
0x6d: {  	_ =	shalt  }
0x6e: {  	_ =	shalt  }
0x6f: {  	_ =	shalt  }
0x70: {  	_ =	shalt  }
0x71: {  	_ =	shalt  }
0x72: {  	_ =	shalt  }
0x73: {  	_ =	shalt  }
0x74: {  	_ =	shalt  }
0x75: {  	_ =	shalt  }
0x76: {  	_ =	shalt  }
0x77: {  	_ =	shalt  }
0x78: {  	_ =	shalt  }
0x79: {  	_ =	shalt  }
0x7a: {  	_ =	shalt  }
0x7b: {  	_ =	shalt  }
0x7c: {  	_ =	shalt  }
0x7d: {  	_ =	shalt  }
0x7e: {  	_ =	shalt  }
0x7f: {  	_ =	shalt  }
0x80: {  	_ =	shalt  }
0x81: {  	_ =	shalt  }
0x82: {  	_ =	shalt  }
0x83: {  	_ =	shalt  }
0x84: {  	_ =	shalt  }
0x85: {  	_ =	shalt  }
0x86: {  	_ =	shalt  }
0x87: {  	_ =	shalt  }
.Lfunc_end0:
.L_simem_size_0:
called_computation_lowered:
.L_overlay_start_0:
0x88: {  	s2 =	sld [smem:$0x3FD9]  }
0x89: {  	s3 =	sld [smem:$0x3FFE];
	_ =	sdelay $0x1  }
0x8a: {  	s1 =	srdreg.scid  }
0x8b: {  	s0 =	sand.u32 $0x1, s1  }
0x8c: {  	s17 =	sshll.u32 s0, $0xA;
	s2 =	sadd.s32 s3, s2  }
0x8d: {  	s2 =	sadd.s32 s2, s17  }
0x8e: {  	[smem:$0x3FC6] =	sst s2  }
0x8f: {  	_ = 	snop  }
0x90: {  	s2 =	sld [smem:$0x3FD0];
	(tm) =	ssettm $0x1  }
0x91: {  	s18 =	sld [smem:$0x3FFB];
	_ =	sdelay $0x3  }
0x92: {  	_ =	strace s18  }
0x93: {  	s3 =	sld [smem:$0x3FFC];
	_ =	sdelay $0x3  }
0x94: {  	_ =	strace s3  }
0x95: {  	s3 =	sld [smem:$0x3FFD];
	_ =	sdelay $0x3  }
0x96: {  	_ =	strace s3  }
0x97: {  	_ =	strace $0x8FFFFFFF  }
0x98: {  	s19 =	sld [smem:$0x3FDB];
	_ =	sdelay $0x1  }
0x99: {  	s4 =	simm.s32 $_scs_section_size  }
0x9a: {  	s5 =	simm.s32 $_size__tile_overlayer_lowered;
	s6 =	simm.s32 $_tile_overlayer_lowered  }
0x9b: {  	s22 =	simm.s32 $0x1BFF;
	s21 =	sshll.u32 s6, $0x1;
	s3 =	sadd.s32 s4, s19  }
0x9c: {  	s7 =	simm.s32 $0x0;
	s20 =	sshll.u32 s5, $0x1;
	s5 =	sadd.s32 s21, s3  }
0x9d: {  	[timem:s7], [sflag:s22] =	dma.local [hbm:s5], s20  }
0x9e: {  	_ =	swait.ge [sflag:s22], s20  }
0x9f: {  	s4 =	ssub.s32 $0x0, s20;
	[sflag:s22] =	ssyncset.done $0x0  }
0xa0: {  	[sflag:s22] =	ssyncadd.s32 s4;
	_ =	sdelay $0x1  }
0xa1: {  	s23 =	simm.s32 $0x1B8B  }
0xa2: {  	_ =	swait.ge [sflag:s23], $0x1  }
0xa3: {  	[sflag:s23] =	ssyncset.done $0x0  }
0xa4: {  	s25 =	simm.s32 $0x1B8E;
	s24 =	sld [smem:$0x3FFE];
	[sflag:s23] =	ssyncadd.s32 $0xFFFFFFFF  }
0xa5: {  	s26 =	simm.s32 $execute0_lowered;
	[smem:$0x3FD2] =	sst s25  }
0xa6: {  	s5 =	sshll.u32 s26, $0x1;
	_ =	strace $0x80000046;
	[dreg:$0x1] =	wrdreg $0xFFFFFFFF  }
0xa7: {  	s28 =	simm.s32 $_size_execute0_lowered;
	s3 =	sadd.s32 s3, s5;
	[dreg:$0x0] =	wrdreg $0x0  }
0xa8: {  	s5 =	sshll.u32 s28, $0x1;
	[dreg:$0x2] =	wrdreg s3  }
0xa9: {  	[dreg:$0x3] =	wrdreg s5  }
0xaa: {  	[dreg:$0x4] =	wrdreg $0xC0  }
0xab: {  	_ =	task [dreg:s7], $0x5FFFF  }
0xac: {  	[dreg:$0x1] =	wrdreg $0xFFFFFFFF  }
0xad: {  	[dreg:$0x0] =	wrdreg $0x60  }
0xae: {  	[dreg:$0x2] =	wrdreg s24  }
0xaf: {  	[dreg:$0x3] =	wrdreg s2  }
0xb0: {  	[dreg:$0x4] =	wrdreg $0x9  }
0xb1: {  	_ =	task.clear_ibuf [dreg:s7], $0x5FFFF;
	_ =	strace $0x90000046  }
0xb2: {  	s29 =	simm.s32 $0x9;
	_ =	strace $0x80000048  }
0xb3: {  	_ =	swait.ge [sflag:s29], $0x1  }
0xb4: {  	[sflag:s29] =	ssyncadd.s32 $0xFFFFFFFF  }
0xb5: {  	_ =	strace $0x90000048  }
0xb6: {  	_ =	sfence  }
0xb7: {  	s30 =	sld [smem:$0x0];
	_ =	sdelay $0x2  }
0xb8: {  	s31 =	sshll.u32 s1, $0xD;
	s1 =	sshrl.u32 s1, $0x2  }
0xb9: {  	s3 =	sand.u32 $0x4000, s31;
	s1 =	sadd.s32 s1, s30  }
0xba: {  	s0 =	sor.u32 s3, s0;
	s1 =	sshll.u32 s1, $0x11  }
0xbb: {  	s0 =	sor.u32 s1, s0  }
0xbc: {  	s0 =	sadd.s32 $0x8F2B, s0  }
0xbd: {  	[sflag:s0] =	ssyncadd.remote.s32 $0x1  }
0xbe: {  	_ =	sfence.sel $0xFFFF  }
0xbf: {  	[dreg:$0x0] =	wrdreg $0xFFFFFFFF;
	(pc) =	sbr.abs _section_cstart, $3  }
0xc0: {  	[dreg:$0x1] =	wrdreg $0xFFFFFFFF  }
0xc1: {  	_ =	task.clear_ibuf [dreg:s7], $0x2FFFF;
	_ =	strace $0x9FFFFFFF  }
0xc2: {  	(tm) =	ssettm $0x7FFFFFFF  }
0xc3: {  	_ =	shalt  }
tec
execute0_lowered:
.L_overlay_start_1:
0x0: {  	(tag) =	ssettag $0x1  }
0x1: {  	s0 =	rddreg [dreg:$0x0]  }
0x2: {  	s4 =	rddreg [dreg:$0x1];
	s2 =	simm.s32 $0x0  }
0x3: {  	s3 =	srdreg.scid;
	s1 =	stileid.u32;
	s14 =	simm.s32 $0x1400  }
0x4: {  	s15 =	simm.s32 $0x5400;
	s17 =	simm.s32 $0x9400;
	s18 =	simm.s32 $0x180  }
0x5: {  	s19 =	simm.s32 $0xD400;
	s20 =	simm.s32 $0x1;
	s21 =	simm.s32 $0x2  }
0x6: {  	s22 =	simm.s32 $0x3;
	s23 =	simm.s32 $0x4;
	s28 =	simm.s32 $0x8  }
0x7: {  	s29 =	simm.s32 $0x0;
	[smem:$0x7FF] =	sst s2;
	s26 =	smul.u32 $0x140000, s1  }
0x8: {  	s9 =	sand.u32 $0x1, s3;
	s24 =	sshll.u32 s1, $0x1;
	s13 =	smul.u32 $0x28000, s1  }
0x9: {  	s3 =	sadd.s32 $0x1800, s0;
	s0 =	sadd.s32 $0xF43C00, s0;
	s12 =	smul.u32 $0xA0000, s9  }
0xa: {  	s5 =	sor.u32 s9, s24;
	s6 =	ssub.s32 $0x2, s9;
	s31 =	smul.u32 $0x14000, s9  }
0xb: {  	_ =	strace $0x80000047;
	s7 =	smul.u32 $0xA0000, s5;
	s8 =	sshrl.u32 s6, $0x1  }
0xc: {  	s24 =	simm.s32 $0x5;
	s5 =	smul.u32 $0x1400, s5;
	s10 =	ssub.s32 s6, s8  }
0xd: {  	s12 =	sadd.s32 s12, s26;
	s26 =	simm.s32 $0x7;
	s25 =	sshrl.u32 s7, $0x3  }
0xe: {  	s5 =	sshrl.u32 s5, $0x3;
	s30 =	sshrl.u32 s12, $0x3;
	s9 =	smax.u32 s10, $0x1  }
0xf: {  	s12 =	simm.s32 $0x9;
	s11 =	sadd.s32 s0, s25;
	s4 =	sadd.s32 s4, s5  }
0x10: {  	s10 =	sadd.s32 s30, s0;
	s0 =	sadd.s32 s13, s0;
	s13 =	simm.s32 $0x80  }
0x11: {  	s25 =	simm.s32 $0x6;
	s5 =	sadd.s32 $0x12000, s11;
	s6 =	sadd.s32 $0x12800, s11  }
0x12: {  	s7 =	sadd.s32 $0x13000, s11;
	s8 =	sadd.s32 $0x13800, s11;
	s11 =	sadd.s32 s31, s0  }
.LBB2_1:
0x13: {  	[tilespmem:s2], [sflag:$0x9] =	stream.linear.gather [hbm4b:s4+s2], $0x1400, $0x38;
	[tilespmem:$0x11400] =	vst v63  }
0x14: {  	_ =	swait.ge [sflag:s12], $0x1400  }
0x15: {  	[sflag:s12] =	ssyncset.done $0x0  }
0x16: {  	[sflag:s12] =	ssyncadd.s32 $0xFFFFEC00  }
0x17: {  	[tilespmem:s14], [sflag:$0x1] =	stream.indirect.gather [hbm4b:s3+s13], $0x80, s2, s13, $0xb8;
	[tilespmem:$0x11400] =	vst v63  }
0x18: {  	_ = 	snop  }
0x19: {  	[tilespmem:s15], [sflag:$0x2] =	stream.indirect.gather [hbm4b:s3+s13], $0x80, s13, s13, $0xb8;
	[tilespmem:$0x11400] =	vst v63  }
0x1a: {  	s0 =	simm.s32 $0x100  }
0x1b: {  	[tilespmem:s17], [sflag:$0x3] =	stream.indirect.gather [hbm4b:s3+s13], $0x80, s0, s13, $0xb8;
	[tilespmem:$0x11400] =	vst v63  }
0x1c: {  	_ = 	snop  }
0x1d: {  	[tilespmem:s19], [sflag:$0x4] =	stream.indirect.gather [hbm4b:s3+s13], $0x80, s18, s13, $0xb8;
	[tilespmem:$0x11400] =	vst v63  }
0x1e: {  	_ =	swait.ge [sflag:s20], $0x4000  }
0x1f: {  	[sflag:s20] =	ssyncset.done $0x0  }
0x20: {  	s16 =	sadd.s32 $0x0, s10;
	[sflag:s20] =	ssyncadd.s32 $0xFFFFC000  }
0x21: {  	[hbm4b:s16+s2] =	stream.linear.scatter [tilespmem:s14], [sflag:$0x5], $0x4000, $0x38;
	[tilespmem:$0x11400] =	vst v63  }
0x22: {  	_ =	swait.ge [sflag:s21], $0x4000  }
0x23: {  	s1 =	sadd.s32 $0x0, s11;
	[sflag:s21] =	ssyncset.done $0x0  }
0x24: {  	s30 =	sadd.s32 $0x800, s1;
	[sflag:s21] =	ssyncadd.s32 $0xFFFFC000  }
0x25: {  	[hbm4b:s30+s2] =	stream.linear.scatter [tilespmem:s15], [sflag:$0x6], $0x4000, $0x38;
	[tilespmem:$0x11400] =	vst v63  }
0x26: {  	_ =	swait.ge [sflag:s22], $0x4000  }
0x27: {  	[sflag:s22] =	ssyncset.done $0x0  }
0x28: {  	s30 =	sadd.s32 $0x1000, s1;
	[sflag:s22] =	ssyncadd.s32 $0xFFFFC000  }
0x29: {  	[hbm4b:s30+s2] =	stream.linear.scatter [tilespmem:s17], [sflag:$0x7], $0x4000, $0x38;
	[tilespmem:$0x11400] =	vst v63  }
0x2a: {  	_ =	swait.ge [sflag:s23], $0x4000  }
0x2b: {  	[sflag:s23] =	ssyncset.done $0x0  }
0x2c: {  	s0 =	sadd.s32 $0x1800, s1;
	[sflag:s23] =	ssyncadd.s32 $0xFFFFC000  }
0x2d: {  	[hbm4b:s0+s2] =	stream.linear.scatter [tilespmem:s19], [sflag:$0x8], $0x4000, $0x38;
	[tilespmem:$0x11400] =	vst v63  }
0x2e: {  	_ =	swait.ge [sflag:s24], $0x4000  }
0x2f: {  	[sflag:s24] =	ssyncset.done $0x0  }
0x30: {  	s16 =	simm.s32 $0x200;
	[sflag:s24] =	ssyncadd.s32 $0xFFFFC000  }
0x31: {  	[tilespmem:s14], [sflag:$0x1] =	stream.indirect.gather [hbm4b:s3+s13], $0x80, s16, s13, $0xb8;
	[tilespmem:$0x11400] =	vst v63  }
0x32: {  	_ =	swait.ge [sflag:s25], $0x4000  }
0x33: {  	[sflag:s25] =	ssyncset.done $0x0  }
0x34: {  	s1 =	simm.s32 $0x280;
	[sflag:s25] =	ssyncadd.s32 $0xFFFFC000  }
0x35: {  	[tilespmem:s15], [sflag:$0x2] =	stream.indirect.gather [hbm4b:s3+s13], $0x80, s1, s13, $0xb8;
	[tilespmem:$0x11400] =	vst v63  }
0x36: {  	_ =	swait.ge [sflag:s26], $0x4000  }
0x37: {  	[sflag:s26] =	ssyncset.done $0x0  }
0x38: {  	s16 =	simm.s32 $0x300;
	[sflag:s26] =	ssyncadd.s32 $0xFFFFC000  }
0x39: {  	[tilespmem:s17], [sflag:$0x3] =	stream.indirect.gather [hbm4b:s3+s13], $0x80, s16, s13, $0xb8;
	[tilespmem:$0x11400] =	vst v63  }
0x3a: {  	_ =	swait.ge [sflag:s28], $0x4000  }
0x3b: {  	s31 =	simm.s32 $0x2000;
	[sflag:s28] =	ssyncset.done $0x0  }
0x3c: {  	s30 =	simm.s32 $0x380;
	s0 =	simm.s32 $0x580;
	[sflag:s28] =	ssyncadd.s32 $0xFFFFC000  }
.LBB2_2:
0x3d: {  	[tilespmem:s19], [sflag:$0x4] =	stream.indirect.gather [hbm4b:s3+s13], $0x80, s30, s13, $0xb8;
	[tilespmem:$0x11400] =	vst v63  }
0x3e: {  	s1 =	smov.u32 s31;
	s30 =	smov.u32 s0  }
0x3f: {  	p0 =	sne.s32 s31, $0x10000;
	s31 =	sadd.s32 $0x2000, s31;
	_ =	swait.ge [sflag:s20], $0x4000  }
0x40: {  	[sflag:s20] =	ssyncset.done $0x0  }
0x41: {  	s16 =	sadd.s32 s1, s10;
	[sflag:s20] =	ssyncadd.s32 $0xFFFFC000  }
0x42: {  	[hbm4b:s16+s2] =	stream.linear.scatter [tilespmem:s14], [sflag:$0x5], $0x4000, $0x38;
	[tilespmem:$0x11400] =	vst v63  }
0x43: {  	_ =	swait.ge [sflag:s21], $0x4000  }
0x44: {  	s1 =	sadd.s32 s1, s11;
	[sflag:s21] =	ssyncset.done $0x0  }
0x45: {  	s16 =	sadd.s32 $0x800, s1;
	[sflag:s21] =	ssyncadd.s32 $0xFFFFC000  }
0x46: {  	[hbm4b:s16+s2] =	stream.linear.scatter [tilespmem:s15], [sflag:$0x6], $0x4000, $0x38;
	[tilespmem:$0x11400] =	vst v63  }
0x47: {  	_ =	swait.ge [sflag:s22], $0x4000  }
0x48: {  	[sflag:s22] =	ssyncset.done $0x0  }
0x49: {  	s16 =	sadd.s32 $0x1000, s1;
	[sflag:s22] =	ssyncadd.s32 $0xFFFFC000  }
0x4a: {  	[hbm4b:s16+s2] =	stream.linear.scatter [tilespmem:s17], [sflag:$0x7], $0x4000, $0x38;
	[tilespmem:$0x11400] =	vst v63  }
0x4b: {  	_ =	swait.ge [sflag:s23], $0x4000  }
0x4c: {  	[sflag:s23] =	ssyncset.done $0x0  }
0x4d: {  	s1 =	sadd.s32 $0x1800, s1;
	[sflag:s23] =	ssyncadd.s32 $0xFFFFC000  }
0x4e: {  	[hbm4b:s1+s2] =	stream.linear.scatter [tilespmem:s19], [sflag:$0x8], $0x4000, $0x38;
	[tilespmem:$0x11400] =	vst v63  }
0x4f: {  	_ =	swait.ge [sflag:s24], $0x4000  }
0x50: {  	[sflag:s24] =	ssyncset.done $0x0  }
0x51: {  	s1 =	sadd.s32 $0xFFFFFE80, s0;
	[sflag:s24] =	ssyncadd.s32 $0xFFFFC000  }
0x52: {  	[tilespmem:s14], [sflag:$0x1] =	stream.indirect.gather [hbm4b:s3+s13], $0x80, s1, s13, $0xb8;
	[tilespmem:$0x11400] =	vst v63  }
0x53: {  	_ =	swait.ge [sflag:s25], $0x4000  }
0x54: {  	[sflag:s25] =	ssyncset.done $0x0  }
0x55: {  	s1 =	sadd.s32 $0xFFFFFF00, s0;
	[sflag:s25] =	ssyncadd.s32 $0xFFFFC000  }
0x56: {  	[tilespmem:s15], [sflag:$0x2] =	stream.indirect.gather [hbm4b:s3+s13], $0x80, s1, s13, $0xb8;
	[tilespmem:$0x11400] =	vst v63  }
0x57: {  	_ =	swait.ge [sflag:s26], $0x4000  }
0x58: {  	[sflag:s26] =	ssyncset.done $0x0  }
.Ltmp0:
0x59: {  	s1 =	sadd.s32 $0xFFFFFF80, s0;
	[sflag:s26] =	ssyncadd.s32 $0xFFFFC000;
	(pc) =	sbr.rel @p0 .LBB2_2-.Ltmp0, $4  }
0x5a: {  	[tilespmem:s17], [sflag:$0x3] =	stream.indirect.gather [hbm4b:s3+s13], $0x80, s1, s13, $0xb8;
	[tilespmem:$0x11400] =	vst v63  }
0x5b: {  	_ =	swait.ge [sflag:s28], $0x4000  }
0x5c: {  	[sflag:s28] =	ssyncset.done $0x0  }
0x5d: {  	s0 =	sadd.s32 $0x200, s0;
	[sflag:s28] =	ssyncadd.s32 $0xFFFFC000  }
0x5e: {  	[tilespmem:s19], [sflag:$0x4] =	stream.indirect.gather [hbm4b:s3+s13], $0x80, s30, s13, $0xb8;
	[tilespmem:$0x11400] =	vst v63  }
0x5f: {  	_ =	swait.ge [sflag:s20], $0x4000  }
0x60: {  	[sflag:s20] =	ssyncset.done $0x0  }
0x61: {  	[sflag:s20] =	ssyncadd.s32 $0xFFFFC000  }
0x62: {  	[hbm4b:s5+s2] =	stream.linear.scatter [tilespmem:s14], [sflag:$0x5], $0x4000, $0x38;
	[tilespmem:$0x11400] =	vst v63  }
0x63: {  	_ =	swait.ge [sflag:s21], $0x4000  }
0x64: {  	[sflag:s21] =	ssyncset.done $0x0  }
0x65: {  	[sflag:s21] =	ssyncadd.s32 $0xFFFFC000  }
0x66: {  	[hbm4b:s6+s2] =	stream.linear.scatter [tilespmem:s15], [sflag:$0x6], $0x4000, $0x38;
	[tilespmem:$0x11400] =	vst v63  }
0x67: {  	_ =	swait.ge [sflag:s22], $0x4000  }
0x68: {  	[sflag:s22] =	ssyncset.done $0x0  }
0x69: {  	[sflag:s22] =	ssyncadd.s32 $0xFFFFC000  }
0x6a: {  	[hbm4b:s7+s2] =	stream.linear.scatter [tilespmem:s17], [sflag:$0x7], $0x4000, $0x38;
	[tilespmem:$0x11400] =	vst v63  }
0x6b: {  	_ =	swait.ge [sflag:s23], $0x4000  }
0x6c: {  	[sflag:s23] =	ssyncset.done $0x0  }
0x6d: {  	[sflag:s23] =	ssyncadd.s32 $0xFFFFC000  }
0x6e: {  	[hbm4b:s8+s2] =	stream.linear.scatter [tilespmem:s19], [sflag:$0x8], $0x4000, $0x38;
	[tilespmem:$0x11400] =	vst v63  }
0x6f: {  	_ =	swait.ge [sflag:s24], $0x4000  }
0x70: {  	[sflag:s24] =	ssyncset.done $0x0  }
0x71: {  	[sflag:s24] =	ssyncadd.s32 $0xFFFFC000  }
0x72: {  	_ =	swait.ge [sflag:s25], $0x4000  }
0x73: {  	[sflag:s25] =	ssyncset.done $0x0  }
0x74: {  	s29 =	sadd.s32 $0x1, s29;
	[sflag:s25] =	ssyncadd.s32 $0xFFFFC000  }
0x75: {  	p0 =	sne.s32 s29, s9;
	_ =	swait.ge [sflag:s26], $0x4000  }
.Ltmp1:
0x76: {  	[sflag:s26] =	ssyncset.done $0x0;
	(pc) =	sbr.rel @p0 .LBB2_1-.Ltmp1, $4  }
0x77: {  	[sflag:s26] =	ssyncadd.s32 $0xFFFFC000  }
0x78: {  	_ =	swait.ge [sflag:s28], $0x4000  }
0x79: {  	[sflag:s28] =	ssyncset.done $0x0  }
0x7a: {  	[sflag:s28] =	ssyncadd.s32 $0xFFFFC000  }
0x7b: {  	_ =	sfence.sel $0x180000  }
0x7c: {  	[bflag:$0x0] =	sbarrier.arrive $0xFFFF  }
0x7d: {  	_ =	strace $0x90000047  }
0x7e: {  	s0 =	stileid.u32;
	[bflag:$0x2] =	sbarrier.arrive $0xFFFF  }
0x7f: {  	p0 =	sne.s32 s0, $0x0;
	s0 =	rddreg [dreg:$0x2]  }
0x80: {  	s0 =	sadd.s32 @!p0 $0x100000, s0  }
0x81: {  	[sflag:s0] =	ssyncadd.tile.s32 @!p0 $0x1;
	_ =	shalt  }
.Lfunc_end2:
_tile_overlayer_lowered:
.L_overlay_start_2:
0x82: {  	(tag) =	ssettag $0x2  }
0x83: {  	s0 =	rddreg [dreg:$0x0];
	s2 =	stileid.u32  }
0x84: {  	s1 =	rddreg [dreg:$0x1];
	p0 =	sne.s32 s2, $0x0  }
0x85: {  	s3 =	rddreg [dreg:$0x2];
	[bflag:$0x3] =	sbarrier.arrive $0xFFFF;
	s2 =	simm.s32 @!p0 $0x1C09  }
0x86: {  	[timem:s3], [sflag:s2] =	dma.local @!p0 [hbm:s0], s1  }
0x87: {  	s0 =	simm.s32 @!p0 $0x9  }
0x88: {  	_ =	swait.ge @!p0 [sflag:s0], s1  }
0x89: {  	s1 =	ssub.s32 @!p0 $0x0, s1;
	[sflag:s0] =	ssyncset.done @!p0 $0x0  }
0x8a: {  	[sflag:s0] =	ssyncadd.s32 @!p0 s1  }
0x8b: {  	[bflag:$0x3] =	sbarrier.arrive $0xFFFF  }
0x8c: {  	_ =	shalt  }

// kernel: kernel.16.cloned.1.call-start
scs
__scs_entry_jumppad:
0x0: {  	(pc) =	sbr.rel $0x88, $3  }
0x1: {  	(tag) =	ssettag $0x0;
	lr =	simm.s32 $0x1  }
0x2: {  	[smem:$0x3F9F] =	sst lr;
	_ =	strace $0xD0000000  }
0x3: {  	_ = 	snop  }
0x4: {  	_ = 	snop  }
0x5: {  	_ = 	snop  }
0x6: {  	_ = 	snop  }
0x7: {  	_ = 	snop  }
__scs_overlays_trampoline_lowered:
0x8: {  	[smem:$0x3FAE] =	sst s0  }
0x9: {  	[smem:$0x3FAF] =	sst s1  }
0xa: {  	[smem:$0x3FB0] =	sst s2  }
0xb: {  	[smem:$0x3FB1] =	sst s3  }
0xc: {  	[smem:$0x3FB2] =	sst s4  }
0xd: {  	[smem:$0x3FB3] =	sst s5  }
0xe: {  	[smem:$0x3FB4] =	sst s6  }
0xf: {  	[smem:$0x3FB5] =	sst s7  }
0x10: {  	[smem:$0x3FB6] =	sst s8  }
0x11: {  	[smem:$0x3FB7] =	sst s9;
	s0 =	simm.s32 @!p0 $0x0  }
0x12: {  	s1 =	sld [smem:$0x3F9D];
	s0 =	simm.s32 @p0 $0x1  }
0x13: {  	[smem:$0x3FB8] =	sst s0;
	s0 =	simm.s32 @!p1 $0x0  }
0x14: {  	s2 =	sld [smem:$0x3F9C];
	s0 =	simm.s32 @p1 $0x1  }
0x15: {  	[smem:$0x3FB9] =	sst s0;
	s0 =	simm.s32 @!p2 $0x0  }
0x16: {  	s3 =	sld [smem:$0x3FDB];
	s0 =	simm.s32 @p2 $0x1  }
0x17: {  	s4 =	simm.s32 $0x1BF5;
	[smem:$0x3FBB] =	sst s0  }
0x18: {  	s0 =	sld [smem:$0x3F9E];
	_ =	swait.ge [sflag:s4], $0x0  }
0x19: {  	s7 =	sld [smem:$0x3F9F]  }
0x1a: {  	s8 =	sadd.s32 $0xFFFFE003, lr  }
0x1b: {  	s9 =	sadd.s32 $0xFFFFFEF7, lr;
	s5 =	simm.s32 $0xFFFFFFFF;
	p2 =	slt.u32 s8, $0xFFFFF086  }
0x1c: {  	p1 =	slt.u32 s9, $0xF7A;
	s5 =	simm.s32 @!p2 $0x0  }
0x1d: {  	s5 =	simm.s32 @p1 $0x1;
	p0 =	seq.s32 s7, s2  }
0x1e: {  	s7 =	smul.u32 @!p0 $0xF7A, s2;
	p2 =	seq.s32 @!p0 s5, $0x0  }
0x1f: {  	s9 =	smul.u32 $0xF7A, s1;
	s8 =	simm.s32 @!p0 $0x1BF5;
	p2 =	por !p2, p0  }
0x20: {  	[sflag:s8] =	ssyncset.s32 @!p0 $0xFFFFF086;
	s6 =	sadd.s32 @!p0 s3, s7;
	s7 =	simm.s32 @!p0 $0x108  }
0x21: {  	s3 =	sadd.s32 s3, s9;
	s6 =	sadd.s32 @!p0 $0x88, s6;
	s7 =	simm.s32 @p2 $0x1082  }
0x22: {  	[simem:s7], [sflag:s8] =	dma.local @!p0 [hbm:s6], $0xF7A  }
0x23: {  	s9 =	sor.u32 $0xD0000000, s2;
	s6 =	simm.s32 $0x108;
	_ =	swait.ge @!p0 [sflag:s8], $0x0  }
0x24: {  	s3 =	sadd.s32 $0x88, s3;
	s6 =	simm.s32 @!p1 $0x1082;
	[sflag:s4] =	ssyncset.s32 $0xFFFFF086  }
0x25: {  	[simem:s6], [sflag:s4] =	dma.local [hbm:s3], $0xF7A  }
0x26: {  	[smem:$0x3F9F] =	sst s1;
	(tag) =	ssettag s2;
	_ =	strace s9  }
0x27: {  	s1 =	sld [smem:$0x3FAF]  }
0x28: {  	s2 =	sld [smem:$0x3FB0]  }
0x29: {  	s4 =	sld [smem:$0x3FB2]  }
0x2a: {  	p0 =	seq.s32 s5, $0x0;
	s5 =	sld [smem:$0x3FB3]  }
0x2b: {  	s6 =	sld [smem:$0x3FB4]  }
0x2c: {  	s7 =	sld [smem:$0x3FB5]  }
0x2d: {  	s3 =	simm.s32 $0x108;
	s8 =	sld [smem:$0x3FB6]  }
0x2e: {  	s3 =	simm.s32 @!p0 $0x1082;
	s9 =	sld [smem:$0x3FB7]  }
0x2f: {  	lr =	sadd.s32 s0, s3;
	s0 =	sld [smem:$0x3FAE]  }
0x30: {  	s3 =	sld [smem:$0x3FB1]  }
0x31: {  	[smem:$0x3FBA] =	sst s10  }
0x32: {  	s10 =	sld [smem:$0x3FB8];
	_ =	sdelay $0x3  }
0x33: {  	p0 =	seq.s32 s10, $0x1;
	s10 =	sld [smem:$0x3FBA];
	_ =	sdelay $0x3  }
0x34: {  	[smem:$0x3FBA] =	sst s10  }
0x35: {  	s10 =	sld [smem:$0x3FB9];
	_ =	sdelay $0x3  }
0x36: {  	p1 =	seq.s32 s10, $0x1;
	s10 =	sld [smem:$0x3FBA];
	_ =	sdelay $0x3  }
0x37: {  	[smem:$0x3FBA] =	sst s10  }
0x38: {  	s10 =	sld [smem:$0x3FBB]  }
0x39: {  	_ = 	snop;
	(pc) =	sbr.ind lr, $3  }
0x3a: {  	_ = 	snop  }
0x3b: {  	_ = 	snop  }
0x3c: {  	p2 =	seq.s32 s10, $0x1;
	s10 =	sld [smem:$0x3FBA]  }
0x3d: {  	_ =	shalt  }
0x3e: {  	_ =	shalt  }
0x3f: {  	_ =	shalt  }
0x40: {  	_ =	shalt  }
0x41: {  	_ =	shalt  }
0x42: {  	_ =	shalt  }
0x43: {  	_ =	shalt  }
0x44: {  	_ =	shalt  }
0x45: {  	_ =	shalt  }
0x46: {  	_ =	shalt  }
0x47: {  	_ =	shalt  }
0x48: {  	_ =	shalt  }
0x49: {  	_ =	shalt  }
0x4a: {  	_ =	shalt  }
0x4b: {  	_ =	shalt  }
0x4c: {  	_ =	shalt  }
0x4d: {  	_ =	shalt  }
0x4e: {  	_ =	shalt  }
0x4f: {  	_ =	shalt  }
0x50: {  	_ =	shalt  }
0x51: {  	_ =	shalt  }
0x52: {  	_ =	shalt  }
0x53: {  	_ =	shalt  }
0x54: {  	_ =	shalt  }
0x55: {  	_ =	shalt  }
0x56: {  	_ =	shalt  }
0x57: {  	_ =	shalt  }
0x58: {  	_ =	shalt  }
0x59: {  	_ =	shalt  }
0x5a: {  	_ =	shalt  }
0x5b: {  	_ =	shalt  }
0x5c: {  	_ =	shalt  }
0x5d: {  	_ =	shalt  }
0x5e: {  	_ =	shalt  }
0x5f: {  	_ =	shalt  }
0x60: {  	_ =	shalt  }
0x61: {  	_ =	shalt  }
0x62: {  	_ =	shalt  }
0x63: {  	_ =	shalt  }
0x64: {  	_ =	shalt  }
0x65: {  	_ =	shalt  }
0x66: {  	_ =	shalt  }
0x67: {  	_ =	shalt  }
0x68: {  	_ =	shalt  }
0x69: {  	_ =	shalt  }
0x6a: {  	_ =	shalt  }
0x6b: {  	_ =	shalt  }
0x6c: {  	_ =	shalt  }
0x6d: {  	_ =	shalt  }
0x6e: {  	_ =	shalt  }
0x6f: {  	_ =	shalt  }
0x70: {  	_ =	shalt  }
0x71: {  	_ =	shalt  }
0x72: {  	_ =	shalt  }
0x73: {  	_ =	shalt  }
0x74: {  	_ =	shalt  }
0x75: {  	_ =	shalt  }
0x76: {  	_ =	shalt  }
0x77: {  	_ =	shalt  }
0x78: {  	_ =	shalt  }
0x79: {  	_ =	shalt  }
0x7a: {  	_ =	shalt  }
0x7b: {  	_ =	shalt  }
0x7c: {  	_ =	shalt  }
0x7d: {  	_ =	shalt  }
0x7e: {  	_ =	shalt  }
0x7f: {  	_ =	shalt  }
0x80: {  	_ =	shalt  }
0x81: {  	_ =	shalt  }
0x82: {  	_ =	shalt  }
0x83: {  	_ =	shalt  }
0x84: {  	_ =	shalt  }
0x85: {  	_ =	shalt  }
0x86: {  	_ =	shalt  }
0x87: {  	_ =	shalt  }
.Lfunc_end0:
.L_simem_size_0:
called_computation.1_lowered:
.L_overlay_start_0:
0x88: {  	s2 =	sld [smem:$0x3FD9]  }
0x89: {  	s3 =	sld [smem:$0x3FFE];
	_ =	sdelay $0x1  }
0x8a: {  	s1 =	srdreg.scid  }
0x8b: {  	s0 =	sand.u32 $0x1, s1  }
0x8c: {  	s17 =	sshll.u32 s0, $0xA;
	s2 =	sadd.s32 s3, s2  }
0x8d: {  	s2 =	sadd.s32 s2, s17  }
0x8e: {  	[smem:$0x3FC6] =	sst s2  }
0x8f: {  	_ = 	snop  }
0x90: {  	(tm) =	ssettm $0x1  }
0x91: {  	s18 =	sld [smem:$0x3FFB];
	_ =	sdelay $0x3  }
0x92: {  	_ =	strace s18  }
0x93: {  	s2 =	sld [smem:$0x3FFC];
	_ =	sdelay $0x3  }
0x94: {  	_ =	strace s2  }
0x95: {  	s2 =	sld [smem:$0x3FFD];
	_ =	sdelay $0x3  }
0x96: {  	_ =	strace s2  }
0x97: {  	_ =	strace $0x8FFFFFFF  }
0x98: {  	s19 =	sld [smem:$0x3FDB];
	_ =	sdelay $0x1  }
0x99: {  	s20 =	simm.s32 $_scs_section_size  }
0x9a: {  	s4 =	simm.s32 $_size__tile_overlayer_lowered;
	s5 =	simm.s32 $_tile_overlayer_lowered  }
0x9b: {  	s6 =	simm.s32 $0x1BFF;
	s21 =	sshll.u32 s5, $0x1;
	s3 =	sadd.s32 s20, s19  }
0x9c: {  	s22 =	simm.s32 $0x0;
	s4 =	sshll.u32 s4, $0x1;
	s5 =	sadd.s32 s21, s3  }
0x9d: {  	[timem:s22], [sflag:s6] =	dma.local [hbm:s5], s4  }
0x9e: {  	_ =	swait.ge [sflag:s6], s4  }
0x9f: {  	s4 =	ssub.s32 $0x0, s4;
	[sflag:s6] =	ssyncset.done $0x0  }
0xa0: {  	[sflag:s6] =	ssyncadd.s32 s4;
	_ =	sdelay $0x1  }
0xa1: {  	s23 =	simm.s32 $0x1B8B  }
0xa2: {  	_ =	swait.ge [sflag:s23], $0x1  }
0xa3: {  	[sflag:s23] =	ssyncset.done $0x0  }
0xa4: {  	[sflag:s23] =	ssyncadd.s32 $0xFFFFFFFF  }
0xa5: {  	s4 =	sld [smem:$0x0]  }
0xa6: {  	s5 =	sand.u32 $0xFFFFFFFE, s1  }
0xa7: {  	p0 =	sne.s32 s1, s5  }
0xa8: {  	s5 =	sshll.u32 @p0 s5, $0xE  }
0xa9: {  	s5 =	sadd.s32 @p0 $0x11B8D, s5;
	s6 =	sshll.u32 @p0 s4, $0x11  }
0xaa: {  	s5 =	sor.u32 @p0 s6, s5  }
0xab: {  	[sflag:s5] =	ssyncadd.remote.s32 @p0 $0x1;
	_ =	sdelay $0x1  }
0xac: {  	s5 =	simm.s32 @p0 $0x1B8D  }
0xad: {  	_ =	swait.eq @p0 [sflag:s5], $0x1  }
0xae: {  	[sflag:s5] =	ssyncadd.s32 @p0 $0xFFFFFFFF  }
0xaf: {  	s6 =	sshll.u32 @!p0 s1, $0xE  }
0xb0: {  	s6 =	sor.u32 @!p0 $0x4000, s6;
	s5 =	simm.s32 @!p0 $0x1B8D  }
0xb1: {  	s4 =	sshll.u32 @!p0 s4, $0x11;
	s6 =	sadd.s32 @!p0 $0x11B8D, s6;
	_ =	swait.eq @!p0 [sflag:s5], $0x1  }
0xb2: {  	s4 =	sor.u32 @!p0 s4, s6;
	[sflag:s5] =	ssyncadd.s32 @!p0 $0xFFFFFFFF  }
0xb3: {  	s25 =	simm.s32 $0x1B8E;
	s24 =	sld [smem:$0x3FFE];
	[sflag:s4] =	ssyncadd.remote.s32 @!p0 $0x1  }
0xb4: {  	s26 =	simm.s32 $execute0_lowered;
	[smem:$0x3FD2] =	sst s25  }
0xb5: {  	s5 =	sshll.u32 s26, $0x1;
	_ =	strace $0x80000049;
	[dreg:$0x1] =	wrdreg $0xFFFFFFFF  }
0xb6: {  	s28 =	simm.s32 $_size_execute0_lowered;
	s3 =	sadd.s32 s3, s5;
	[dreg:$0x0] =	wrdreg $0x0  }
0xb7: {  	s5 =	sshll.u32 s28, $0x1;
	[dreg:$0x2] =	wrdreg s3  }
0xb8: {  	[dreg:$0x3] =	wrdreg s5  }
0xb9: {  	[dreg:$0x4] =	wrdreg $0xC0  }
0xba: {  	_ =	task [dreg:s22], $0x5FFFF  }
0xbb: {  	[dreg:$0x1] =	wrdreg $0xFFFFFFFF  }
0xbc: {  	[dreg:$0x0] =	wrdreg $0x60  }
0xbd: {  	[dreg:$0x2] =	wrdreg s24  }
0xbe: {  	[dreg:$0x3] =	wrdreg $0xA  }
0xbf: {  	_ =	task.clear_ibuf [dreg:s22], $0x4FFFF;
	_ =	strace $0x90000049  }
0xc0: {  	s29 =	simm.s32 $0xA;
	_ =	strace $0x8000004B  }
0xc1: {  	_ =	swait.ge [sflag:s29], $0x1  }
0xc2: {  	[sflag:s29] =	ssyncadd.s32 $0xFFFFFFFF  }
0xc3: {  	_ =	strace $0x9000004B  }
0xc4: {  	_ =	sfence  }
0xc5: {  	s30 =	sld [smem:$0x0];
	_ =	sdelay $0x2  }
0xc6: {  	s31 =	sshll.u32 s1, $0xD;
	s1 =	sshrl.u32 s1, $0x2  }
0xc7: {  	s4 =	sand.u32 $0x4000, s31;
	s1 =	sadd.s32 s1, s30  }
0xc8: {  	s0 =	sor.u32 s4, s0;
	s1 =	sshll.u32 s1, $0x11  }
0xc9: {  	s0 =	sor.u32 s1, s0  }
0xca: {  	s0 =	sadd.s32 $0x8F2B, s0  }
0xcb: {  	[sflag:s0] =	ssyncadd.remote.s32 $0x1  }
0xcc: {  	_ =	sfence.sel $0xFFFF  }
0xcd: {  	[dreg:$0x0] =	wrdreg $0xFFFFFFFF;
	(pc) =	sbr.abs _section_cstart, $3  }
0xce: {  	[dreg:$0x1] =	wrdreg $0xFFFFFFFF  }
0xcf: {  	_ =	task.clear_ibuf [dreg:s22], $0x2FFFF;
	_ =	strace $0x9FFFFFFF  }
0xd0: {  	(tm) =	ssettm $0x7FFFFFFF  }
0xd1: {  	_ =	shalt  }
tec
execute0_lowered:
.L_overlay_start_1:
0x0: {  	(tag) =	ssettag $0x1  }
0x1: {  	s1 =	srdreg.scid  }
0x2: {  	s0 =	stileid.u32;
	s4 =	rddreg [dreg:$0x0]  }
0x3: {  	s2 =	simm.s32 $0x0;
	s14 =	simm.s32 $0x1400;
	s15 =	simm.s32 $0x5400  }
0x4: {  	s17 =	simm.s32 $0x9400;
	s18 =	simm.s32 $0x180;
	s19 =	simm.s32 $0xD400  }
0x5: {  	s20 =	simm.s32 $0x1;
	s21 =	simm.s32 $0x2;
	s22 =	simm.s32 $0x3  }
0x6: {  	s23 =	simm.s32 $0x4;
	s24 =	simm.s32 $0x5;
	s25 =	simm.s32 $0x6  }
0x7: {  	s26 =	simm.s32 $0x7;
	s28 =	simm.s32 $0x8;
	s8 =	smul.u32 $0x140000, s0  }
0x8: {  	s1 =	sand.u32 $0x1, s1;
	s3 =	sshll.u32 s0, $0x1;
	s13 =	smul.u32 $0x28000, s0  }
0x9: {  	[smem:$0x7FF] =	sst s2;
	s11 =	sadd.s32 $0x11D7C00, s4;
	s12 =	smul.u32 $0xA0000, s1  }
0xa: {  	s5 =	sor.u32 s1, s3;
	s30 =	ssub.s32 $0x2, s1;
	s1 =	smul.u32 $0x14000, s1  }
0xb: {  	s29 =	simm.s32 $0x0;
	_ =	strace $0x8000004A;
	s6 =	smul.u32 $0x1400, s5  }
0xc: {  	s3 =	sadd.s32 $0x1800, s4;
	s5 =	smul.u32 $0xA0000, s5;
	s7 =	sshrl.u32 s30, $0x1  }
0xd: {  	s9 =	ssub.s32 s30, s7;
	s12 =	sadd.s32 s12, s8;
	s6 =	sshrl.u32 s6, $0x3  }
0xe: {  	s5 =	sshrl.u32 s5, $0x3;
	s31 =	sshrl.u32 s12, $0x3;
	s6 =	sadd.s32 s6, s4  }
0xf: {  	s9 =	smax.u32 s9, $0x1;
	s10 =	sadd.s32 s11, s5;
	s4 =	sadd.s32 $0x11C3C00, s6  }
0x10: {  	s5 =	sadd.s32 $0x12000, s10;
	s6 =	sadd.s32 $0x12800, s10;
	s7 =	sadd.s32 $0x13000, s10  }
0x11: {  	s8 =	sadd.s32 $0x13800, s10;
	s10 =	sadd.s32 s31, s11;
	s11 =	sadd.s32 s13, s11  }
0x12: {  	s12 =	simm.s32 $0x9;
	s13 =	simm.s32 $0x80;
	s11 =	sadd.s32 s1, s11  }
.LBB2_1:
0x13: {  	[tilespmem:s2], [sflag:$0x9] =	stream.linear.gather [hbm4b:s4+s2], $0x1400, $0x38;
	[tilespmem:$0x11400] =	vst v63  }
0x14: {  	_ =	swait.ge [sflag:s12], $0x1400  }
0x15: {  	[sflag:s12] =	ssyncset.done $0x0  }
0x16: {  	[sflag:s12] =	ssyncadd.s32 $0xFFFFEC00  }
0x17: {  	[tilespmem:s14], [sflag:$0x1] =	stream.indirect.gather [hbm4b:s3+s13], $0x80, s2, s13, $0xb8;
	[tilespmem:$0x11400] =	vst v63  }
0x18: {  	_ = 	snop  }
0x19: {  	[tilespmem:s15], [sflag:$0x2] =	stream.indirect.gather [hbm4b:s3+s13], $0x80, s13, s13, $0xb8;
	[tilespmem:$0x11400] =	vst v63  }
0x1a: {  	s0 =	simm.s32 $0x100  }
0x1b: {  	[tilespmem:s17], [sflag:$0x3] =	stream.indirect.gather [hbm4b:s3+s13], $0x80, s0, s13, $0xb8;
	[tilespmem:$0x11400] =	vst v63  }
0x1c: {  	_ = 	snop  }
0x1d: {  	[tilespmem:s19], [sflag:$0x4] =	stream.indirect.gather [hbm4b:s3+s13], $0x80, s18, s13, $0xb8;
	[tilespmem:$0x11400] =	vst v63  }
0x1e: {  	_ =	swait.ge [sflag:s20], $0x4000  }
0x1f: {  	[sflag:s20] =	ssyncset.done $0x0  }
0x20: {  	s1 =	sadd.s32 $0x0, s10;
	[sflag:s20] =	ssyncadd.s32 $0xFFFFC000  }
0x21: {  	[hbm4b:s1+s2] =	stream.linear.scatter [tilespmem:s14], [sflag:$0x5], $0x4000, $0x38;
	[tilespmem:$0x11400] =	vst v63  }
0x22: {  	_ =	swait.ge [sflag:s21], $0x4000  }
0x23: {  	s0 =	sadd.s32 $0x0, s11;
	[sflag:s21] =	ssyncset.done $0x0  }
0x24: {  	s30 =	sadd.s32 $0x800, s0;
	[sflag:s21] =	ssyncadd.s32 $0xFFFFC000  }
0x25: {  	[hbm4b:s30+s2] =	stream.linear.scatter [tilespmem:s15], [sflag:$0x6], $0x4000, $0x38;
	[tilespmem:$0x11400] =	vst v63  }
0x26: {  	_ =	swait.ge [sflag:s22], $0x4000  }
0x27: {  	[sflag:s22] =	ssyncset.done $0x0  }
0x28: {  	s30 =	sadd.s32 $0x1000, s0;
	[sflag:s22] =	ssyncadd.s32 $0xFFFFC000  }
0x29: {  	[hbm4b:s30+s2] =	stream.linear.scatter [tilespmem:s17], [sflag:$0x7], $0x4000, $0x38;
	[tilespmem:$0x11400] =	vst v63  }
0x2a: {  	_ =	swait.ge [sflag:s23], $0x4000  }
0x2b: {  	[sflag:s23] =	ssyncset.done $0x0  }
0x2c: {  	s1 =	sadd.s32 $0x1800, s0;
	[sflag:s23] =	ssyncadd.s32 $0xFFFFC000  }
0x2d: {  	[hbm4b:s1+s2] =	stream.linear.scatter [tilespmem:s19], [sflag:$0x8], $0x4000, $0x38;
	[tilespmem:$0x11400] =	vst v63  }
0x2e: {  	_ =	swait.ge [sflag:s24], $0x4000  }
0x2f: {  	[sflag:s24] =	ssyncset.done $0x0  }
0x30: {  	s16 =	simm.s32 $0x200;
	[sflag:s24] =	ssyncadd.s32 $0xFFFFC000  }
0x31: {  	[tilespmem:s14], [sflag:$0x1] =	stream.indirect.gather [hbm4b:s3+s13], $0x80, s16, s13, $0xb8;
	[tilespmem:$0x11400] =	vst v63  }
0x32: {  	_ =	swait.ge [sflag:s25], $0x4000  }
0x33: {  	[sflag:s25] =	ssyncset.done $0x0  }
0x34: {  	s0 =	simm.s32 $0x280;
	[sflag:s25] =	ssyncadd.s32 $0xFFFFC000  }
0x35: {  	[tilespmem:s15], [sflag:$0x2] =	stream.indirect.gather [hbm4b:s3+s13], $0x80, s0, s13, $0xb8;
	[tilespmem:$0x11400] =	vst v63  }
0x36: {  	_ =	swait.ge [sflag:s26], $0x4000  }
0x37: {  	[sflag:s26] =	ssyncset.done $0x0  }
0x38: {  	s16 =	simm.s32 $0x300;
	[sflag:s26] =	ssyncadd.s32 $0xFFFFC000  }
0x39: {  	[tilespmem:s17], [sflag:$0x3] =	stream.indirect.gather [hbm4b:s3+s13], $0x80, s16, s13, $0xb8;
	[tilespmem:$0x11400] =	vst v63  }
0x3a: {  	_ =	swait.ge [sflag:s28], $0x4000  }
0x3b: {  	s31 =	simm.s32 $0x2000;
	[sflag:s28] =	ssyncset.done $0x0  }
0x3c: {  	s30 =	simm.s32 $0x380;
	s1 =	simm.s32 $0x580;
	[sflag:s28] =	ssyncadd.s32 $0xFFFFC000  }
.LBB2_2:
0x3d: {  	[tilespmem:s19], [sflag:$0x4] =	stream.indirect.gather [hbm4b:s3+s13], $0x80, s30, s13, $0xb8;
	[tilespmem:$0x11400] =	vst v63  }
0x3e: {  	s0 =	smov.u32 s31;
	s30 =	smov.u32 s1  }
0x3f: {  	p0 =	sne.s32 s31, $0x10000;
	s31 =	sadd.s32 $0x2000, s31;
	_ =	swait.ge [sflag:s20], $0x4000  }
0x40: {  	[sflag:s20] =	ssyncset.done $0x0  }
0x41: {  	s16 =	sadd.s32 s0, s10;
	[sflag:s20] =	ssyncadd.s32 $0xFFFFC000  }
0x42: {  	[hbm4b:s16+s2] =	stream.linear.scatter [tilespmem:s14], [sflag:$0x5], $0x4000, $0x38;
	[tilespmem:$0x11400] =	vst v63  }
0x43: {  	_ =	swait.ge [sflag:s21], $0x4000  }
0x44: {  	s0 =	sadd.s32 s0, s11;
	[sflag:s21] =	ssyncset.done $0x0  }
0x45: {  	s16 =	sadd.s32 $0x800, s0;
	[sflag:s21] =	ssyncadd.s32 $0xFFFFC000  }
0x46: {  	[hbm4b:s16+s2] =	stream.linear.scatter [tilespmem:s15], [sflag:$0x6], $0x4000, $0x38;
	[tilespmem:$0x11400] =	vst v63  }
0x47: {  	_ =	swait.ge [sflag:s22], $0x4000  }
0x48: {  	[sflag:s22] =	ssyncset.done $0x0  }
0x49: {  	s16 =	sadd.s32 $0x1000, s0;
	[sflag:s22] =	ssyncadd.s32 $0xFFFFC000  }
0x4a: {  	[hbm4b:s16+s2] =	stream.linear.scatter [tilespmem:s17], [sflag:$0x7], $0x4000, $0x38;
	[tilespmem:$0x11400] =	vst v63  }
0x4b: {  	_ =	swait.ge [sflag:s23], $0x4000  }
0x4c: {  	[sflag:s23] =	ssyncset.done $0x0  }
0x4d: {  	s0 =	sadd.s32 $0x1800, s0;
	[sflag:s23] =	ssyncadd.s32 $0xFFFFC000  }
0x4e: {  	[hbm4b:s0+s2] =	stream.linear.scatter [tilespmem:s19], [sflag:$0x8], $0x4000, $0x38;
	[tilespmem:$0x11400] =	vst v63  }
0x4f: {  	_ =	swait.ge [sflag:s24], $0x4000  }
0x50: {  	[sflag:s24] =	ssyncset.done $0x0  }
0x51: {  	s0 =	sadd.s32 $0xFFFFFE80, s1;
	[sflag:s24] =	ssyncadd.s32 $0xFFFFC000  }
0x52: {  	[tilespmem:s14], [sflag:$0x1] =	stream.indirect.gather [hbm4b:s3+s13], $0x80, s0, s13, $0xb8;
	[tilespmem:$0x11400] =	vst v63  }
0x53: {  	_ =	swait.ge [sflag:s25], $0x4000  }
0x54: {  	[sflag:s25] =	ssyncset.done $0x0  }
0x55: {  	s0 =	sadd.s32 $0xFFFFFF00, s1;
	[sflag:s25] =	ssyncadd.s32 $0xFFFFC000  }
0x56: {  	[tilespmem:s15], [sflag:$0x2] =	stream.indirect.gather [hbm4b:s3+s13], $0x80, s0, s13, $0xb8;
	[tilespmem:$0x11400] =	vst v63  }
0x57: {  	_ =	swait.ge [sflag:s26], $0x4000  }
0x58: {  	[sflag:s26] =	ssyncset.done $0x0  }
.Ltmp0:
0x59: {  	s0 =	sadd.s32 $0xFFFFFF80, s1;
	[sflag:s26] =	ssyncadd.s32 $0xFFFFC000;
	(pc) =	sbr.rel @p0 .LBB2_2-.Ltmp0, $4  }
0x5a: {  	[tilespmem:s17], [sflag:$0x3] =	stream.indirect.gather [hbm4b:s3+s13], $0x80, s0, s13, $0xb8;
	[tilespmem:$0x11400] =	vst v63  }
0x5b: {  	_ =	swait.ge [sflag:s28], $0x4000  }
0x5c: {  	[sflag:s28] =	ssyncset.done $0x0  }
0x5d: {  	s1 =	sadd.s32 $0x200, s1;
	[sflag:s28] =	ssyncadd.s32 $0xFFFFC000  }
0x5e: {  	[tilespmem:s19], [sflag:$0x4] =	stream.indirect.gather [hbm4b:s3+s13], $0x80, s30, s13, $0xb8;
	[tilespmem:$0x11400] =	vst v63  }
0x5f: {  	_ =	swait.ge [sflag:s20], $0x4000  }
0x60: {  	[sflag:s20] =	ssyncset.done $0x0  }
0x61: {  	[sflag:s20] =	ssyncadd.s32 $0xFFFFC000  }
0x62: {  	[hbm4b:s5+s2] =	stream.linear.scatter [tilespmem:s14], [sflag:$0x5], $0x4000, $0x38;
	[tilespmem:$0x11400] =	vst v63  }
0x63: {  	_ =	swait.ge [sflag:s21], $0x4000  }
0x64: {  	[sflag:s21] =	ssyncset.done $0x0  }
0x65: {  	[sflag:s21] =	ssyncadd.s32 $0xFFFFC000  }
0x66: {  	[hbm4b:s6+s2] =	stream.linear.scatter [tilespmem:s15], [sflag:$0x6], $0x4000, $0x38;
	[tilespmem:$0x11400] =	vst v63  }
0x67: {  	_ =	swait.ge [sflag:s22], $0x4000  }
0x68: {  	[sflag:s22] =	ssyncset.done $0x0  }
0x69: {  	[sflag:s22] =	ssyncadd.s32 $0xFFFFC000  }
0x6a: {  	[hbm4b:s7+s2] =	stream.linear.scatter [tilespmem:s17], [sflag:$0x7], $0x4000, $0x38;
	[tilespmem:$0x11400] =	vst v63  }
0x6b: {  	_ =	swait.ge [sflag:s23], $0x4000  }
0x6c: {  	[sflag:s23] =	ssyncset.done $0x0  }
0x6d: {  	[sflag:s23] =	ssyncadd.s32 $0xFFFFC000  }
0x6e: {  	[hbm4b:s8+s2] =	stream.linear.scatter [tilespmem:s19], [sflag:$0x8], $0x4000, $0x38;
	[tilespmem:$0x11400] =	vst v63  }
0x6f: {  	_ =	swait.ge [sflag:s24], $0x4000  }
0x70: {  	[sflag:s24] =	ssyncset.done $0x0  }
0x71: {  	[sflag:s24] =	ssyncadd.s32 $0xFFFFC000  }
0x72: {  	_ =	swait.ge [sflag:s25], $0x4000  }
0x73: {  	[sflag:s25] =	ssyncset.done $0x0  }
0x74: {  	s29 =	sadd.s32 $0x1, s29;
	[sflag:s25] =	ssyncadd.s32 $0xFFFFC000  }
0x75: {  	p0 =	sne.s32 s29, s9;
	_ =	swait.ge [sflag:s26], $0x4000  }
.Ltmp1:
0x76: {  	[sflag:s26] =	ssyncset.done $0x0;
	(pc) =	sbr.rel @p0 .LBB2_1-.Ltmp1, $4  }
0x77: {  	[sflag:s26] =	ssyncadd.s32 $0xFFFFC000  }
0x78: {  	_ =	swait.ge [sflag:s28], $0x4000  }
0x79: {  	[sflag:s28] =	ssyncset.done $0x0  }
0x7a: {  	[sflag:s28] =	ssyncadd.s32 $0xFFFFC000  }
0x7b: {  	_ =	sfence.sel $0x180000  }
0x7c: {  	[bflag:$0x0] =	sbarrier.arrive $0xFFFF  }
0x7d: {  	_ =	strace $0x9000004A  }
0x7e: {  	s0 =	stileid.u32;
	[bflag:$0x2] =	sbarrier.arrive $0xFFFF  }
0x7f: {  	p0 =	sne.s32 s0, $0x0;
	s0 =	rddreg [dreg:$0x1]  }
0x80: {  	s0 =	sadd.s32 @!p0 $0x100000, s0  }
0x81: {  	[sflag:s0] =	ssyncadd.tile.s32 @!p0 $0x1;
	_ =	shalt  }
.Lfunc_end2:
_tile_overlayer_lowered:
.L_overlay_start_2:
0x82: {  	(tag) =	ssettag $0x2  }
0x83: {  	s0 =	rddreg [dreg:$0x0];
	s2 =	stileid.u32  }
0x84: {  	s1 =	rddreg [dreg:$0x1];
	p0 =	sne.s32 s2, $0x0  }
0x85: {  	s3 =	rddreg [dreg:$0x2];
	[bflag:$0x3] =	sbarrier.arrive $0xFFFF;
	s2 =	simm.s32 @!p0 $0x1C09  }
0x86: {  	[timem:s3], [sflag:s2] =	dma.local @!p0 [hbm:s0], s1  }
0x87: {  	s0 =	simm.s32 @!p0 $0x9  }
0x88: {  	_ =	swait.ge @!p0 [sflag:s0], s1  }
0x89: {  	s1 =	ssub.s32 @!p0 $0x0, s1;
	[sflag:s0] =	ssyncset.done @!p0 $0x0  }
0x8a: {  	[sflag:s0] =	ssyncadd.s32 @!p0 s1  }
0x8b: {  	[bflag:$0x3] =	sbarrier.arrive $0xFFFF  }
0x8c: {  	_ =	shalt  }

// kernel: kernel.19.cloned.1.call-start
scs
__scs_entry_jumppad:
0x0: {  	(pc) =	sbr.rel $0x88, $3  }
0x1: {  	(tag) =	ssettag $0x0;
	lr =	simm.s32 $0x1  }
0x2: {  	[smem:$0x3F9F] =	sst lr;
	_ =	strace $0xD0000000  }
0x3: {  	_ = 	snop  }
0x4: {  	_ = 	snop  }
0x5: {  	_ = 	snop  }
0x6: {  	_ = 	snop  }
0x7: {  	_ = 	snop  }
__scs_overlays_trampoline_lowered:
0x8: {  	[smem:$0x3FAE] =	sst s0  }
0x9: {  	[smem:$0x3FAF] =	sst s1  }
0xa: {  	[smem:$0x3FB0] =	sst s2  }
0xb: {  	[smem:$0x3FB1] =	sst s3  }
0xc: {  	[smem:$0x3FB2] =	sst s4  }
0xd: {  	[smem:$0x3FB3] =	sst s5  }
0xe: {  	[smem:$0x3FB4] =	sst s6  }
0xf: {  	[smem:$0x3FB5] =	sst s7  }
0x10: {  	[smem:$0x3FB6] =	sst s8  }
0x11: {  	[smem:$0x3FB7] =	sst s9;
	s0 =	simm.s32 @!p0 $0x0  }
0x12: {  	s1 =	sld [smem:$0x3F9D];
	s0 =	simm.s32 @p0 $0x1  }
0x13: {  	[smem:$0x3FB8] =	sst s0;
	s0 =	simm.s32 @!p1 $0x0  }
0x14: {  	s2 =	sld [smem:$0x3F9C];
	s0 =	simm.s32 @p1 $0x1  }
0x15: {  	[smem:$0x3FB9] =	sst s0;
	s0 =	simm.s32 @!p2 $0x0  }
0x16: {  	s3 =	sld [smem:$0x3FDB];
	s0 =	simm.s32 @p2 $0x1  }
0x17: {  	s4 =	simm.s32 $0x1BF5;
	[smem:$0x3FBB] =	sst s0  }
0x18: {  	s0 =	sld [smem:$0x3F9E];
	_ =	swait.ge [sflag:s4], $0x0  }
0x19: {  	s7 =	sld [smem:$0x3F9F]  }
0x1a: {  	s8 =	sadd.s32 $0xFFFFE003, lr  }
0x1b: {  	s9 =	sadd.s32 $0xFFFFFEF7, lr;
	s5 =	simm.s32 $0xFFFFFFFF;
	p2 =	slt.u32 s8, $0xFFFFF086  }
0x1c: {  	p1 =	slt.u32 s9, $0xF7A;
	s5 =	simm.s32 @!p2 $0x0  }
0x1d: {  	s5 =	simm.s32 @p1 $0x1;
	p0 =	seq.s32 s7, s2  }
0x1e: {  	s7 =	smul.u32 @!p0 $0xF7A, s2;
	p2 =	seq.s32 @!p0 s5, $0x0  }
0x1f: {  	s9 =	smul.u32 $0xF7A, s1;
	s8 =	simm.s32 @!p0 $0x1BF5;
	p2 =	por !p2, p0  }
0x20: {  	[sflag:s8] =	ssyncset.s32 @!p0 $0xFFFFF086;
	s6 =	sadd.s32 @!p0 s3, s7;
	s7 =	simm.s32 @!p0 $0x108  }
0x21: {  	s3 =	sadd.s32 s3, s9;
	s6 =	sadd.s32 @!p0 $0x88, s6;
	s7 =	simm.s32 @p2 $0x1082  }
0x22: {  	[simem:s7], [sflag:s8] =	dma.local @!p0 [hbm:s6], $0xF7A  }
0x23: {  	s9 =	sor.u32 $0xD0000000, s2;
	s6 =	simm.s32 $0x108;
	_ =	swait.ge @!p0 [sflag:s8], $0x0  }
0x24: {  	s3 =	sadd.s32 $0x88, s3;
	s6 =	simm.s32 @!p1 $0x1082;
	[sflag:s4] =	ssyncset.s32 $0xFFFFF086  }
0x25: {  	[simem:s6], [sflag:s4] =	dma.local [hbm:s3], $0xF7A  }
0x26: {  	[smem:$0x3F9F] =	sst s1;
	(tag) =	ssettag s2;
	_ =	strace s9  }
0x27: {  	s1 =	sld [smem:$0x3FAF]  }
0x28: {  	s2 =	sld [smem:$0x3FB0]  }
0x29: {  	s4 =	sld [smem:$0x3FB2]  }
0x2a: {  	p0 =	seq.s32 s5, $0x0;
	s5 =	sld [smem:$0x3FB3]  }
0x2b: {  	s6 =	sld [smem:$0x3FB4]  }
0x2c: {  	s7 =	sld [smem:$0x3FB5]  }
0x2d: {  	s3 =	simm.s32 $0x108;
	s8 =	sld [smem:$0x3FB6]  }
0x2e: {  	s3 =	simm.s32 @!p0 $0x1082;
	s9 =	sld [smem:$0x3FB7]  }
0x2f: {  	lr =	sadd.s32 s0, s3;
	s0 =	sld [smem:$0x3FAE]  }
0x30: {  	s3 =	sld [smem:$0x3FB1]  }
0x31: {  	[smem:$0x3FBA] =	sst s10  }
0x32: {  	s10 =	sld [smem:$0x3FB8];
	_ =	sdelay $0x3  }
0x33: {  	p0 =	seq.s32 s10, $0x1;
	s10 =	sld [smem:$0x3FBA];
	_ =	sdelay $0x3  }
0x34: {  	[smem:$0x3FBA] =	sst s10  }
0x35: {  	s10 =	sld [smem:$0x3FB9];
	_ =	sdelay $0x3  }
0x36: {  	p1 =	seq.s32 s10, $0x1;
	s10 =	sld [smem:$0x3FBA];
	_ =	sdelay $0x3  }
0x37: {  	[smem:$0x3FBA] =	sst s10  }
0x38: {  	s10 =	sld [smem:$0x3FBB]  }
0x39: {  	_ = 	snop;
	(pc) =	sbr.ind lr, $3  }
0x3a: {  	_ = 	snop  }
0x3b: {  	_ = 	snop  }
0x3c: {  	p2 =	seq.s32 s10, $0x1;
	s10 =	sld [smem:$0x3FBA]  }
0x3d: {  	_ =	shalt  }
0x3e: {  	_ =	shalt  }
0x3f: {  	_ =	shalt  }
0x40: {  	_ =	shalt  }
0x41: {  	_ =	shalt  }
0x42: {  	_ =	shalt  }
0x43: {  	_ =	shalt  }
0x44: {  	_ =	shalt  }
0x45: {  	_ =	shalt  }
0x46: {  	_ =	shalt  }
0x47: {  	_ =	shalt  }
0x48: {  	_ =	shalt  }
0x49: {  	_ =	shalt  }
0x4a: {  	_ =	shalt  }
0x4b: {  	_ =	shalt  }
0x4c: {  	_ =	shalt  }
0x4d: {  	_ =	shalt  }
0x4e: {  	_ =	shalt  }
0x4f: {  	_ =	shalt  }
0x50: {  	_ =	shalt  }
0x51: {  	_ =	shalt  }
0x52: {  	_ =	shalt  }
0x53: {  	_ =	shalt  }
0x54: {  	_ =	shalt  }
0x55: {  	_ =	shalt  }
0x56: {  	_ =	shalt  }
0x57: {  	_ =	shalt  }
0x58: {  	_ =	shalt  }
0x59: {  	_ =	shalt  }
0x5a: {  	_ =	shalt  }
0x5b: {  	_ =	shalt  }
0x5c: {  	_ =	shalt  }
0x5d: {  	_ =	shalt  }
0x5e: {  	_ =	shalt  }
0x5f: {  	_ =	shalt  }
0x60: {  	_ =	shalt  }
0x61: {  	_ =	shalt  }
0x62: {  	_ =	shalt  }
0x63: {  	_ =	shalt  }
0x64: {  	_ =	shalt  }
0x65: {  	_ =	shalt  }
0x66: {  	_ =	shalt  }
0x67: {  	_ =	shalt  }
0x68: {  	_ =	shalt  }
0x69: {  	_ =	shalt  }
0x6a: {  	_ =	shalt  }
0x6b: {  	_ =	shalt  }
0x6c: {  	_ =	shalt  }
0x6d: {  	_ =	shalt  }
0x6e: {  	_ =	shalt  }
0x6f: {  	_ =	shalt  }
0x70: {  	_ =	shalt  }
0x71: {  	_ =	shalt  }
0x72: {  	_ =	shalt  }
0x73: {  	_ =	shalt  }
0x74: {  	_ =	shalt  }
0x75: {  	_ =	shalt  }
0x76: {  	_ =	shalt  }
0x77: {  	_ =	shalt  }
0x78: {  	_ =	shalt  }
0x79: {  	_ =	shalt  }
0x7a: {  	_ =	shalt  }
0x7b: {  	_ =	shalt  }
0x7c: {  	_ =	shalt  }
0x7d: {  	_ =	shalt  }
0x7e: {  	_ =	shalt  }
0x7f: {  	_ =	shalt  }
0x80: {  	_ =	shalt  }
0x81: {  	_ =	shalt  }
0x82: {  	_ =	shalt  }
0x83: {  	_ =	shalt  }
0x84: {  	_ =	shalt  }
0x85: {  	_ =	shalt  }
0x86: {  	_ =	shalt  }
0x87: {  	_ =	shalt  }
.Lfunc_end0:
.L_simem_size_0:
called_computation.2_lowered:
.L_overlay_start_0:
0x88: {  	s2 =	sld [smem:$0x3FD9]  }
0x89: {  	s3 =	sld [smem:$0x3FFE];
	_ =	sdelay $0x1  }
0x8a: {  	s1 =	srdreg.scid  }
0x8b: {  	s0 =	sand.u32 $0x1, s1  }
0x8c: {  	s17 =	sshll.u32 s0, $0xA;
	s2 =	sadd.s32 s3, s2  }
0x8d: {  	s2 =	sadd.s32 s2, s17  }
0x8e: {  	[smem:$0x3FC6] =	sst s2  }
0x8f: {  	_ = 	snop  }
0x90: {  	(tm) =	ssettm $0x1  }
0x91: {  	s18 =	sld [smem:$0x3FFB];
	_ =	sdelay $0x3  }
0x92: {  	_ =	strace s18  }
0x93: {  	s2 =	sld [smem:$0x3FFC];
	_ =	sdelay $0x3  }
0x94: {  	_ =	strace s2  }
0x95: {  	s2 =	sld [smem:$0x3FFD];
	_ =	sdelay $0x3  }
0x96: {  	_ =	strace s2  }
0x97: {  	_ =	strace $0x8FFFFFFF  }
0x98: {  	s19 =	sld [smem:$0x3FDB];
	_ =	sdelay $0x1  }
0x99: {  	s20 =	simm.s32 $_scs_section_size  }
0x9a: {  	s4 =	simm.s32 $_size__tile_overlayer_lowered;
	s5 =	simm.s32 $_tile_overlayer_lowered  }
0x9b: {  	s6 =	simm.s32 $0x1BFF;
	s21 =	sshll.u32 s5, $0x1;
	s3 =	sadd.s32 s20, s19  }
0x9c: {  	s22 =	simm.s32 $0x0;
	s4 =	sshll.u32 s4, $0x1;
	s5 =	sadd.s32 s21, s3  }
0x9d: {  	[timem:s22], [sflag:s6] =	dma.local [hbm:s5], s4  }
0x9e: {  	_ =	swait.ge [sflag:s6], s4  }
0x9f: {  	s4 =	ssub.s32 $0x0, s4;
	[sflag:s6] =	ssyncset.done $0x0  }
0xa0: {  	[sflag:s6] =	ssyncadd.s32 s4;
	_ =	sdelay $0x1  }
0xa1: {  	s23 =	simm.s32 $0x1B8B  }
0xa2: {  	_ =	swait.ge [sflag:s23], $0x1  }
0xa3: {  	[sflag:s23] =	ssyncset.done $0x0  }
0xa4: {  	[sflag:s23] =	ssyncadd.s32 $0xFFFFFFFF  }
0xa5: {  	s4 =	sld [smem:$0x0]  }
0xa6: {  	s5 =	sand.u32 $0xFFFFFFFE, s1  }
0xa7: {  	p0 =	sne.s32 s1, s5  }
0xa8: {  	s5 =	sshll.u32 @p0 s5, $0xE  }
0xa9: {  	s5 =	sadd.s32 @p0 $0x11B8D, s5;
	s6 =	sshll.u32 @p0 s4, $0x11  }
0xaa: {  	s5 =	sor.u32 @p0 s6, s5  }
0xab: {  	[sflag:s5] =	ssyncadd.remote.s32 @p0 $0x1;
	_ =	sdelay $0x1  }
0xac: {  	s5 =	simm.s32 @p0 $0x1B8D  }
0xad: {  	_ =	swait.eq @p0 [sflag:s5], $0x1  }
0xae: {  	[sflag:s5] =	ssyncadd.s32 @p0 $0xFFFFFFFF  }
0xaf: {  	s6 =	sshll.u32 @!p0 s1, $0xE  }
0xb0: {  	s6 =	sor.u32 @!p0 $0x4000, s6;
	s5 =	simm.s32 @!p0 $0x1B8D  }
0xb1: {  	s4 =	sshll.u32 @!p0 s4, $0x11;
	s6 =	sadd.s32 @!p0 $0x11B8D, s6;
	_ =	swait.eq @!p0 [sflag:s5], $0x1  }
0xb2: {  	s4 =	sor.u32 @!p0 s4, s6;
	[sflag:s5] =	ssyncadd.s32 @!p0 $0xFFFFFFFF  }
0xb3: {  	s25 =	simm.s32 $0x1B8E;
	s24 =	sld [smem:$0x3FFE];
	[sflag:s4] =	ssyncadd.remote.s32 @!p0 $0x1  }
0xb4: {  	s26 =	simm.s32 $execute0_lowered;
	[smem:$0x3FD2] =	sst s25  }
0xb5: {  	s5 =	sshll.u32 s26, $0x1;
	_ =	strace $0x8000004C;
	[dreg:$0x1] =	wrdreg $0xFFFFFFFF  }
0xb6: {  	s28 =	simm.s32 $_size_execute0_lowered;
	s3 =	sadd.s32 s3, s5;
	[dreg:$0x0] =	wrdreg $0x0  }
0xb7: {  	s5 =	sshll.u32 s28, $0x1;
	[dreg:$0x2] =	wrdreg s3  }
0xb8: {  	[dreg:$0x3] =	wrdreg s5  }
0xb9: {  	[dreg:$0x4] =	wrdreg $0xC0  }
0xba: {  	_ =	task [dreg:s22], $0x5FFFF  }
0xbb: {  	[dreg:$0x1] =	wrdreg $0xFFFFFFFF  }
0xbc: {  	[dreg:$0x0] =	wrdreg $0x60  }
0xbd: {  	[dreg:$0x2] =	wrdreg s24  }
0xbe: {  	[dreg:$0x3] =	wrdreg $0xB  }
0xbf: {  	_ =	task.clear_ibuf [dreg:s22], $0x4FFFF;
	_ =	strace $0x9000004C  }
0xc0: {  	s29 =	simm.s32 $0xB;
	_ =	strace $0x8000004E  }
0xc1: {  	_ =	swait.ge [sflag:s29], $0x1  }
0xc2: {  	[sflag:s29] =	ssyncadd.s32 $0xFFFFFFFF  }
0xc3: {  	_ =	strace $0x9000004E  }
0xc4: {  	_ =	sfence  }
0xc5: {  	s30 =	sld [smem:$0x0];
	_ =	sdelay $0x2  }
0xc6: {  	s31 =	sshll.u32 s1, $0xD;
	s1 =	sshrl.u32 s1, $0x2  }
0xc7: {  	s4 =	sand.u32 $0x4000, s31;
	s1 =	sadd.s32 s1, s30  }
0xc8: {  	s0 =	sor.u32 s4, s0;
	s1 =	sshll.u32 s1, $0x11  }
0xc9: {  	s0 =	sor.u32 s1, s0  }
0xca: {  	s0 =	sadd.s32 $0x8F2B, s0  }
0xcb: {  	[sflag:s0] =	ssyncadd.remote.s32 $0x1  }
0xcc: {  	_ =	sfence.sel $0xFFFF  }
0xcd: {  	[dreg:$0x0] =	wrdreg $0xFFFFFFFF;
	(pc) =	sbr.abs _section_cstart, $3  }
0xce: {  	[dreg:$0x1] =	wrdreg $0xFFFFFFFF  }
0xcf: {  	_ =	task.clear_ibuf [dreg:s22], $0x2FFFF;
	_ =	strace $0x9FFFFFFF  }
0xd0: {  	(tm) =	ssettm $0x7FFFFFFF  }
0xd1: {  	_ =	shalt  }
tec
execute0_lowered:
.L_overlay_start_1:
0x0: {  	(tag) =	ssettag $0x1  }
0x1: {  	s1 =	srdreg.scid  }
0x2: {  	s0 =	stileid.u32;
	s4 =	rddreg [dreg:$0x0]  }
0x3: {  	s2 =	simm.s32 $0x0;
	s14 =	simm.s32 $0x1400;
	s15 =	simm.s32 $0x5400  }
0x4: {  	s17 =	simm.s32 $0x9400;
	s18 =	simm.s32 $0x180;
	s19 =	simm.s32 $0xD400  }
0x5: {  	s20 =	simm.s32 $0x1;
	s21 =	simm.s32 $0x2;
	s22 =	simm.s32 $0x3  }
0x6: {  	s23 =	simm.s32 $0x4;
	s24 =	simm.s32 $0x5;
	s25 =	simm.s32 $0x6  }
0x7: {  	s26 =	simm.s32 $0x7;
	s28 =	simm.s32 $0x8;
	s8 =	smul.u32 $0x140000, s0  }
0x8: {  	s1 =	sand.u32 $0x1, s1;
	s3 =	sshll.u32 s0, $0x1;
	s13 =	smul.u32 $0x28000, s0  }
0x9: {  	[smem:$0x7FF] =	sst s2;
	s11 =	sadd.s32 $0x1457C00, s4;
	s12 =	smul.u32 $0xA0000, s1  }
0xa: {  	s5 =	sor.u32 s1, s3;
	s30 =	ssub.s32 $0x2, s1;
	s1 =	smul.u32 $0x14000, s1  }
0xb: {  	s29 =	simm.s32 $0x0;
	_ =	strace $0x8000004D;
	s6 =	smul.u32 $0x1400, s5  }
0xc: {  	s3 =	sadd.s32 $0x1800, s4;
	s5 =	smul.u32 $0xA0000, s5;
	s7 =	sshrl.u32 s30, $0x1  }
0xd: {  	s9 =	ssub.s32 s30, s7;
	s12 =	sadd.s32 s12, s8;
	s6 =	sshrl.u32 s6, $0x3  }
0xe: {  	s5 =	sshrl.u32 s5, $0x3;
	s31 =	sshrl.u32 s12, $0x3;
	s6 =	sadd.s32 s6, s4  }
0xf: {  	s9 =	smax.u32 s9, $0x1;
	s10 =	sadd.s32 s11, s5;
	s4 =	sadd.s32 $0x11C8C00, s6  }
0x10: {  	s5 =	sadd.s32 $0x12000, s10;
	s6 =	sadd.s32 $0x12800, s10;
	s7 =	sadd.s32 $0x13000, s10  }
0x11: {  	s8 =	sadd.s32 $0x13800, s10;
	s10 =	sadd.s32 s31, s11;
	s11 =	sadd.s32 s13, s11  }
0x12: {  	s12 =	simm.s32 $0x9;
	s13 =	simm.s32 $0x80;
	s11 =	sadd.s32 s1, s11  }
.LBB2_1:
0x13: {  	[tilespmem:s2], [sflag:$0x9] =	stream.linear.gather [hbm4b:s4+s2], $0x1400, $0x38;
	[tilespmem:$0x11400] =	vst v63  }
0x14: {  	_ =	swait.ge [sflag:s12], $0x1400  }
0x15: {  	[sflag:s12] =	ssyncset.done $0x0  }
0x16: {  	[sflag:s12] =	ssyncadd.s32 $0xFFFFEC00  }
0x17: {  	[tilespmem:s14], [sflag:$0x1] =	stream.indirect.gather [hbm4b:s3+s13], $0x80, s2, s13, $0xb8;
	[tilespmem:$0x11400] =	vst v63  }
0x18: {  	_ = 	snop  }
0x19: {  	[tilespmem:s15], [sflag:$0x2] =	stream.indirect.gather [hbm4b:s3+s13], $0x80, s13, s13, $0xb8;
	[tilespmem:$0x11400] =	vst v63  }
0x1a: {  	s0 =	simm.s32 $0x100  }
0x1b: {  	[tilespmem:s17], [sflag:$0x3] =	stream.indirect.gather [hbm4b:s3+s13], $0x80, s0, s13, $0xb8;
	[tilespmem:$0x11400] =	vst v63  }
0x1c: {  	_ = 	snop  }
0x1d: {  	[tilespmem:s19], [sflag:$0x4] =	stream.indirect.gather [hbm4b:s3+s13], $0x80, s18, s13, $0xb8;
	[tilespmem:$0x11400] =	vst v63  }
0x1e: {  	_ =	swait.ge [sflag:s20], $0x4000  }
0x1f: {  	[sflag:s20] =	ssyncset.done $0x0  }
0x20: {  	s1 =	sadd.s32 $0x0, s10;
	[sflag:s20] =	ssyncadd.s32 $0xFFFFC000  }
0x21: {  	[hbm4b:s1+s2] =	stream.linear.scatter [tilespmem:s14], [sflag:$0x5], $0x4000, $0x38;
	[tilespmem:$0x11400] =	vst v63  }
0x22: {  	_ =	swait.ge [sflag:s21], $0x4000  }
0x23: {  	s0 =	sadd.s32 $0x0, s11;
	[sflag:s21] =	ssyncset.done $0x0  }
0x24: {  	s30 =	sadd.s32 $0x800, s0;
	[sflag:s21] =	ssyncadd.s32 $0xFFFFC000  }
0x25: {  	[hbm4b:s30+s2] =	stream.linear.scatter [tilespmem:s15], [sflag:$0x6], $0x4000, $0x38;
	[tilespmem:$0x11400] =	vst v63  }
0x26: {  	_ =	swait.ge [sflag:s22], $0x4000  }
0x27: {  	[sflag:s22] =	ssyncset.done $0x0  }
0x28: {  	s30 =	sadd.s32 $0x1000, s0;
	[sflag:s22] =	ssyncadd.s32 $0xFFFFC000  }
0x29: {  	[hbm4b:s30+s2] =	stream.linear.scatter [tilespmem:s17], [sflag:$0x7], $0x4000, $0x38;
	[tilespmem:$0x11400] =	vst v63  }
0x2a: {  	_ =	swait.ge [sflag:s23], $0x4000  }
0x2b: {  	[sflag:s23] =	ssyncset.done $0x0  }
0x2c: {  	s1 =	sadd.s32 $0x1800, s0;
	[sflag:s23] =	ssyncadd.s32 $0xFFFFC000  }
0x2d: {  	[hbm4b:s1+s2] =	stream.linear.scatter [tilespmem:s19], [sflag:$0x8], $0x4000, $0x38;
	[tilespmem:$0x11400] =	vst v63  }
0x2e: {  	_ =	swait.ge [sflag:s24], $0x4000  }
0x2f: {  	[sflag:s24] =	ssyncset.done $0x0  }
0x30: {  	s16 =	simm.s32 $0x200;
	[sflag:s24] =	ssyncadd.s32 $0xFFFFC000  }
0x31: {  	[tilespmem:s14], [sflag:$0x1] =	stream.indirect.gather [hbm4b:s3+s13], $0x80, s16, s13, $0xb8;
	[tilespmem:$0x11400] =	vst v63  }
0x32: {  	_ =	swait.ge [sflag:s25], $0x4000  }
0x33: {  	[sflag:s25] =	ssyncset.done $0x0  }
0x34: {  	s0 =	simm.s32 $0x280;
	[sflag:s25] =	ssyncadd.s32 $0xFFFFC000  }
0x35: {  	[tilespmem:s15], [sflag:$0x2] =	stream.indirect.gather [hbm4b:s3+s13], $0x80, s0, s13, $0xb8;
	[tilespmem:$0x11400] =	vst v63  }
0x36: {  	_ =	swait.ge [sflag:s26], $0x4000  }
0x37: {  	[sflag:s26] =	ssyncset.done $0x0  }
0x38: {  	s16 =	simm.s32 $0x300;
	[sflag:s26] =	ssyncadd.s32 $0xFFFFC000  }
0x39: {  	[tilespmem:s17], [sflag:$0x3] =	stream.indirect.gather [hbm4b:s3+s13], $0x80, s16, s13, $0xb8;
	[tilespmem:$0x11400] =	vst v63  }
0x3a: {  	_ =	swait.ge [sflag:s28], $0x4000  }
0x3b: {  	s31 =	simm.s32 $0x2000;
	[sflag:s28] =	ssyncset.done $0x0  }
0x3c: {  	s30 =	simm.s32 $0x380;
	s1 =	simm.s32 $0x580;
	[sflag:s28] =	ssyncadd.s32 $0xFFFFC000  }
.LBB2_2:
0x3d: {  	[tilespmem:s19], [sflag:$0x4] =	stream.indirect.gather [hbm4b:s3+s13], $0x80, s30, s13, $0xb8;
	[tilespmem:$0x11400] =	vst v63  }
0x3e: {  	s0 =	smov.u32 s31;
	s30 =	smov.u32 s1  }
0x3f: {  	p0 =	sne.s32 s31, $0x10000;
	s31 =	sadd.s32 $0x2000, s31;
	_ =	swait.ge [sflag:s20], $0x4000  }
0x40: {  	[sflag:s20] =	ssyncset.done $0x0  }
0x41: {  	s16 =	sadd.s32 s0, s10;
	[sflag:s20] =	ssyncadd.s32 $0xFFFFC000  }
0x42: {  	[hbm4b:s16+s2] =	stream.linear.scatter [tilespmem:s14], [sflag:$0x5], $0x4000, $0x38;
	[tilespmem:$0x11400] =	vst v63  }
0x43: {  	_ =	swait.ge [sflag:s21], $0x4000  }
0x44: {  	s0 =	sadd.s32 s0, s11;
	[sflag:s21] =	ssyncset.done $0x0  }
0x45: {  	s16 =	sadd.s32 $0x800, s0;
	[sflag:s21] =	ssyncadd.s32 $0xFFFFC000  }
0x46: {  	[hbm4b:s16+s2] =	stream.linear.scatter [tilespmem:s15], [sflag:$0x6], $0x4000, $0x38;
	[tilespmem:$0x11400] =	vst v63  }
0x47: {  	_ =	swait.ge [sflag:s22], $0x4000  }
0x48: {  	[sflag:s22] =	ssyncset.done $0x0  }
0x49: {  	s16 =	sadd.s32 $0x1000, s0;
	[sflag:s22] =	ssyncadd.s32 $0xFFFFC000  }
0x4a: {  	[hbm4b:s16+s2] =	stream.linear.scatter [tilespmem:s17], [sflag:$0x7], $0x4000, $0x38;
	[tilespmem:$0x11400] =	vst v63  }
0x4b: {  	_ =	swait.ge [sflag:s23], $0x4000  }
0x4c: {  	[sflag:s23] =	ssyncset.done $0x0  }
0x4d: {  	s0 =	sadd.s32 $0x1800, s0;
	[sflag:s23] =	ssyncadd.s32 $0xFFFFC000  }
0x4e: {  	[hbm4b:s0+s2] =	stream.linear.scatter [tilespmem:s19], [sflag:$0x8], $0x4000, $0x38;
	[tilespmem:$0x11400] =	vst v63  }
0x4f: {  	_ =	swait.ge [sflag:s24], $0x4000  }
0x50: {  	[sflag:s24] =	ssyncset.done $0x0  }
0x51: {  	s0 =	sadd.s32 $0xFFFFFE80, s1;
	[sflag:s24] =	ssyncadd.s32 $0xFFFFC000  }
0x52: {  	[tilespmem:s14], [sflag:$0x1] =	stream.indirect.gather [hbm4b:s3+s13], $0x80, s0, s13, $0xb8;
	[tilespmem:$0x11400] =	vst v63  }
0x53: {  	_ =	swait.ge [sflag:s25], $0x4000  }
0x54: {  	[sflag:s25] =	ssyncset.done $0x0  }
0x55: {  	s0 =	sadd.s32 $0xFFFFFF00, s1;
	[sflag:s25] =	ssyncadd.s32 $0xFFFFC000  }
0x56: {  	[tilespmem:s15], [sflag:$0x2] =	stream.indirect.gather [hbm4b:s3+s13], $0x80, s0, s13, $0xb8;
	[tilespmem:$0x11400] =	vst v63  }
0x57: {  	_ =	swait.ge [sflag:s26], $0x4000  }
0x58: {  	[sflag:s26] =	ssyncset.done $0x0  }
.Ltmp0:
0x59: {  	s0 =	sadd.s32 $0xFFFFFF80, s1;
	[sflag:s26] =	ssyncadd.s32 $0xFFFFC000;
	(pc) =	sbr.rel @p0 .LBB2_2-.Ltmp0, $4  }
0x5a: {  	[tilespmem:s17], [sflag:$0x3] =	stream.indirect.gather [hbm4b:s3+s13], $0x80, s0, s13, $0xb8;
	[tilespmem:$0x11400] =	vst v63  }
0x5b: {  	_ =	swait.ge [sflag:s28], $0x4000  }
0x5c: {  	[sflag:s28] =	ssyncset.done $0x0  }
0x5d: {  	s1 =	sadd.s32 $0x200, s1;
	[sflag:s28] =	ssyncadd.s32 $0xFFFFC000  }
0x5e: {  	[tilespmem:s19], [sflag:$0x4] =	stream.indirect.gather [hbm4b:s3+s13], $0x80, s30, s13, $0xb8;
	[tilespmem:$0x11400] =	vst v63  }
0x5f: {  	_ =	swait.ge [sflag:s20], $0x4000  }
0x60: {  	[sflag:s20] =	ssyncset.done $0x0  }
0x61: {  	[sflag:s20] =	ssyncadd.s32 $0xFFFFC000  }
0x62: {  	[hbm4b:s5+s2] =	stream.linear.scatter [tilespmem:s14], [sflag:$0x5], $0x4000, $0x38;
	[tilespmem:$0x11400] =	vst v63  }
0x63: {  	_ =	swait.ge [sflag:s21], $0x4000  }
0x64: {  	[sflag:s21] =	ssyncset.done $0x0  }
0x65: {  	[sflag:s21] =	ssyncadd.s32 $0xFFFFC000  }
0x66: {  	[hbm4b:s6+s2] =	stream.linear.scatter [tilespmem:s15], [sflag:$0x6], $0x4000, $0x38;
	[tilespmem:$0x11400] =	vst v63  }
0x67: {  	_ =	swait.ge [sflag:s22], $0x4000  }
0x68: {  	[sflag:s22] =	ssyncset.done $0x0  }
0x69: {  	[sflag:s22] =	ssyncadd.s32 $0xFFFFC000  }
0x6a: {  	[hbm4b:s7+s2] =	stream.linear.scatter [tilespmem:s17], [sflag:$0x7], $0x4000, $0x38;
	[tilespmem:$0x11400] =	vst v63  }
0x6b: {  	_ =	swait.ge [sflag:s23], $0x4000  }
0x6c: {  	[sflag:s23] =	ssyncset.done $0x0  }
0x6d: {  	[sflag:s23] =	ssyncadd.s32 $0xFFFFC000  }
0x6e: {  	[hbm4b:s8+s2] =	stream.linear.scatter [tilespmem:s19], [sflag:$0x8], $0x4000, $0x38;
	[tilespmem:$0x11400] =	vst v63  }
0x6f: {  	_ =	swait.ge [sflag:s24], $0x4000  }
0x70: {  	[sflag:s24] =	ssyncset.done $0x0  }
0x71: {  	[sflag:s24] =	ssyncadd.s32 $0xFFFFC000  }
0x72: {  	_ =	swait.ge [sflag:s25], $0x4000  }
0x73: {  	[sflag:s25] =	ssyncset.done $0x0  }
0x74: {  	s29 =	sadd.s32 $0x1, s29;
	[sflag:s25] =	ssyncadd.s32 $0xFFFFC000  }
0x75: {  	p0 =	sne.s32 s29, s9;
	_ =	swait.ge [sflag:s26], $0x4000  }
.Ltmp1:
0x76: {  	[sflag:s26] =	ssyncset.done $0x0;
	(pc) =	sbr.rel @p0 .LBB2_1-.Ltmp1, $4  }
0x77: {  	[sflag:s26] =	ssyncadd.s32 $0xFFFFC000  }
0x78: {  	_ =	swait.ge [sflag:s28], $0x4000  }
0x79: {  	[sflag:s28] =	ssyncset.done $0x0  }
0x7a: {  	[sflag:s28] =	ssyncadd.s32 $0xFFFFC000  }
0x7b: {  	_ =	sfence.sel $0x180000  }
0x7c: {  	[bflag:$0x0] =	sbarrier.arrive $0xFFFF  }
0x7d: {  	_ =	strace $0x9000004D  }
0x7e: {  	s0 =	stileid.u32;
	[bflag:$0x2] =	sbarrier.arrive $0xFFFF  }
0x7f: {  	p0 =	sne.s32 s0, $0x0;
	s0 =	rddreg [dreg:$0x1]  }
0x80: {  	s0 =	sadd.s32 @!p0 $0x100000, s0  }
0x81: {  	[sflag:s0] =	ssyncadd.tile.s32 @!p0 $0x1;
	_ =	shalt  }
.Lfunc_end2:
_tile_overlayer_lowered:
.L_overlay_start_2:
0x82: {  	(tag) =	ssettag $0x2  }
0x83: {  	s0 =	rddreg [dreg:$0x0];
	s2 =	stileid.u32  }
0x84: {  	s1 =	rddreg [dreg:$0x1];
	p0 =	sne.s32 s2, $0x0  }
0x85: {  	s3 =	rddreg [dreg:$0x2];
	[bflag:$0x3] =	sbarrier.arrive $0xFFFF;
	s2 =	simm.s32 @!p0 $0x1C09  }
0x86: {  	[timem:s3], [sflag:s2] =	dma.local @!p0 [hbm:s0], s1  }
0x87: {  	s0 =	simm.s32 @!p0 $0x9  }
0x88: {  	_ =	swait.ge @!p0 [sflag:s0], s1  }
0x89: {  	s1 =	ssub.s32 @!p0 $0x0, s1;
	[sflag:s0] =	ssyncset.done @!p0 $0x0  }
0x8a: {  	[sflag:s0] =	ssyncadd.s32 @!p0 s1  }
0x8b: {  	[bflag:$0x3] =	sbarrier.arrive $0xFFFF  }
0x8c: {  	_ =	shalt  }

// kernel: kernel.22.cloned.1.call-start
scs
__scs_entry_jumppad:
0x0: {  	(pc) =	sbr.rel $0x88, $3  }
0x1: {  	(tag) =	ssettag $0x0;
	lr =	simm.s32 $0x1  }
0x2: {  	[smem:$0x3F9F] =	sst lr;
	_ =	strace $0xD0000000  }
0x3: {  	_ = 	snop  }
0x4: {  	_ = 	snop  }
0x5: {  	_ = 	snop  }
0x6: {  	_ = 	snop  }
0x7: {  	_ = 	snop  }
__scs_overlays_trampoline_lowered:
0x8: {  	[smem:$0x3FAE] =	sst s0  }
0x9: {  	[smem:$0x3FAF] =	sst s1  }
0xa: {  	[smem:$0x3FB0] =	sst s2  }
0xb: {  	[smem:$0x3FB1] =	sst s3  }
0xc: {  	[smem:$0x3FB2] =	sst s4  }
0xd: {  	[smem:$0x3FB3] =	sst s5  }
0xe: {  	[smem:$0x3FB4] =	sst s6  }
0xf: {  	[smem:$0x3FB5] =	sst s7  }
0x10: {  	[smem:$0x3FB6] =	sst s8  }
0x11: {  	[smem:$0x3FB7] =	sst s9;
	s0 =	simm.s32 @!p0 $0x0  }
0x12: {  	s1 =	sld [smem:$0x3F9D];
	s0 =	simm.s32 @p0 $0x1  }
0x13: {  	[smem:$0x3FB8] =	sst s0;
	s0 =	simm.s32 @!p1 $0x0  }
0x14: {  	s2 =	sld [smem:$0x3F9C];
	s0 =	simm.s32 @p1 $0x1  }
0x15: {  	[smem:$0x3FB9] =	sst s0;
	s0 =	simm.s32 @!p2 $0x0  }
0x16: {  	s3 =	sld [smem:$0x3FDB];
	s0 =	simm.s32 @p2 $0x1  }
0x17: {  	s4 =	simm.s32 $0x1BF5;
	[smem:$0x3FBB] =	sst s0  }
0x18: {  	s0 =	sld [smem:$0x3F9E];
	_ =	swait.ge [sflag:s4], $0x0  }
0x19: {  	s7 =	sld [smem:$0x3F9F]  }
0x1a: {  	s8 =	sadd.s32 $0xFFFFE003, lr  }
0x1b: {  	s9 =	sadd.s32 $0xFFFFFEF7, lr;
	s5 =	simm.s32 $0xFFFFFFFF;
	p2 =	slt.u32 s8, $0xFFFFF086  }
0x1c: {  	p1 =	slt.u32 s9, $0xF7A;
	s5 =	simm.s32 @!p2 $0x0  }
0x1d: {  	s5 =	simm.s32 @p1 $0x1;
	p0 =	seq.s32 s7, s2  }
0x1e: {  	s7 =	smul.u32 @!p0 $0xF7A, s2;
	p2 =	seq.s32 @!p0 s5, $0x0  }
0x1f: {  	s9 =	smul.u32 $0xF7A, s1;
	s8 =	simm.s32 @!p0 $0x1BF5;
	p2 =	por !p2, p0  }
0x20: {  	[sflag:s8] =	ssyncset.s32 @!p0 $0xFFFFF086;
	s6 =	sadd.s32 @!p0 s3, s7;
	s7 =	simm.s32 @!p0 $0x108  }
0x21: {  	s3 =	sadd.s32 s3, s9;
	s6 =	sadd.s32 @!p0 $0x88, s6;
	s7 =	simm.s32 @p2 $0x1082  }
0x22: {  	[simem:s7], [sflag:s8] =	dma.local @!p0 [hbm:s6], $0xF7A  }
0x23: {  	s9 =	sor.u32 $0xD0000000, s2;
	s6 =	simm.s32 $0x108;
	_ =	swait.ge @!p0 [sflag:s8], $0x0  }
0x24: {  	s3 =	sadd.s32 $0x88, s3;
	s6 =	simm.s32 @!p1 $0x1082;
	[sflag:s4] =	ssyncset.s32 $0xFFFFF086  }
0x25: {  	[simem:s6], [sflag:s4] =	dma.local [hbm:s3], $0xF7A  }
0x26: {  	[smem:$0x3F9F] =	sst s1;
	(tag) =	ssettag s2;
	_ =	strace s9  }
0x27: {  	s1 =	sld [smem:$0x3FAF]  }
0x28: {  	s2 =	sld [smem:$0x3FB0]  }
0x29: {  	s4 =	sld [smem:$0x3FB2]  }
0x2a: {  	p0 =	seq.s32 s5, $0x0;
	s5 =	sld [smem:$0x3FB3]  }
0x2b: {  	s6 =	sld [smem:$0x3FB4]  }
0x2c: {  	s7 =	sld [smem:$0x3FB5]  }
0x2d: {  	s3 =	simm.s32 $0x108;
	s8 =	sld [smem:$0x3FB6]  }
0x2e: {  	s3 =	simm.s32 @!p0 $0x1082;
	s9 =	sld [smem:$0x3FB7]  }
0x2f: {  	lr =	sadd.s32 s0, s3;
	s0 =	sld [smem:$0x3FAE]  }
0x30: {  	s3 =	sld [smem:$0x3FB1]  }
0x31: {  	[smem:$0x3FBA] =	sst s10  }
0x32: {  	s10 =	sld [smem:$0x3FB8];
	_ =	sdelay $0x3  }
0x33: {  	p0 =	seq.s32 s10, $0x1;
	s10 =	sld [smem:$0x3FBA];
	_ =	sdelay $0x3  }
0x34: {  	[smem:$0x3FBA] =	sst s10  }
0x35: {  	s10 =	sld [smem:$0x3FB9];
	_ =	sdelay $0x3  }
0x36: {  	p1 =	seq.s32 s10, $0x1;
	s10 =	sld [smem:$0x3FBA];
	_ =	sdelay $0x3  }
0x37: {  	[smem:$0x3FBA] =	sst s10  }
0x38: {  	s10 =	sld [smem:$0x3FBB]  }
0x39: {  	_ = 	snop;
	(pc) =	sbr.ind lr, $3  }
0x3a: {  	_ = 	snop  }
0x3b: {  	_ = 	snop  }
0x3c: {  	p2 =	seq.s32 s10, $0x1;
	s10 =	sld [smem:$0x3FBA]  }
0x3d: {  	_ =	shalt  }
0x3e: {  	_ =	shalt  }
0x3f: {  	_ =	shalt  }
0x40: {  	_ =	shalt  }
0x41: {  	_ =	shalt  }
0x42: {  	_ =	shalt  }
0x43: {  	_ =	shalt  }
0x44: {  	_ =	shalt  }
0x45: {  	_ =	shalt  }
0x46: {  	_ =	shalt  }
0x47: {  	_ =	shalt  }
0x48: {  	_ =	shalt  }
0x49: {  	_ =	shalt  }
0x4a: {  	_ =	shalt  }
0x4b: {  	_ =	shalt  }
0x4c: {  	_ =	shalt  }
0x4d: {  	_ =	shalt  }
0x4e: {  	_ =	shalt  }
0x4f: {  	_ =	shalt  }
0x50: {  	_ =	shalt  }
0x51: {  	_ =	shalt  }
0x52: {  	_ =	shalt  }
0x53: {  	_ =	shalt  }
0x54: {  	_ =	shalt  }
0x55: {  	_ =	shalt  }
0x56: {  	_ =	shalt  }
0x57: {  	_ =	shalt  }
0x58: {  	_ =	shalt  }
0x59: {  	_ =	shalt  }
0x5a: {  	_ =	shalt  }
0x5b: {  	_ =	shalt  }
0x5c: {  	_ =	shalt  }
0x5d: {  	_ =	shalt  }
0x5e: {  	_ =	shalt  }
0x5f: {  	_ =	shalt  }
0x60: {  	_ =	shalt  }
0x61: {  	_ =	shalt  }
0x62: {  	_ =	shalt  }
0x63: {  	_ =	shalt  }
0x64: {  	_ =	shalt  }
0x65: {  	_ =	shalt  }
0x66: {  	_ =	shalt  }
0x67: {  	_ =	shalt  }
0x68: {  	_ =	shalt  }
0x69: {  	_ =	shalt  }
0x6a: {  	_ =	shalt  }
0x6b: {  	_ =	shalt  }
0x6c: {  	_ =	shalt  }
0x6d: {  	_ =	shalt  }
0x6e: {  	_ =	shalt  }
0x6f: {  	_ =	shalt  }
0x70: {  	_ =	shalt  }
0x71: {  	_ =	shalt  }
0x72: {  	_ =	shalt  }
0x73: {  	_ =	shalt  }
0x74: {  	_ =	shalt  }
0x75: {  	_ =	shalt  }
0x76: {  	_ =	shalt  }
0x77: {  	_ =	shalt  }
0x78: {  	_ =	shalt  }
0x79: {  	_ =	shalt  }
0x7a: {  	_ =	shalt  }
0x7b: {  	_ =	shalt  }
0x7c: {  	_ =	shalt  }
0x7d: {  	_ =	shalt  }
0x7e: {  	_ =	shalt  }
0x7f: {  	_ =	shalt  }
0x80: {  	_ =	shalt  }
0x81: {  	_ =	shalt  }
0x82: {  	_ =	shalt  }
0x83: {  	_ =	shalt  }
0x84: {  	_ =	shalt  }
0x85: {  	_ =	shalt  }
0x86: {  	_ =	shalt  }
0x87: {  	_ =	shalt  }
.Lfunc_end0:
.L_simem_size_0:
called_computation.3_lowered:
.L_overlay_start_0:
0x88: {  	s2 =	sld [smem:$0x3FD9]  }
0x89: {  	s3 =	sld [smem:$0x3FFE];
	_ =	sdelay $0x1  }
0x8a: {  	s1 =	srdreg.scid  }
0x8b: {  	s0 =	sand.u32 $0x1, s1  }
0x8c: {  	s17 =	sshll.u32 s0, $0xA;
	s2 =	sadd.s32 s3, s2  }
0x8d: {  	s2 =	sadd.s32 s2, s17  }
0x8e: {  	[smem:$0x3FC6] =	sst s2  }
0x8f: {  	_ = 	snop  }
0x90: {  	(tm) =	ssettm $0x1  }
0x91: {  	s18 =	sld [smem:$0x3FFB];
	_ =	sdelay $0x3  }
0x92: {  	_ =	strace s18  }
0x93: {  	s2 =	sld [smem:$0x3FFC];
	_ =	sdelay $0x3  }
0x94: {  	_ =	strace s2  }
0x95: {  	s2 =	sld [smem:$0x3FFD];
	_ =	sdelay $0x3  }
0x96: {  	_ =	strace s2  }
0x97: {  	_ =	strace $0x8FFFFFFF  }
0x98: {  	s19 =	sld [smem:$0x3FDB];
	_ =	sdelay $0x1  }
0x99: {  	s20 =	simm.s32 $_scs_section_size  }
0x9a: {  	s4 =	simm.s32 $_size__tile_overlayer_lowered;
	s5 =	simm.s32 $_tile_overlayer_lowered  }
0x9b: {  	s6 =	simm.s32 $0x1BFF;
	s21 =	sshll.u32 s5, $0x1;
	s3 =	sadd.s32 s20, s19  }
0x9c: {  	s22 =	simm.s32 $0x0;
	s4 =	sshll.u32 s4, $0x1;
	s5 =	sadd.s32 s21, s3  }
0x9d: {  	[timem:s22], [sflag:s6] =	dma.local [hbm:s5], s4  }
0x9e: {  	_ =	swait.ge [sflag:s6], s4  }
0x9f: {  	s4 =	ssub.s32 $0x0, s4;
	[sflag:s6] =	ssyncset.done $0x0  }
0xa0: {  	[sflag:s6] =	ssyncadd.s32 s4;
	_ =	sdelay $0x1  }
0xa1: {  	s23 =	simm.s32 $0x1B8B  }
0xa2: {  	_ =	swait.ge [sflag:s23], $0x1  }
0xa3: {  	[sflag:s23] =	ssyncset.done $0x0  }
0xa4: {  	[sflag:s23] =	ssyncadd.s32 $0xFFFFFFFF  }
0xa5: {  	s4 =	sld [smem:$0x0]  }
0xa6: {  	s5 =	sand.u32 $0xFFFFFFFE, s1  }
0xa7: {  	p0 =	sne.s32 s1, s5  }
0xa8: {  	s5 =	sshll.u32 @p0 s5, $0xE  }
0xa9: {  	s5 =	sadd.s32 @p0 $0x11B8D, s5;
	s6 =	sshll.u32 @p0 s4, $0x11  }
0xaa: {  	s5 =	sor.u32 @p0 s6, s5  }
0xab: {  	[sflag:s5] =	ssyncadd.remote.s32 @p0 $0x1;
	_ =	sdelay $0x1  }
0xac: {  	s5 =	simm.s32 @p0 $0x1B8D  }
0xad: {  	_ =	swait.eq @p0 [sflag:s5], $0x1  }
0xae: {  	[sflag:s5] =	ssyncadd.s32 @p0 $0xFFFFFFFF  }
0xaf: {  	s6 =	sshll.u32 @!p0 s1, $0xE  }
0xb0: {  	s6 =	sor.u32 @!p0 $0x4000, s6;
	s5 =	simm.s32 @!p0 $0x1B8D  }
0xb1: {  	s4 =	sshll.u32 @!p0 s4, $0x11;
	s6 =	sadd.s32 @!p0 $0x11B8D, s6;
	_ =	swait.eq @!p0 [sflag:s5], $0x1  }
0xb2: {  	s4 =	sor.u32 @!p0 s4, s6;
	[sflag:s5] =	ssyncadd.s32 @!p0 $0xFFFFFFFF  }
0xb3: {  	s25 =	simm.s32 $0x1B8E;
	s24 =	sld [smem:$0x3FFE];
	[sflag:s4] =	ssyncadd.remote.s32 @!p0 $0x1  }
0xb4: {  	s26 =	simm.s32 $execute0_lowered;
	[smem:$0x3FD2] =	sst s25  }
0xb5: {  	s5 =	sshll.u32 s26, $0x1;
	_ =	strace $0x8000004F;
	[dreg:$0x1] =	wrdreg $0xFFFFFFFF  }
0xb6: {  	s28 =	simm.s32 $_size_execute0_lowered;
	s3 =	sadd.s32 s3, s5;
	[dreg:$0x0] =	wrdreg $0x0  }
0xb7: {  	s5 =	sshll.u32 s28, $0x1;
	[dreg:$0x2] =	wrdreg s3  }
0xb8: {  	[dreg:$0x3] =	wrdreg s5  }
0xb9: {  	[dreg:$0x4] =	wrdreg $0xC0  }
0xba: {  	_ =	task [dreg:s22], $0x5FFFF  }
0xbb: {  	[dreg:$0x1] =	wrdreg $0xFFFFFFFF  }
0xbc: {  	[dreg:$0x0] =	wrdreg $0x60  }
0xbd: {  	[dreg:$0x2] =	wrdreg s24  }
0xbe: {  	[dreg:$0x3] =	wrdreg $0xC  }
0xbf: {  	_ =	task.clear_ibuf [dreg:s22], $0x4FFFF;
	_ =	strace $0x9000004F  }
0xc0: {  	s29 =	simm.s32 $0xC;
	_ =	strace $0x80000051  }
0xc1: {  	_ =	swait.ge [sflag:s29], $0x1  }
0xc2: {  	[sflag:s29] =	ssyncadd.s32 $0xFFFFFFFF  }
0xc3: {  	_ =	strace $0x90000051  }
0xc4: {  	_ =	sfence  }
0xc5: {  	s30 =	sld [smem:$0x0];
	_ =	sdelay $0x2  }
0xc6: {  	s31 =	sshll.u32 s1, $0xD;
	s1 =	sshrl.u32 s1, $0x2  }
0xc7: {  	s4 =	sand.u32 $0x4000, s31;
	s1 =	sadd.s32 s1, s30  }
0xc8: {  	s0 =	sor.u32 s4, s0;
	s1 =	sshll.u32 s1, $0x11  }
0xc9: {  	s0 =	sor.u32 s1, s0  }
0xca: {  	s0 =	sadd.s32 $0x8F2B, s0  }
0xcb: {  	[sflag:s0] =	ssyncadd.remote.s32 $0x1  }
0xcc: {  	_ =	sfence.sel $0xFFFF  }
0xcd: {  	[dreg:$0x0] =	wrdreg $0xFFFFFFFF;
	(pc) =	sbr.abs _section_cstart, $3  }
0xce: {  	[dreg:$0x1] =	wrdreg $0xFFFFFFFF  }
0xcf: {  	_ =	task.clear_ibuf [dreg:s22], $0x2FFFF;
	_ =	strace $0x9FFFFFFF  }
0xd0: {  	(tm) =	ssettm $0x7FFFFFFF  }
0xd1: {  	_ =	shalt  }
tec
execute0_lowered:
.L_overlay_start_1:
0x0: {  	(tag) =	ssettag $0x1  }
0x1: {  	s1 =	srdreg.scid  }
0x2: {  	s0 =	stileid.u32;
	s4 =	rddreg [dreg:$0x0]  }
0x3: {  	s2 =	simm.s32 $0x0;
	s14 =	simm.s32 $0x1400;
	s15 =	simm.s32 $0x5400  }
0x4: {  	s17 =	simm.s32 $0x9400;
	s18 =	simm.s32 $0x180;
	s19 =	simm.s32 $0xD400  }
0x5: {  	s20 =	simm.s32 $0x1;
	s21 =	simm.s32 $0x2;
	s22 =	simm.s32 $0x3  }
0x6: {  	s23 =	simm.s32 $0x4;
	s24 =	simm.s32 $0x5;
	s25 =	simm.s32 $0x6  }
0x7: {  	s26 =	simm.s32 $0x7;
	s28 =	simm.s32 $0x8;
	s8 =	smul.u32 $0x140000, s0  }
0x8: {  	s1 =	sand.u32 $0x1, s1;
	s3 =	sshll.u32 s0, $0x1;
	s13 =	smul.u32 $0x28000, s0  }
0x9: {  	[smem:$0x7FF] =	sst s2;
	s11 =	sadd.s32 $0x16D7C00, s4;
	s12 =	smul.u32 $0xA0000, s1  }
0xa: {  	s5 =	sor.u32 s1, s3;
	s30 =	ssub.s32 $0x2, s1;
	s1 =	smul.u32 $0x14000, s1  }
0xb: {  	s29 =	simm.s32 $0x0;
	_ =	strace $0x80000050;
	s6 =	smul.u32 $0x1400, s5  }
0xc: {  	s3 =	sadd.s32 $0x1800, s4;
	s5 =	smul.u32 $0xA0000, s5;
	s7 =	sshrl.u32 s30, $0x1  }
0xd: {  	s9 =	ssub.s32 s30, s7;
	s12 =	sadd.s32 s12, s8;
	s6 =	sshrl.u32 s6, $0x3  }
0xe: {  	s5 =	sshrl.u32 s5, $0x3;
	s31 =	sshrl.u32 s12, $0x3;
	s6 =	sadd.s32 s6, s4  }
0xf: {  	s9 =	smax.u32 s9, $0x1;
	s10 =	sadd.s32 s11, s5;
	s4 =	sadd.s32 $0x11CDC00, s6  }
0x10: {  	s5 =	sadd.s32 $0x12000, s10;
	s6 =	sadd.s32 $0x12800, s10;
	s7 =	sadd.s32 $0x13000, s10  }
0x11: {  	s8 =	sadd.s32 $0x13800, s10;
	s10 =	sadd.s32 s31, s11;
	s11 =	sadd.s32 s13, s11  }
0x12: {  	s12 =	simm.s32 $0x9;
	s13 =	simm.s32 $0x80;
	s11 =	sadd.s32 s1, s11  }
.LBB2_1:
0x13: {  	[tilespmem:s2], [sflag:$0x9] =	stream.linear.gather [hbm4b:s4+s2], $0x1400, $0x38;
	[tilespmem:$0x11400] =	vst v63  }
0x14: {  	_ =	swait.ge [sflag:s12], $0x1400  }
0x15: {  	[sflag:s12] =	ssyncset.done $0x0  }
0x16: {  	[sflag:s12] =	ssyncadd.s32 $0xFFFFEC00  }
0x17: {  	[tilespmem:s14], [sflag:$0x1] =	stream.indirect.gather [hbm4b:s3+s13], $0x80, s2, s13, $0xb8;
	[tilespmem:$0x11400] =	vst v63  }
0x18: {  	_ = 	snop  }
0x19: {  	[tilespmem:s15], [sflag:$0x2] =	stream.indirect.gather [hbm4b:s3+s13], $0x80, s13, s13, $0xb8;
	[tilespmem:$0x11400] =	vst v63  }
0x1a: {  	s0 =	simm.s32 $0x100  }
0x1b: {  	[tilespmem:s17], [sflag:$0x3] =	stream.indirect.gather [hbm4b:s3+s13], $0x80, s0, s13, $0xb8;
	[tilespmem:$0x11400] =	vst v63  }
0x1c: {  	_ = 	snop  }
0x1d: {  	[tilespmem:s19], [sflag:$0x4] =	stream.indirect.gather [hbm4b:s3+s13], $0x80, s18, s13, $0xb8;
	[tilespmem:$0x11400] =	vst v63  }
0x1e: {  	_ =	swait.ge [sflag:s20], $0x4000  }
0x1f: {  	[sflag:s20] =	ssyncset.done $0x0  }
0x20: {  	s1 =	sadd.s32 $0x0, s10;
	[sflag:s20] =	ssyncadd.s32 $0xFFFFC000  }
0x21: {  	[hbm4b:s1+s2] =	stream.linear.scatter [tilespmem:s14], [sflag:$0x5], $0x4000, $0x38;
	[tilespmem:$0x11400] =	vst v63  }
0x22: {  	_ =	swait.ge [sflag:s21], $0x4000  }
0x23: {  	s0 =	sadd.s32 $0x0, s11;
	[sflag:s21] =	ssyncset.done $0x0  }
0x24: {  	s30 =	sadd.s32 $0x800, s0;
	[sflag:s21] =	ssyncadd.s32 $0xFFFFC000  }
0x25: {  	[hbm4b:s30+s2] =	stream.linear.scatter [tilespmem:s15], [sflag:$0x6], $0x4000, $0x38;
	[tilespmem:$0x11400] =	vst v63  }
0x26: {  	_ =	swait.ge [sflag:s22], $0x4000  }
0x27: {  	[sflag:s22] =	ssyncset.done $0x0  }
0x28: {  	s30 =	sadd.s32 $0x1000, s0;
	[sflag:s22] =	ssyncadd.s32 $0xFFFFC000  }
0x29: {  	[hbm4b:s30+s2] =	stream.linear.scatter [tilespmem:s17], [sflag:$0x7], $0x4000, $0x38;
	[tilespmem:$0x11400] =	vst v63  }
0x2a: {  	_ =	swait.ge [sflag:s23], $0x4000  }
0x2b: {  	[sflag:s23] =	ssyncset.done $0x0  }
0x2c: {  	s1 =	sadd.s32 $0x1800, s0;
	[sflag:s23] =	ssyncadd.s32 $0xFFFFC000  }
0x2d: {  	[hbm4b:s1+s2] =	stream.linear.scatter [tilespmem:s19], [sflag:$0x8], $0x4000, $0x38;
	[tilespmem:$0x11400] =	vst v63  }
0x2e: {  	_ =	swait.ge [sflag:s24], $0x4000  }
0x2f: {  	[sflag:s24] =	ssyncset.done $0x0  }
0x30: {  	s16 =	simm.s32 $0x200;
	[sflag:s24] =	ssyncadd.s32 $0xFFFFC000  }
0x31: {  	[tilespmem:s14], [sflag:$0x1] =	stream.indirect.gather [hbm4b:s3+s13], $0x80, s16, s13, $0xb8;
	[tilespmem:$0x11400] =	vst v63  }
0x32: {  	_ =	swait.ge [sflag:s25], $0x4000  }
0x33: {  	[sflag:s25] =	ssyncset.done $0x0  }
0x34: {  	s0 =	simm.s32 $0x280;
	[sflag:s25] =	ssyncadd.s32 $0xFFFFC000  }
0x35: {  	[tilespmem:s15], [sflag:$0x2] =	stream.indirect.gather [hbm4b:s3+s13], $0x80, s0, s13, $0xb8;
	[tilespmem:$0x11400] =	vst v63  }
0x36: {  	_ =	swait.ge [sflag:s26], $0x4000  }
0x37: {  	[sflag:s26] =	ssyncset.done $0x0  }
0x38: {  	s16 =	simm.s32 $0x300;
	[sflag:s26] =	ssyncadd.s32 $0xFFFFC000  }
0x39: {  	[tilespmem:s17], [sflag:$0x3] =	stream.indirect.gather [hbm4b:s3+s13], $0x80, s16, s13, $0xb8;
	[tilespmem:$0x11400] =	vst v63  }
0x3a: {  	_ =	swait.ge [sflag:s28], $0x4000  }
0x3b: {  	s31 =	simm.s32 $0x2000;
	[sflag:s28] =	ssyncset.done $0x0  }
0x3c: {  	s30 =	simm.s32 $0x380;
	s1 =	simm.s32 $0x580;
	[sflag:s28] =	ssyncadd.s32 $0xFFFFC000  }
.LBB2_2:
0x3d: {  	[tilespmem:s19], [sflag:$0x4] =	stream.indirect.gather [hbm4b:s3+s13], $0x80, s30, s13, $0xb8;
	[tilespmem:$0x11400] =	vst v63  }
0x3e: {  	s0 =	smov.u32 s31;
	s30 =	smov.u32 s1  }
0x3f: {  	p0 =	sne.s32 s31, $0x10000;
	s31 =	sadd.s32 $0x2000, s31;
	_ =	swait.ge [sflag:s20], $0x4000  }
0x40: {  	[sflag:s20] =	ssyncset.done $0x0  }
0x41: {  	s16 =	sadd.s32 s0, s10;
	[sflag:s20] =	ssyncadd.s32 $0xFFFFC000  }
0x42: {  	[hbm4b:s16+s2] =	stream.linear.scatter [tilespmem:s14], [sflag:$0x5], $0x4000, $0x38;
	[tilespmem:$0x11400] =	vst v63  }
0x43: {  	_ =	swait.ge [sflag:s21], $0x4000  }
0x44: {  	s0 =	sadd.s32 s0, s11;
	[sflag:s21] =	ssyncset.done $0x0  }
0x45: {  	s16 =	sadd.s32 $0x800, s0;
	[sflag:s21] =	ssyncadd.s32 $0xFFFFC000  }
0x46: {  	[hbm4b:s16+s2] =	stream.linear.scatter [tilespmem:s15], [sflag:$0x6], $0x4000, $0x38;
	[tilespmem:$0x11400] =	vst v63  }
0x47: {  	_ =	swait.ge [sflag:s22], $0x4000  }
0x48: {  	[sflag:s22] =	ssyncset.done $0x0  }
0x49: {  	s16 =	sadd.s32 $0x1000, s0;
	[sflag:s22] =	ssyncadd.s32 $0xFFFFC000  }
0x4a: {  	[hbm4b:s16+s2] =	stream.linear.scatter [tilespmem:s17], [sflag:$0x7], $0x4000, $0x38;
	[tilespmem:$0x11400] =	vst v63  }
0x4b: {  	_ =	swait.ge [sflag:s23], $0x4000  }
0x4c: {  	[sflag:s23] =	ssyncset.done $0x0  }
0x4d: {  	s0 =	sadd.s32 $0x1800, s0;
	[sflag:s23] =	ssyncadd.s32 $0xFFFFC000  }
0x4e: {  	[hbm4b:s0+s2] =	stream.linear.scatter [tilespmem:s19], [sflag:$0x8], $0x4000, $0x38;
	[tilespmem:$0x11400] =	vst v63  }
0x4f: {  	_ =	swait.ge [sflag:s24], $0x4000  }
0x50: {  	[sflag:s24] =	ssyncset.done $0x0  }
0x51: {  	s0 =	sadd.s32 $0xFFFFFE80, s1;
	[sflag:s24] =	ssyncadd.s32 $0xFFFFC000  }
0x52: {  	[tilespmem:s14], [sflag:$0x1] =	stream.indirect.gather [hbm4b:s3+s13], $0x80, s0, s13, $0xb8;
	[tilespmem:$0x11400] =	vst v63  }
0x53: {  	_ =	swait.ge [sflag:s25], $0x4000  }
0x54: {  	[sflag:s25] =	ssyncset.done $0x0  }
0x55: {  	s0 =	sadd.s32 $0xFFFFFF00, s1;
	[sflag:s25] =	ssyncadd.s32 $0xFFFFC000  }
0x56: {  	[tilespmem:s15], [sflag:$0x2] =	stream.indirect.gather [hbm4b:s3+s13], $0x80, s0, s13, $0xb8;
	[tilespmem:$0x11400] =	vst v63  }
0x57: {  	_ =	swait.ge [sflag:s26], $0x4000  }
0x58: {  	[sflag:s26] =	ssyncset.done $0x0  }
.Ltmp0:
0x59: {  	s0 =	sadd.s32 $0xFFFFFF80, s1;
	[sflag:s26] =	ssyncadd.s32 $0xFFFFC000;
	(pc) =	sbr.rel @p0 .LBB2_2-.Ltmp0, $4  }
0x5a: {  	[tilespmem:s17], [sflag:$0x3] =	stream.indirect.gather [hbm4b:s3+s13], $0x80, s0, s13, $0xb8;
	[tilespmem:$0x11400] =	vst v63  }
0x5b: {  	_ =	swait.ge [sflag:s28], $0x4000  }
0x5c: {  	[sflag:s28] =	ssyncset.done $0x0  }
0x5d: {  	s1 =	sadd.s32 $0x200, s1;
	[sflag:s28] =	ssyncadd.s32 $0xFFFFC000  }
0x5e: {  	[tilespmem:s19], [sflag:$0x4] =	stream.indirect.gather [hbm4b:s3+s13], $0x80, s30, s13, $0xb8;
	[tilespmem:$0x11400] =	vst v63  }
0x5f: {  	_ =	swait.ge [sflag:s20], $0x4000  }
0x60: {  	[sflag:s20] =	ssyncset.done $0x0  }
0x61: {  	[sflag:s20] =	ssyncadd.s32 $0xFFFFC000  }
0x62: {  	[hbm4b:s5+s2] =	stream.linear.scatter [tilespmem:s14], [sflag:$0x5], $0x4000, $0x38;
	[tilespmem:$0x11400] =	vst v63  }
0x63: {  	_ =	swait.ge [sflag:s21], $0x4000  }
0x64: {  	[sflag:s21] =	ssyncset.done $0x0  }
0x65: {  	[sflag:s21] =	ssyncadd.s32 $0xFFFFC000  }
0x66: {  	[hbm4b:s6+s2] =	stream.linear.scatter [tilespmem:s15], [sflag:$0x6], $0x4000, $0x38;
	[tilespmem:$0x11400] =	vst v63  }
0x67: {  	_ =	swait.ge [sflag:s22], $0x4000  }
0x68: {  	[sflag:s22] =	ssyncset.done $0x0  }
0x69: {  	[sflag:s22] =	ssyncadd.s32 $0xFFFFC000  }
0x6a: {  	[hbm4b:s7+s2] =	stream.linear.scatter [tilespmem:s17], [sflag:$0x7], $0x4000, $0x38;
	[tilespmem:$0x11400] =	vst v63  }
0x6b: {  	_ =	swait.ge [sflag:s23], $0x4000  }
0x6c: {  	[sflag:s23] =	ssyncset.done $0x0  }
0x6d: {  	[sflag:s23] =	ssyncadd.s32 $0xFFFFC000  }
0x6e: {  	[hbm4b:s8+s2] =	stream.linear.scatter [tilespmem:s19], [sflag:$0x8], $0x4000, $0x38;
	[tilespmem:$0x11400] =	vst v63  }
0x6f: {  	_ =	swait.ge [sflag:s24], $0x4000  }
0x70: {  	[sflag:s24] =	ssyncset.done $0x0  }
0x71: {  	[sflag:s24] =	ssyncadd.s32 $0xFFFFC000  }
0x72: {  	_ =	swait.ge [sflag:s25], $0x4000  }
0x73: {  	[sflag:s25] =	ssyncset.done $0x0  }
0x74: {  	s29 =	sadd.s32 $0x1, s29;
	[sflag:s25] =	ssyncadd.s32 $0xFFFFC000  }
0x75: {  	p0 =	sne.s32 s29, s9;
	_ =	swait.ge [sflag:s26], $0x4000  }
.Ltmp1:
0x76: {  	[sflag:s26] =	ssyncset.done $0x0;
	(pc) =	sbr.rel @p0 .LBB2_1-.Ltmp1, $4  }
0x77: {  	[sflag:s26] =	ssyncadd.s32 $0xFFFFC000  }
0x78: {  	_ =	swait.ge [sflag:s28], $0x4000  }
0x79: {  	[sflag:s28] =	ssyncset.done $0x0  }
0x7a: {  	[sflag:s28] =	ssyncadd.s32 $0xFFFFC000  }
0x7b: {  	_ =	sfence.sel $0x180000  }
0x7c: {  	[bflag:$0x0] =	sbarrier.arrive $0xFFFF  }
0x7d: {  	_ =	strace $0x90000050  }
0x7e: {  	s0 =	stileid.u32;
	[bflag:$0x2] =	sbarrier.arrive $0xFFFF  }
0x7f: {  	p0 =	sne.s32 s0, $0x0;
	s0 =	rddreg [dreg:$0x1]  }
0x80: {  	s0 =	sadd.s32 @!p0 $0x100000, s0  }
0x81: {  	[sflag:s0] =	ssyncadd.tile.s32 @!p0 $0x1;
	_ =	shalt  }
.Lfunc_end2:
_tile_overlayer_lowered:
.L_overlay_start_2:
0x82: {  	(tag) =	ssettag $0x2  }
0x83: {  	s0 =	rddreg [dreg:$0x0];
	s2 =	stileid.u32  }
0x84: {  	s1 =	rddreg [dreg:$0x1];
	p0 =	sne.s32 s2, $0x0  }
0x85: {  	s3 =	rddreg [dreg:$0x2];
	[bflag:$0x3] =	sbarrier.arrive $0xFFFF;
	s2 =	simm.s32 @!p0 $0x1C09  }
0x86: {  	[timem:s3], [sflag:s2] =	dma.local @!p0 [hbm:s0], s1  }
0x87: {  	s0 =	simm.s32 @!p0 $0x9  }
0x88: {  	_ =	swait.ge @!p0 [sflag:s0], s1  }
0x89: {  	s1 =	ssub.s32 @!p0 $0x0, s1;
	[sflag:s0] =	ssyncset.done @!p0 $0x0  }
0x8a: {  	[sflag:s0] =	ssyncadd.s32 @!p0 s1  }
0x8b: {  	[bflag:$0x3] =	sbarrier.arrive $0xFFFF  }
0x8c: {  	_ =	shalt  }

// kernel: kernel.25.cloned.1.call-start
scs
__scs_entry_jumppad:
0x0: {  	(pc) =	sbr.rel $0x88, $3  }
0x1: {  	(tag) =	ssettag $0x0;
	lr =	simm.s32 $0x1  }
0x2: {  	[smem:$0x3F9F] =	sst lr;
	_ =	strace $0xD0000000  }
0x3: {  	_ = 	snop  }
0x4: {  	_ = 	snop  }
0x5: {  	_ = 	snop  }
0x6: {  	_ = 	snop  }
0x7: {  	_ = 	snop  }
__scs_overlays_trampoline_lowered:
0x8: {  	[smem:$0x3FAE] =	sst s0  }
0x9: {  	[smem:$0x3FAF] =	sst s1  }
0xa: {  	[smem:$0x3FB0] =	sst s2  }
0xb: {  	[smem:$0x3FB1] =	sst s3  }
0xc: {  	[smem:$0x3FB2] =	sst s4  }
0xd: {  	[smem:$0x3FB3] =	sst s5  }
0xe: {  	[smem:$0x3FB4] =	sst s6  }
0xf: {  	[smem:$0x3FB5] =	sst s7  }
0x10: {  	[smem:$0x3FB6] =	sst s8  }
0x11: {  	[smem:$0x3FB7] =	sst s9;
	s0 =	simm.s32 @!p0 $0x0  }
0x12: {  	s1 =	sld [smem:$0x3F9D];
	s0 =	simm.s32 @p0 $0x1  }
0x13: {  	[smem:$0x3FB8] =	sst s0;
	s0 =	simm.s32 @!p1 $0x0  }
0x14: {  	s2 =	sld [smem:$0x3F9C];
	s0 =	simm.s32 @p1 $0x1  }
0x15: {  	[smem:$0x3FB9] =	sst s0;
	s0 =	simm.s32 @!p2 $0x0  }
0x16: {  	s3 =	sld [smem:$0x3FDB];
	s0 =	simm.s32 @p2 $0x1  }
0x17: {  	s4 =	simm.s32 $0x1BF5;
	[smem:$0x3FBB] =	sst s0  }
0x18: {  	s0 =	sld [smem:$0x3F9E];
	_ =	swait.ge [sflag:s4], $0x0  }
0x19: {  	s7 =	sld [smem:$0x3F9F]  }
0x1a: {  	s8 =	sadd.s32 $0xFFFFE003, lr  }
0x1b: {  	s9 =	sadd.s32 $0xFFFFFEF7, lr;
	s5 =	simm.s32 $0xFFFFFFFF;
	p2 =	slt.u32 s8, $0xFFFFF086  }
0x1c: {  	p1 =	slt.u32 s9, $0xF7A;
	s5 =	simm.s32 @!p2 $0x0  }
0x1d: {  	s5 =	simm.s32 @p1 $0x1;
	p0 =	seq.s32 s7, s2  }
0x1e: {  	s7 =	smul.u32 @!p0 $0xF7A, s2;
	p2 =	seq.s32 @!p0 s5, $0x0  }
0x1f: {  	s9 =	smul.u32 $0xF7A, s1;
	s8 =	simm.s32 @!p0 $0x1BF5;
	p2 =	por !p2, p0  }
0x20: {  	[sflag:s8] =	ssyncset.s32 @!p0 $0xFFFFF086;
	s6 =	sadd.s32 @!p0 s3, s7;
	s7 =	simm.s32 @!p0 $0x108  }
0x21: {  	s3 =	sadd.s32 s3, s9;
	s6 =	sadd.s32 @!p0 $0x88, s6;
	s7 =	simm.s32 @p2 $0x1082  }
0x22: {  	[simem:s7], [sflag:s8] =	dma.local @!p0 [hbm:s6], $0xF7A  }
0x23: {  	s9 =	sor.u32 $0xD0000000, s2;
	s6 =	simm.s32 $0x108;
	_ =	swait.ge @!p0 [sflag:s8], $0x0  }
0x24: {  	s3 =	sadd.s32 $0x88, s3;
	s6 =	simm.s32 @!p1 $0x1082;
	[sflag:s4] =	ssyncset.s32 $0xFFFFF086  }
0x25: {  	[simem:s6], [sflag:s4] =	dma.local [hbm:s3], $0xF7A  }
0x26: {  	[smem:$0x3F9F] =	sst s1;
	(tag) =	ssettag s2;
	_ =	strace s9  }
0x27: {  	s1 =	sld [smem:$0x3FAF]  }
0x28: {  	s2 =	sld [smem:$0x3FB0]  }
0x29: {  	s4 =	sld [smem:$0x3FB2]  }
0x2a: {  	p0 =	seq.s32 s5, $0x0;
	s5 =	sld [smem:$0x3FB3]  }
0x2b: {  	s6 =	sld [smem:$0x3FB4]  }
0x2c: {  	s7 =	sld [smem:$0x3FB5]  }
0x2d: {  	s3 =	simm.s32 $0x108;
	s8 =	sld [smem:$0x3FB6]  }
0x2e: {  	s3 =	simm.s32 @!p0 $0x1082;
	s9 =	sld [smem:$0x3FB7]  }
0x2f: {  	lr =	sadd.s32 s0, s3;
	s0 =	sld [smem:$0x3FAE]  }
0x30: {  	s3 =	sld [smem:$0x3FB1]  }
0x31: {  	[smem:$0x3FBA] =	sst s10  }
0x32: {  	s10 =	sld [smem:$0x3FB8];
	_ =	sdelay $0x3  }
0x33: {  	p0 =	seq.s32 s10, $0x1;
	s10 =	sld [smem:$0x3FBA];
	_ =	sdelay $0x3  }
0x34: {  	[smem:$0x3FBA] =	sst s10  }
0x35: {  	s10 =	sld [smem:$0x3FB9];
	_ =	sdelay $0x3  }
0x36: {  	p1 =	seq.s32 s10, $0x1;
	s10 =	sld [smem:$0x3FBA];
	_ =	sdelay $0x3  }
0x37: {  	[smem:$0x3FBA] =	sst s10  }
0x38: {  	s10 =	sld [smem:$0x3FBB]  }
0x39: {  	_ = 	snop;
	(pc) =	sbr.ind lr, $3  }
0x3a: {  	_ = 	snop  }
0x3b: {  	_ = 	snop  }
0x3c: {  	p2 =	seq.s32 s10, $0x1;
	s10 =	sld [smem:$0x3FBA]  }
0x3d: {  	_ =	shalt  }
0x3e: {  	_ =	shalt  }
0x3f: {  	_ =	shalt  }
0x40: {  	_ =	shalt  }
0x41: {  	_ =	shalt  }
0x42: {  	_ =	shalt  }
0x43: {  	_ =	shalt  }
0x44: {  	_ =	shalt  }
0x45: {  	_ =	shalt  }
0x46: {  	_ =	shalt  }
0x47: {  	_ =	shalt  }
0x48: {  	_ =	shalt  }
0x49: {  	_ =	shalt  }
0x4a: {  	_ =	shalt  }
0x4b: {  	_ =	shalt  }
0x4c: {  	_ =	shalt  }
0x4d: {  	_ =	shalt  }
0x4e: {  	_ =	shalt  }
0x4f: {  	_ =	shalt  }
0x50: {  	_ =	shalt  }
0x51: {  	_ =	shalt  }
0x52: {  	_ =	shalt  }
0x53: {  	_ =	shalt  }
0x54: {  	_ =	shalt  }
0x55: {  	_ =	shalt  }
0x56: {  	_ =	shalt  }
0x57: {  	_ =	shalt  }
0x58: {  	_ =	shalt  }
0x59: {  	_ =	shalt  }
0x5a: {  	_ =	shalt  }
0x5b: {  	_ =	shalt  }
0x5c: {  	_ =	shalt  }
0x5d: {  	_ =	shalt  }
0x5e: {  	_ =	shalt  }
0x5f: {  	_ =	shalt  }
0x60: {  	_ =	shalt  }
0x61: {  	_ =	shalt  }
0x62: {  	_ =	shalt  }
0x63: {  	_ =	shalt  }
0x64: {  	_ =	shalt  }
0x65: {  	_ =	shalt  }
0x66: {  	_ =	shalt  }
0x67: {  	_ =	shalt  }
0x68: {  	_ =	shalt  }
0x69: {  	_ =	shalt  }
0x6a: {  	_ =	shalt  }
0x6b: {  	_ =	shalt  }
0x6c: {  	_ =	shalt  }
0x6d: {  	_ =	shalt  }
0x6e: {  	_ =	shalt  }
0x6f: {  	_ =	shalt  }
0x70: {  	_ =	shalt  }
0x71: {  	_ =	shalt  }
0x72: {  	_ =	shalt  }
0x73: {  	_ =	shalt  }
0x74: {  	_ =	shalt  }
0x75: {  	_ =	shalt  }
0x76: {  	_ =	shalt  }
0x77: {  	_ =	shalt  }
0x78: {  	_ =	shalt  }
0x79: {  	_ =	shalt  }
0x7a: {  	_ =	shalt  }
0x7b: {  	_ =	shalt  }
0x7c: {  	_ =	shalt  }
0x7d: {  	_ =	shalt  }
0x7e: {  	_ =	shalt  }
0x7f: {  	_ =	shalt  }
0x80: {  	_ =	shalt  }
0x81: {  	_ =	shalt  }
0x82: {  	_ =	shalt  }
0x83: {  	_ =	shalt  }
0x84: {  	_ =	shalt  }
0x85: {  	_ =	shalt  }
0x86: {  	_ =	shalt  }
0x87: {  	_ =	shalt  }
.Lfunc_end0:
.L_simem_size_0:
called_computation.4_lowered:
.L_overlay_start_0:
0x88: {  	s2 =	sld [smem:$0x3FD9]  }
0x89: {  	s3 =	sld [smem:$0x3FFE];
	_ =	sdelay $0x1  }
0x8a: {  	s1 =	srdreg.scid  }
0x8b: {  	s0 =	sand.u32 $0x1, s1  }
0x8c: {  	s17 =	sshll.u32 s0, $0xA;
	s2 =	sadd.s32 s3, s2  }
0x8d: {  	s2 =	sadd.s32 s2, s17  }
0x8e: {  	[smem:$0x3FC6] =	sst s2  }
0x8f: {  	_ = 	snop  }
0x90: {  	(tm) =	ssettm $0x1  }
0x91: {  	s18 =	sld [smem:$0x3FFB];
	_ =	sdelay $0x3  }
0x92: {  	_ =	strace s18  }
0x93: {  	s2 =	sld [smem:$0x3FFC];
	_ =	sdelay $0x3  }
0x94: {  	_ =	strace s2  }
0x95: {  	s2 =	sld [smem:$0x3FFD];
	_ =	sdelay $0x3  }
0x96: {  	_ =	strace s2  }
0x97: {  	_ =	strace $0x8FFFFFFF  }
0x98: {  	s19 =	sld [smem:$0x3FDB];
	_ =	sdelay $0x1  }
0x99: {  	s20 =	simm.s32 $_scs_section_size  }
0x9a: {  	s4 =	simm.s32 $_size__tile_overlayer_lowered;
	s5 =	simm.s32 $_tile_overlayer_lowered  }
0x9b: {  	s6 =	simm.s32 $0x1BFF;
	s21 =	sshll.u32 s5, $0x1;
	s3 =	sadd.s32 s20, s19  }
0x9c: {  	s22 =	simm.s32 $0x0;
	s4 =	sshll.u32 s4, $0x1;
	s5 =	sadd.s32 s21, s3  }
0x9d: {  	[timem:s22], [sflag:s6] =	dma.local [hbm:s5], s4  }
0x9e: {  	_ =	swait.ge [sflag:s6], s4  }
0x9f: {  	s4 =	ssub.s32 $0x0, s4;
	[sflag:s6] =	ssyncset.done $0x0  }
0xa0: {  	[sflag:s6] =	ssyncadd.s32 s4;
	_ =	sdelay $0x1  }
0xa1: {  	s23 =	simm.s32 $0x1B8B  }
0xa2: {  	_ =	swait.ge [sflag:s23], $0x1  }
0xa3: {  	[sflag:s23] =	ssyncset.done $0x0  }
0xa4: {  	[sflag:s23] =	ssyncadd.s32 $0xFFFFFFFF  }
0xa5: {  	s4 =	sld [smem:$0x0]  }
0xa6: {  	s5 =	sand.u32 $0xFFFFFFFE, s1  }
0xa7: {  	p0 =	sne.s32 s1, s5  }
0xa8: {  	s5 =	sshll.u32 @p0 s5, $0xE  }
0xa9: {  	s5 =	sadd.s32 @p0 $0x11B8D, s5;
	s6 =	sshll.u32 @p0 s4, $0x11  }
0xaa: {  	s5 =	sor.u32 @p0 s6, s5  }
0xab: {  	[sflag:s5] =	ssyncadd.remote.s32 @p0 $0x1;
	_ =	sdelay $0x1  }
0xac: {  	s5 =	simm.s32 @p0 $0x1B8D  }
0xad: {  	_ =	swait.eq @p0 [sflag:s5], $0x1  }
0xae: {  	[sflag:s5] =	ssyncadd.s32 @p0 $0xFFFFFFFF  }
0xaf: {  	s6 =	sshll.u32 @!p0 s1, $0xE  }
0xb0: {  	s6 =	sor.u32 @!p0 $0x4000, s6;
	s5 =	simm.s32 @!p0 $0x1B8D  }
0xb1: {  	s4 =	sshll.u32 @!p0 s4, $0x11;
	s6 =	sadd.s32 @!p0 $0x11B8D, s6;
	_ =	swait.eq @!p0 [sflag:s5], $0x1  }
0xb2: {  	s4 =	sor.u32 @!p0 s4, s6;
	[sflag:s5] =	ssyncadd.s32 @!p0 $0xFFFFFFFF  }
0xb3: {  	s25 =	simm.s32 $0x1B8E;
	s24 =	sld [smem:$0x3FFE];
	[sflag:s4] =	ssyncadd.remote.s32 @!p0 $0x1  }
0xb4: {  	s26 =	simm.s32 $execute0_lowered;
	[smem:$0x3FD2] =	sst s25  }
0xb5: {  	s5 =	sshll.u32 s26, $0x1;
	_ =	strace $0x80000052;
	[dreg:$0x1] =	wrdreg $0xFFFFFFFF  }
0xb6: {  	s28 =	simm.s32 $_size_execute0_lowered;
	s3 =	sadd.s32 s3, s5;
	[dreg:$0x0] =	wrdreg $0x0  }
0xb7: {  	s5 =	sshll.u32 s28, $0x1;
	[dreg:$0x2] =	wrdreg s3  }
0xb8: {  	[dreg:$0x3] =	wrdreg s5  }
0xb9: {  	[dreg:$0x4] =	wrdreg $0xC0  }
0xba: {  	_ =	task [dreg:s22], $0x5FFFF  }
0xbb: {  	[dreg:$0x1] =	wrdreg $0xFFFFFFFF  }
0xbc: {  	[dreg:$0x0] =	wrdreg $0x60  }
0xbd: {  	[dreg:$0x2] =	wrdreg s24  }
0xbe: {  	[dreg:$0x3] =	wrdreg $0xD  }
0xbf: {  	_ =	task.clear_ibuf [dreg:s22], $0x4FFFF;
	_ =	strace $0x90000052  }
0xc0: {  	s29 =	simm.s32 $0xD;
	_ =	strace $0x80000054  }
0xc1: {  	_ =	swait.ge [sflag:s29], $0x1  }
0xc2: {  	[sflag:s29] =	ssyncadd.s32 $0xFFFFFFFF  }
0xc3: {  	_ =	strace $0x90000054  }
0xc4: {  	_ =	sfence  }
0xc5: {  	s30 =	sld [smem:$0x0];
	_ =	sdelay $0x2  }
0xc6: {  	s31 =	sshll.u32 s1, $0xD;
	s1 =	sshrl.u32 s1, $0x2  }
0xc7: {  	s4 =	sand.u32 $0x4000, s31;
	s1 =	sadd.s32 s1, s30  }
0xc8: {  	s0 =	sor.u32 s4, s0;
	s1 =	sshll.u32 s1, $0x11  }
0xc9: {  	s0 =	sor.u32 s1, s0  }
0xca: {  	s0 =	sadd.s32 $0x8F2B, s0  }
0xcb: {  	[sflag:s0] =	ssyncadd.remote.s32 $0x1  }
0xcc: {  	_ =	sfence.sel $0xFFFF  }
0xcd: {  	[dreg:$0x0] =	wrdreg $0xFFFFFFFF;
	(pc) =	sbr.abs _section_cstart, $3  }
0xce: {  	[dreg:$0x1] =	wrdreg $0xFFFFFFFF  }
0xcf: {  	_ =	task.clear_ibuf [dreg:s22], $0x2FFFF;
	_ =	strace $0x9FFFFFFF  }
0xd0: {  	(tm) =	ssettm $0x7FFFFFFF  }
0xd1: {  	_ =	shalt  }
tec
execute0_lowered:
.L_overlay_start_1:
0x0: {  	(tag) =	ssettag $0x1  }
0x1: {  	s1 =	srdreg.scid  }
0x2: {  	s0 =	stileid.u32;
	s4 =	rddreg [dreg:$0x0]  }
0x3: {  	s2 =	simm.s32 $0x0;
	s14 =	simm.s32 $0x1400;
	s15 =	simm.s32 $0x5400  }
0x4: {  	s17 =	simm.s32 $0x9400;
	s18 =	simm.s32 $0x180;
	s19 =	simm.s32 $0xD400  }
0x5: {  	s20 =	simm.s32 $0x1;
	s21 =	simm.s32 $0x2;
	s22 =	simm.s32 $0x3  }
0x6: {  	s23 =	simm.s32 $0x4;
	s24 =	simm.s32 $0x5;
	s25 =	simm.s32 $0x6  }
0x7: {  	s26 =	simm.s32 $0x7;
	s28 =	simm.s32 $0x8;
	s8 =	smul.u32 $0x140000, s0  }
0x8: {  	s1 =	sand.u32 $0x1, s1;
	s3 =	sshll.u32 s0, $0x1;
	s13 =	smul.u32 $0x28000, s0  }
0x9: {  	[smem:$0x7FF] =	sst s2;
	s11 =	sadd.s32 $0x1957C00, s4;
	s12 =	smul.u32 $0xA0000, s1  }
0xa: {  	s5 =	sor.u32 s1, s3;
	s30 =	ssub.s32 $0x2, s1;
	s1 =	smul.u32 $0x14000, s1  }
0xb: {  	s29 =	simm.s32 $0x0;
	_ =	strace $0x80000053;
	s6 =	smul.u32 $0x1400, s5  }
0xc: {  	s3 =	sadd.s32 $0x1800, s4;
	s5 =	smul.u32 $0xA0000, s5;
	s7 =	sshrl.u32 s30, $0x1  }
0xd: {  	s9 =	ssub.s32 s30, s7;
	s12 =	sadd.s32 s12, s8;
	s6 =	sshrl.u32 s6, $0x3  }
0xe: {  	s5 =	sshrl.u32 s5, $0x3;
	s31 =	sshrl.u32 s12, $0x3;
	s6 =	sadd.s32 s6, s4  }
0xf: {  	s9 =	smax.u32 s9, $0x1;
	s10 =	sadd.s32 s11, s5;
	s4 =	sadd.s32 $0x11D2C00, s6  }
0x10: {  	s5 =	sadd.s32 $0x12000, s10;
	s6 =	sadd.s32 $0x12800, s10;
	s7 =	sadd.s32 $0x13000, s10  }
0x11: {  	s8 =	sadd.s32 $0x13800, s10;
	s10 =	sadd.s32 s31, s11;
	s11 =	sadd.s32 s13, s11  }
0x12: {  	s12 =	simm.s32 $0x9;
	s13 =	simm.s32 $0x80;
	s11 =	sadd.s32 s1, s11  }
.LBB2_1:
0x13: {  	[tilespmem:s2], [sflag:$0x9] =	stream.linear.gather [hbm4b:s4+s2], $0x1400, $0x38;
	[tilespmem:$0x11400] =	vst v63  }
0x14: {  	_ =	swait.ge [sflag:s12], $0x1400  }
0x15: {  	[sflag:s12] =	ssyncset.done $0x0  }
0x16: {  	[sflag:s12] =	ssyncadd.s32 $0xFFFFEC00  }
0x17: {  	[tilespmem:s14], [sflag:$0x1] =	stream.indirect.gather [hbm4b:s3+s13], $0x80, s2, s13, $0xb8;
	[tilespmem:$0x11400] =	vst v63  }
0x18: {  	_ = 	snop  }
0x19: {  	[tilespmem:s15], [sflag:$0x2] =	stream.indirect.gather [hbm4b:s3+s13], $0x80, s13, s13, $0xb8;
	[tilespmem:$0x11400] =	vst v63  }
0x1a: {  	s0 =	simm.s32 $0x100  }
0x1b: {  	[tilespmem:s17], [sflag:$0x3] =	stream.indirect.gather [hbm4b:s3+s13], $0x80, s0, s13, $0xb8;
	[tilespmem:$0x11400] =	vst v63  }
0x1c: {  	_ = 	snop  }
0x1d: {  	[tilespmem:s19], [sflag:$0x4] =	stream.indirect.gather [hbm4b:s3+s13], $0x80, s18, s13, $0xb8;
	[tilespmem:$0x11400] =	vst v63  }
0x1e: {  	_ =	swait.ge [sflag:s20], $0x4000  }
0x1f: {  	[sflag:s20] =	ssyncset.done $0x0  }
0x20: {  	s1 =	sadd.s32 $0x0, s10;
	[sflag:s20] =	ssyncadd.s32 $0xFFFFC000  }
0x21: {  	[hbm4b:s1+s2] =	stream.linear.scatter [tilespmem:s14], [sflag:$0x5], $0x4000, $0x38;
	[tilespmem:$0x11400] =	vst v63  }
0x22: {  	_ =	swait.ge [sflag:s21], $0x4000  }
0x23: {  	s0 =	sadd.s32 $0x0, s11;
	[sflag:s21] =	ssyncset.done $0x0  }
0x24: {  	s30 =	sadd.s32 $0x800, s0;
	[sflag:s21] =	ssyncadd.s32 $0xFFFFC000  }
0x25: {  	[hbm4b:s30+s2] =	stream.linear.scatter [tilespmem:s15], [sflag:$0x6], $0x4000, $0x38;
	[tilespmem:$0x11400] =	vst v63  }
0x26: {  	_ =	swait.ge [sflag:s22], $0x4000  }
0x27: {  	[sflag:s22] =	ssyncset.done $0x0  }
0x28: {  	s30 =	sadd.s32 $0x1000, s0;
	[sflag:s22] =	ssyncadd.s32 $0xFFFFC000  }
0x29: {  	[hbm4b:s30+s2] =	stream.linear.scatter [tilespmem:s17], [sflag:$0x7], $0x4000, $0x38;
	[tilespmem:$0x11400] =	vst v63  }
0x2a: {  	_ =	swait.ge [sflag:s23], $0x4000  }
0x2b: {  	[sflag:s23] =	ssyncset.done $0x0  }
0x2c: {  	s1 =	sadd.s32 $0x1800, s0;
	[sflag:s23] =	ssyncadd.s32 $0xFFFFC000  }
0x2d: {  	[hbm4b:s1+s2] =	stream.linear.scatter [tilespmem:s19], [sflag:$0x8], $0x4000, $0x38;
	[tilespmem:$0x11400] =	vst v63  }
0x2e: {  	_ =	swait.ge [sflag:s24], $0x4000  }
0x2f: {  	[sflag:s24] =	ssyncset.done $0x0  }
0x30: {  	s16 =	simm.s32 $0x200;
	[sflag:s24] =	ssyncadd.s32 $0xFFFFC000  }
0x31: {  	[tilespmem:s14], [sflag:$0x1] =	stream.indirect.gather [hbm4b:s3+s13], $0x80, s16, s13, $0xb8;
	[tilespmem:$0x11400] =	vst v63  }
0x32: {  	_ =	swait.ge [sflag:s25], $0x4000  }
0x33: {  	[sflag:s25] =	ssyncset.done $0x0  }
0x34: {  	s0 =	simm.s32 $0x280;
	[sflag:s25] =	ssyncadd.s32 $0xFFFFC000  }
0x35: {  	[tilespmem:s15], [sflag:$0x2] =	stream.indirect.gather [hbm4b:s3+s13], $0x80, s0, s13, $0xb8;
	[tilespmem:$0x11400] =	vst v63  }
0x36: {  	_ =	swait.ge [sflag:s26], $0x4000  }
0x37: {  	[sflag:s26] =	ssyncset.done $0x0  }
0x38: {  	s16 =	simm.s32 $0x300;
	[sflag:s26] =	ssyncadd.s32 $0xFFFFC000  }
0x39: {  	[tilespmem:s17], [sflag:$0x3] =	stream.indirect.gather [hbm4b:s3+s13], $0x80, s16, s13, $0xb8;
	[tilespmem:$0x11400] =	vst v63  }
0x3a: {  	_ =	swait.ge [sflag:s28], $0x4000  }
0x3b: {  	s31 =	simm.s32 $0x2000;
	[sflag:s28] =	ssyncset.done $0x0  }
0x3c: {  	s30 =	simm.s32 $0x380;
	s1 =	simm.s32 $0x580;
	[sflag:s28] =	ssyncadd.s32 $0xFFFFC000  }
.LBB2_2:
0x3d: {  	[tilespmem:s19], [sflag:$0x4] =	stream.indirect.gather [hbm4b:s3+s13], $0x80, s30, s13, $0xb8;
	[tilespmem:$0x11400] =	vst v63  }
0x3e: {  	s0 =	smov.u32 s31;
	s30 =	smov.u32 s1  }
0x3f: {  	p0 =	sne.s32 s31, $0x10000;
	s31 =	sadd.s32 $0x2000, s31;
	_ =	swait.ge [sflag:s20], $0x4000  }
0x40: {  	[sflag:s20] =	ssyncset.done $0x0  }
0x41: {  	s16 =	sadd.s32 s0, s10;
	[sflag:s20] =	ssyncadd.s32 $0xFFFFC000  }
0x42: {  	[hbm4b:s16+s2] =	stream.linear.scatter [tilespmem:s14], [sflag:$0x5], $0x4000, $0x38;
	[tilespmem:$0x11400] =	vst v63  }
0x43: {  	_ =	swait.ge [sflag:s21], $0x4000  }
0x44: {  	s0 =	sadd.s32 s0, s11;
	[sflag:s21] =	ssyncset.done $0x0  }
0x45: {  	s16 =	sadd.s32 $0x800, s0;
	[sflag:s21] =	ssyncadd.s32 $0xFFFFC000  }
0x46: {  	[hbm4b:s16+s2] =	stream.linear.scatter [tilespmem:s15], [sflag:$0x6], $0x4000, $0x38;
	[tilespmem:$0x11400] =	vst v63  }
0x47: {  	_ =	swait.ge [sflag:s22], $0x4000  }
0x48: {  	[sflag:s22] =	ssyncset.done $0x0  }
0x49: {  	s16 =	sadd.s32 $0x1000, s0;
	[sflag:s22] =	ssyncadd.s32 $0xFFFFC000  }
0x4a: {  	[hbm4b:s16+s2] =	stream.linear.scatter [tilespmem:s17], [sflag:$0x7], $0x4000, $0x38;
	[tilespmem:$0x11400] =	vst v63  }
0x4b: {  	_ =	swait.ge [sflag:s23], $0x4000  }
0x4c: {  	[sflag:s23] =	ssyncset.done $0x0  }
0x4d: {  	s0 =	sadd.s32 $0x1800, s0;
	[sflag:s23] =	ssyncadd.s32 $0xFFFFC000  }
0x4e: {  	[hbm4b:s0+s2] =	stream.linear.scatter [tilespmem:s19], [sflag:$0x8], $0x4000, $0x38;
	[tilespmem:$0x11400] =	vst v63  }
0x4f: {  	_ =	swait.ge [sflag:s24], $0x4000  }
0x50: {  	[sflag:s24] =	ssyncset.done $0x0  }
0x51: {  	s0 =	sadd.s32 $0xFFFFFE80, s1;
	[sflag:s24] =	ssyncadd.s32 $0xFFFFC000  }
0x52: {  	[tilespmem:s14], [sflag:$0x1] =	stream.indirect.gather [hbm4b:s3+s13], $0x80, s0, s13, $0xb8;
	[tilespmem:$0x11400] =	vst v63  }
0x53: {  	_ =	swait.ge [sflag:s25], $0x4000  }
0x54: {  	[sflag:s25] =	ssyncset.done $0x0  }
0x55: {  	s0 =	sadd.s32 $0xFFFFFF00, s1;
	[sflag:s25] =	ssyncadd.s32 $0xFFFFC000  }
0x56: {  	[tilespmem:s15], [sflag:$0x2] =	stream.indirect.gather [hbm4b:s3+s13], $0x80, s0, s13, $0xb8;
	[tilespmem:$0x11400] =	vst v63  }
0x57: {  	_ =	swait.ge [sflag:s26], $0x4000  }
0x58: {  	[sflag:s26] =	ssyncset.done $0x0  }
.Ltmp0:
0x59: {  	s0 =	sadd.s32 $0xFFFFFF80, s1;
	[sflag:s26] =	ssyncadd.s32 $0xFFFFC000;
	(pc) =	sbr.rel @p0 .LBB2_2-.Ltmp0, $4  }
0x5a: {  	[tilespmem:s17], [sflag:$0x3] =	stream.indirect.gather [hbm4b:s3+s13], $0x80, s0, s13, $0xb8;
	[tilespmem:$0x11400] =	vst v63  }
0x5b: {  	_ =	swait.ge [sflag:s28], $0x4000  }
0x5c: {  	[sflag:s28] =	ssyncset.done $0x0  }
0x5d: {  	s1 =	sadd.s32 $0x200, s1;
	[sflag:s28] =	ssyncadd.s32 $0xFFFFC000  }
0x5e: {  	[tilespmem:s19], [sflag:$0x4] =	stream.indirect.gather [hbm4b:s3+s13], $0x80, s30, s13, $0xb8;
	[tilespmem:$0x11400] =	vst v63  }
0x5f: {  	_ =	swait.ge [sflag:s20], $0x4000  }
0x60: {  	[sflag:s20] =	ssyncset.done $0x0  }
0x61: {  	[sflag:s20] =	ssyncadd.s32 $0xFFFFC000  }
0x62: {  	[hbm4b:s5+s2] =	stream.linear.scatter [tilespmem:s14], [sflag:$0x5], $0x4000, $0x38;
	[tilespmem:$0x11400] =	vst v63  }
0x63: {  	_ =	swait.ge [sflag:s21], $0x4000  }
0x64: {  	[sflag:s21] =	ssyncset.done $0x0  }
0x65: {  	[sflag:s21] =	ssyncadd.s32 $0xFFFFC000  }
0x66: {  	[hbm4b:s6+s2] =	stream.linear.scatter [tilespmem:s15], [sflag:$0x6], $0x4000, $0x38;
	[tilespmem:$0x11400] =	vst v63  }
0x67: {  	_ =	swait.ge [sflag:s22], $0x4000  }
0x68: {  	[sflag:s22] =	ssyncset.done $0x0  }
0x69: {  	[sflag:s22] =	ssyncadd.s32 $0xFFFFC000  }
0x6a: {  	[hbm4b:s7+s2] =	stream.linear.scatter [tilespmem:s17], [sflag:$0x7], $0x4000, $0x38;
	[tilespmem:$0x11400] =	vst v63  }
0x6b: {  	_ =	swait.ge [sflag:s23], $0x4000  }
0x6c: {  	[sflag:s23] =	ssyncset.done $0x0  }
0x6d: {  	[sflag:s23] =	ssyncadd.s32 $0xFFFFC000  }
0x6e: {  	[hbm4b:s8+s2] =	stream.linear.scatter [tilespmem:s19], [sflag:$0x8], $0x4000, $0x38;
	[tilespmem:$0x11400] =	vst v63  }
0x6f: {  	_ =	swait.ge [sflag:s24], $0x4000  }
0x70: {  	[sflag:s24] =	ssyncset.done $0x0  }
0x71: {  	[sflag:s24] =	ssyncadd.s32 $0xFFFFC000  }
0x72: {  	_ =	swait.ge [sflag:s25], $0x4000  }
0x73: {  	[sflag:s25] =	ssyncset.done $0x0  }
0x74: {  	s29 =	sadd.s32 $0x1, s29;
	[sflag:s25] =	ssyncadd.s32 $0xFFFFC000  }
0x75: {  	p0 =	sne.s32 s29, s9;
	_ =	swait.ge [sflag:s26], $0x4000  }
.Ltmp1:
0x76: {  	[sflag:s26] =	ssyncset.done $0x0;
	(pc) =	sbr.rel @p0 .LBB2_1-.Ltmp1, $4  }
0x77: {  	[sflag:s26] =	ssyncadd.s32 $0xFFFFC000  }
0x78: {  	_ =	swait.ge [sflag:s28], $0x4000  }
0x79: {  	[sflag:s28] =	ssyncset.done $0x0  }
0x7a: {  	[sflag:s28] =	ssyncadd.s32 $0xFFFFC000  }
0x7b: {  	_ =	sfence.sel $0x180000  }
0x7c: {  	[bflag:$0x0] =	sbarrier.arrive $0xFFFF  }
0x7d: {  	_ =	strace $0x90000053  }
0x7e: {  	s0 =	stileid.u32;
	[bflag:$0x2] =	sbarrier.arrive $0xFFFF  }
0x7f: {  	p0 =	sne.s32 s0, $0x0;
	s0 =	rddreg [dreg:$0x1]  }
0x80: {  	s0 =	sadd.s32 @!p0 $0x100000, s0  }
0x81: {  	[sflag:s0] =	ssyncadd.tile.s32 @!p0 $0x1;
	_ =	shalt  }
.Lfunc_end2:
_tile_overlayer_lowered:
.L_overlay_start_2:
0x82: {  	(tag) =	ssettag $0x2  }
0x83: {  	s0 =	rddreg [dreg:$0x0];
	s2 =	stileid.u32  }
0x84: {  	s1 =	rddreg [dreg:$0x1];
	p0 =	sne.s32 s2, $0x0  }
0x85: {  	s3 =	rddreg [dreg:$0x2];
	[bflag:$0x3] =	sbarrier.arrive $0xFFFF;
	s2 =	simm.s32 @!p0 $0x1C09  }
0x86: {  	[timem:s3], [sflag:s2] =	dma.local @!p0 [hbm:s0], s1  }
0x87: {  	s0 =	simm.s32 @!p0 $0x9  }
0x88: {  	_ =	swait.ge @!p0 [sflag:s0], s1  }
0x89: {  	s1 =	ssub.s32 @!p0 $0x0, s1;
	[sflag:s0] =	ssyncset.done @!p0 $0x0  }
0x8a: {  	[sflag:s0] =	ssyncadd.s32 @!p0 s1  }
0x8b: {  	[bflag:$0x3] =	sbarrier.arrive $0xFFFF  }
0x8c: {  	_ =	shalt  }

</sc_bundles>
